<compile_context>
chip_gen: v7x
topology: tpu7x:2x2x1
jax: 0.10.2.dev20260603
libtpu: 0.0.44.dev20260713+nightly
codegen_flags: <defaults>
</compile_context>

<pallas_src>
import functools

import jax
import jax.numpy as jnp
from jax import lax
from jax.experimental import pallas as pl
from jax.experimental.pallas import tpu as pltpu
from jax.experimental.pallas import tpu_sc as plsc

SEMANTIC = 4098
ACOUSTIC = 2050
NCB = 9
SEQ = 2048
D = 1024
NW = 32
LANES = 16
CHUNK = 48


def _sc_body(b_per_w, ids_hbm, table_hbm, out_hbm, idx_v,
             rows0, rows1, gsem0, gsem1, ssem0, ssem1):
    wid = lax.axis_index("s") * 2 + lax.axis_index("c")
    base = wid * b_per_w
    pltpu.sync_copy(ids_hbm.at[pl.ds(base, b_per_w)], idx_v)

    lane = lax.iota(jnp.int32, LANES)

    def add_off(i, carry):
        p = base + i * LANES + lane
        c = (p >> 11) % NCB
        off = jnp.where(c == 0, 0, SEMANTIC + (c - 1) * ACOUSTIC)
        idx_v[pl.ds(i * LANES, LANES)] = idx_v[pl.ds(i * LANES, LANES)] + off
        return carry

    lax.fori_loop(0, b_per_w // LANES, add_off, 0)

    nchunk = b_per_w // CHUNK
    rows = (rows0, rows1)
    gsem = (gsem0, gsem1)
    ssem = (ssem0, ssem1)

    def start_gather(ci):
        idx_c = idx_v.at[pl.ds(ci * CHUNK, CHUNK)]
        return pltpu.async_copy(table_hbm.at[idx_c], rows[ci % 2], gsem[ci % 2])

    gh = {0: start_gather(0)}
    sh = {}
    for ci in range(nchunk):
        if ci + 1 < nchunk:
            if ci >= 1:
                sh[ci - 1].wait()
            gh[ci + 1] = start_gather(ci + 1)
        gh[ci].wait()
        sh[ci] = pltpu.async_copy(
            rows[ci % 2], out_hbm.at[pl.ds(base + ci * CHUNK, CHUNK)],
            ssem[ci % 2])
    sh[nchunk - 2].wait()
    sh[nchunk - 1].wait()


def _make_gather(b_total):
    b_per_w = b_total // NW
    mesh = plsc.VectorSubcoreMesh(core_axis_name="c", subcore_axis_name="s")
    return functools.partial(
        pl.kernel,
        mesh=mesh,
        out_type=jax.ShapeDtypeStruct((b_total, D), jnp.float32),
        scratch_types=[
            pltpu.VMEM((b_per_w,), jnp.int32),
            pltpu.VMEM((CHUNK, D), jnp.float32),
            pltpu.VMEM((CHUNK, D), jnp.float32),
            pltpu.SemaphoreType.DMA,
            pltpu.SemaphoreType.DMA,
            pltpu.SemaphoreType.DMA,
            pltpu.SemaphoreType.DMA,
        ],
    )(functools.partial(_sc_body, b_per_w))


def kernel(input_ids, emb_table):
    shape = input_ids.shape
    ids = input_ids.reshape(-1).astype(jnp.int32)
    out = _make_gather(ids.shape[0])(ids, emb_table)
    return out.reshape(shape + (D,))

# --- scband reference (transcript-rebuilt; emitter-appended) ---
"""Pipeline reference for scband-multi-vocab-embeddings-1219770712163 (READ-ONLY COPY).

The authoritative reference and input builder live on the scoring server;
editing this copy changes nothing except your own understanding.
"""

import jax, jax.numpy as jnp
import numpy as np

SEMANTIC_CB = 4096
ACOUSTIC_CB = 2048
N_ACOUSTIC = 8
N_SPECIAL = 2  # [EMPTY_AUDIO], [END_AUDIO]
EMBED_DIM = 1024
BATCH = 2
SEQ = 2048

def _codebook_sizes():
    # get_codebook_sizes(pad_to_multiple=None, include_special_tokens=True)
    return [SEMANTIC_CB + N_SPECIAL] + [ACOUSTIC_CB + N_SPECIAL] * N_ACOUSTIC

def _padded_vocab():
    total = sum(_codebook_sizes())
    return 128 * ((total + 127) // 128)

def setup_inputs(seed: int = 0) -> dict:
    key = jax.random.key(seed)
    k1, k2 = jax.random.split(key)
    n_codebooks = 1 + N_ACOUSTIC
    # per-codebook ids; smallest codebook (with specials) has 2050 entries,
    # so ids in [0, 2050) are valid for every codebook after offsetting
    input_ids = jax.random.randint(k1, (BATCH, n_codebooks, SEQ), 0, ACOUSTIC_CB + N_SPECIAL, dtype=jnp.int64)
    emb_table = jax.random.normal(k2, (_padded_vocab(), EMBED_DIM), dtype=jnp.float32)
    return {"input_ids": input_ids, "emb_table": emb_table}

def reference(input_ids, emb_table):
    sizes = _codebook_sizes()
    offsets = jnp.asarray(np.cumsum([0] + sizes[:-1]), dtype=input_ids.dtype)
    ids = input_ids + offsets[None, :, None]
    return jnp.take(emb_table, ids, axis=0)

if __name__ == "__main__":
    import jax
    _d = setup_inputs()
    print(jax.jit(kernel)(*tuple(_d.values())))

</pallas_src>

<mosaic_0001>
#map = affine_map<(d0, d1) -> (0)>
#map1 = affine_map<(d0, d1) -> (0, 0)>
module attributes {stable_mosaic.version = 14 : i64} {
  func.func @_sc_body(%arg0: i32, %arg1: i32, %arg2: memref<36864xi32, #tpu.memory_space<hbm>>, %arg3: memref<20608x1024xf32, #tpu.memory_space<hbm>>, %arg4: memref<36864x1024xf32, #tpu.memory_space<hbm>>, %arg5: memref<1152xi32, #tpu.memory_space<vmem>>, %arg6: memref<48x1024xf32, #tpu.memory_space<vmem>>, %arg7: memref<48x1024xf32, #tpu.memory_space<vmem>>, %arg8: memref<!tpu.dma_semaphore, #tpu.memory_space<semaphore_mem>>, %arg9: memref<!tpu.dma_semaphore, #tpu.memory_space<semaphore_mem>>, %arg10: memref<!tpu.dma_semaphore, #tpu.memory_space<semaphore_mem>>, %arg11: memref<!tpu.dma_semaphore, #tpu.memory_space<semaphore_mem>>) attributes {dimension_semantics = [#tpu.dimension_semantics<core_parallel>, #tpu.dimension_semantics<subcore_parallel>], iteration_bounds = array<i64: 2, 16>, scalar_prefetch = 0 : i64, scratch_operands = 7 : i64, tpu.core_type = #tpu.core_type<sc_vector_subcore>, window_params = [{transform_indices = #map}, {transform_indices = #map1}, {transform_indices = #map1}]} {
    %mul3A = arith.constant 2 : i32
    %mul3A_0 = arith.muli %arg1, %mul3A : i32
    %add3A = arith.addi %mul3A_0, %arg0 : i32
    %mul3A_1 = arith.constant 1152 : i32
    %mul3A_2 = arith.muli %add3A, %mul3A_1 : i32
    "tpu.region"() ({
      %run_scoped3A = tpu.sem_alloc : memref<!tpu.dma_semaphore, #tpu.memory_space<semaphore_mem>>
      %dma_start3A_486 = tpu.memref_slice %arg2[%mul3A_2] : memref<36864xi32, #tpu.memory_space<hbm>> -> memref<1152xi32, #tpu.memory_space<hbm>>
      %dma_start3A_487 = tpu.memref_slice %arg2[%mul3A_2] : memref<36864xi32, #tpu.memory_space<hbm>> -> memref<1152xi32, #tpu.memory_space<hbm>>
      tpu.enqueue_dma source(%dma_start3A_487 : memref<1152xi32, #tpu.memory_space<hbm>>) target(%arg5 : memref<1152xi32, #tpu.memory_space<vmem>>) target_semaphore(%run_scoped3A : memref<!tpu.dma_semaphore, #tpu.memory_space<semaphore_mem>>)
      %dma_wait3A_488 = tpu.memref_slice %arg2[%mul3A_2] : memref<36864xi32, #tpu.memory_space<hbm>> -> memref<1152xi32, #tpu.memory_space<hbm>>
      %dma_wait3A_489 = tpu.memref_slice %arg2[%mul3A_2] : memref<36864xi32, #tpu.memory_space<hbm>> -> memref<1152xi32, #tpu.memory_space<hbm>>
      tpu.wait_dma2 semaphore(%run_scoped3A : memref<!tpu.dma_semaphore, #tpu.memory_space<semaphore_mem>>) src(%dma_wait3A_489 : memref<1152xi32, #tpu.memory_space<hbm>>) dst(%arg5 : memref<1152xi32, #tpu.memory_space<vmem>>)
      tpu.yield
    }) : () -> ()
    %iota3A = tpu.iota {dimensions = array<i32: 0>} : vector<16xi32>
    %scan3A = arith.constant 0 : i32
    %scan3A_3 = arith.constant 0 : i32
    %scan3A_4 = arith.constant 72 : i32
    %scan3A_5 = arith.addi %scan3A_3, %scan3A_4 : i32
    %scan3A_6 = arith.constant 1 : i32
    scf.for %scan3A_486 = %scan3A_3 to %scan3A_5 step %scan3A_6  : i32 {
      %mul3A_487 = arith.constant 16 : i32
      %mul3A_488 = arith.muli %scan3A_486, %mul3A_487 : i32
      %add3A_489 = arith.addi %mul3A_2, %mul3A_488 : i32
      %add3A_490 = vector.broadcast %add3A_489 : i32 to vector<16xi32>
      %add3A_491 = arith.addi %add3A_490, %iota3A : vector<16xi32>
      %shift_right_arithmetic3A = arith.constant 11 : i32
      %shift_right_arithmetic3A_492 = vector.broadcast %shift_right_arithmetic3A : i32 to vector<16xi32>
      %shift_right_arithmetic3A_493 = arith.shrsi %add3A_491, %shift_right_arithmetic3A_492 : vector<16xi32>
      %jit3A = arith.constant 9 : i32
      %eq3A = arith.constant 0 : i32
      %eq3A_494 = arith.cmpi eq, %jit3A, %eq3A : i32
      %jit3A_495 = arith.constant 1 : i32
      %select_n3A = arith.select %eq3A_494, %jit3A_495, %jit3A : i32
      %rem3A = vector.broadcast %select_n3A : i32 to vector<16xi32>
      %rem3A_496 = arith.remsi %shift_right_arithmetic3A_493, %rem3A : vector<16xi32>
      %ne3A = arith.constant 0 : i32
      %ne3A_497 = vector.broadcast %ne3A : i32 to vector<16xi32>
      %ne3A_498 = arith.cmpi ne, %rem3A_496, %ne3A_497 : vector<16xi32>
      %lt3A = arith.constant 0 : i32
      %lt3A_499 = vector.broadcast %lt3A : i32 to vector<16xi32>
      %lt3A_500 = arith.cmpi slt, %rem3A_496, %lt3A_499 : vector<16xi32>
      %lt3A_501 = arith.constant 0 : i32
      %lt3A_502 = arith.cmpi slt, %select_n3A, %lt3A_501 : i32
      %ne3A_503 = vector.broadcast %lt3A_502 : i1 to vector<16xi1>
      %ne3A_504 = vector.broadcast %ne3A_503 : vector<16xi1> to vector<16xi1>
      %ne3A_505 = arith.xori %lt3A_500, %ne3A_504 : vector<16xi1>
      %and3A = arith.andi %ne3A_505, %ne3A_498 : vector<16xi1>
      %add3A_506 = vector.broadcast %select_n3A : i32 to vector<16xi32>
      %add3A_507 = arith.addi %rem3A_496, %add3A_506 : vector<16xi32>
      %select_n3A_508 = arith.select %and3A, %add3A_507, %rem3A_496 : vector<16xi1>, vector<16xi32>
      %eq3A_509 = arith.constant 0 : i32
      %eq3A_510 = vector.broadcast %eq3A_509 : i32 to vector<16xi32>
      %eq3A_511 = arith.cmpi eq, %select_n3A_508, %eq3A_510 : vector<16xi32>
      %sub3A = arith.constant 1 : i32
      %sub3A_512 = vector.broadcast %sub3A : i32 to vector<16xi32>
      %sub3A_513 = arith.subi %select_n3A_508, %sub3A_512 : vector<16xi32>
      %mul3A_514 = arith.constant 2050 : i32
      %mul3A_515 = vector.broadcast %mul3A_514 : i32 to vector<16xi32>
      %mul3A_516 = arith.muli %sub3A_513, %mul3A_515 : vector<16xi32>
      %add3A_517 = arith.constant 4098 : i32
      %add3A_518 = vector.broadcast %add3A_517 : i32 to vector<16xi32>
      %add3A_519 = arith.addi %add3A_518, %mul3A_516 : vector<16xi32>
      %jit3A_520 = arith.constant 0 : i32
      %broadcast_in_dim3A = vector.broadcast %jit3A_520 : i32 to vector<16xi32>
      %select_n3A_521 = arith.select %eq3A_511, %broadcast_in_dim3A, %add3A_519 : vector<16xi1>, vector<16xi32>
      %mul3A_522 = arith.constant 16 : i32
      %mul3A_523 = arith.muli %scan3A_486, %mul3A_522 : i32
      %get3A = arith.index_cast %mul3A_523 : i32 to index
      %get3A_524 = tpu.vector_load %arg5[%get3A] {strides = array<i32>} : memref<1152xi32, #tpu.memory_space<vmem>>, vector<16xi32>,
      %get3A_525 = vector.shape_cast %get3A_524 : vector<16xi32> to vector<16xi32>
      %add3A_526 = arith.addi %get3A_525, %select_n3A_521 : vector<16xi32>
      %mul3A_527 = arith.constant 16 : i32
      %mul3A_528 = arith.muli %scan3A_486, %mul3A_527 : i32
      %swap3A = arith.index_cast %mul3A_528 : i32 to index
      %swap3A_529 = tpu.vector_load %arg5[%swap3A] {strides = array<i32>} : memref<1152xi32, #tpu.memory_space<vmem>>, vector<16xi32>,
      %swap3A_530 = vector.shape_cast %swap3A_529 : vector<16xi32> to vector<16xi32>
      %swap3A_531 = vector.shape_cast %add3A_526 : vector<16xi32> to vector<16xi32>
      tpu.vector_store %arg5[%swap3A], %swap3A_531 {strides = array<i32>} : memref<1152xi32, #tpu.memory_space<vmem>>, vector<16xi32>,
    }
    %scan3A_7 = arith.constant 72 : i32
    %dma_start3A = arith.constant 0 : i32
    %dma_start3A_8 = tpu.memref_slice %arg5[%dma_start3A] : memref<1152xi32, #tpu.memory_space<vmem>> -> memref<48xi32, #tpu.memory_space<vmem>>
    %dma_start3A_9 = arith.constant 0 : i32
    %dma_start3A_10 = arith.constant 0 : i32
    %dma_start3A_11 = tpu.memref_slice %arg3[%dma_start3A_9, %dma_start3A_10] : memref<20608x1024xf32, #tpu.memory_space<hbm>> -> memref<20608x1024xf32, #tpu.memory_space<hbm>>
    tpu.enqueue_indirect_dma source(%dma_start3A_11 : memref<20608x1024xf32, #tpu.memory_space<hbm>>) target(%arg6 : memref<48x1024xf32, #tpu.memory_space<vmem>>) offsets(%dma_start3A_8 : memref<48xi32, #tpu.memory_space<vmem>>) semaphore(%arg8 : memref<!tpu.dma_semaphore, #tpu.memory_space<semaphore_mem>>)
    %dma_start3A_12 = arith.constant 48 : i32
    %dma_start3A_13 = tpu.memref_slice %arg5[%dma_start3A_12] : memref<1152xi32, #tpu.memory_space<vmem>> -> memref<48xi32, #tpu.memory_space<vmem>>
    %dma_start3A_14 = arith.constant 0 : i32
    %dma_start3A_15 = arith.constant 0 : i32
    %dma_start3A_16 = tpu.memref_slice %arg3[%dma_start3A_14, %dma_start3A_15] : memref<20608x1024xf32, #tpu.memory_space<hbm>> -> memref<20608x1024xf32, #tpu.memory_space<hbm>>
    tpu.enqueue_indirect_dma source(%dma_start3A_16 : memref<20608x1024xf32, #tpu.memory_space<hbm>>) target(%arg7 : memref<48x1024xf32, #tpu.memory_space<vmem>>) offsets(%dma_start3A_13 : memref<48xi32, #tpu.memory_space<vmem>>) semaphore(%arg9 : memref<!tpu.dma_semaphore, #tpu.memory_space<semaphore_mem>>)
    %dma_wait3A = arith.constant 0 : i32
    %dma_wait3A_17 = tpu.memref_slice %arg5[%dma_wait3A] : memref<1152xi32, #tpu.memory_space<vmem>> -> memref<48xi32, #tpu.memory_space<vmem>>
    %dma_wait3A_18 = arith.constant 0 : i32
    %dma_wait3A_19 = arith.constant 0 : i32
    %dma_wait3A_20 = tpu.memref_slice %arg3[%dma_wait3A_18, %dma_wait3A_19] : memref<20608x1024xf32, #tpu.memory_space<hbm>> -> memref<20608x1024xf32, #tpu.memory_space<hbm>>
    tpu.wait_indirect_dma semaphore(%arg8 : memref<!tpu.dma_semaphore, #tpu.memory_space<semaphore_mem>>) src(%dma_wait3A_20 : memref<20608x1024xf32, #tpu.memory_space<hbm>>) dst(%arg6 : memref<48x1024xf32, #tpu.memory_space<vmem>>)
    %add3A_21 = arith.constant 0 : i32
    %add3A_22 = arith.addi %mul3A_2, %add3A_21 : i32
    %dma_start3A_23 = arith.constant 0 : i32
    %dma_start3A_24 = tpu.memref_slice %arg4[%add3A_22, %dma_start3A_23] : memref<36864x1024xf32, #tpu.memory_space<hbm>> -> memref<48x1024xf32, #tpu.memory_space<hbm>>
    %dma_start3A_25 = arith.constant 0 : i32
    %dma_start3A_26 = tpu.memref_slice %arg4[%add3A_22, %dma_start3A_25] : memref<36864x1024xf32, #tpu.memory_space<hbm>> -> memref<48x1024xf32, #tpu.memory_space<hbm>>
    tpu.enqueue_dma source(%arg6 : memref<48x1024xf32, #tpu.memory_space<vmem>>) target(%dma_start3A_26 : memref<48x1024xf32, #tpu.memory_space<hbm>>) target_semaphore(%arg10 : memref<!tpu.dma_semaphore, #tpu.memory_space<semaphore_mem>>)
    %dma_wait3A_27 = arith.constant 0 : i32
    %dma_wait3A_28 = tpu.memref_slice %arg4[%add3A_22, %dma_wait3A_27] : memref<36864x1024xf32, #tpu.memory_space<hbm>> -> memref<48x1024xf32, #tpu.memory_space<hbm>>
    %dma_wait3A_29 = arith.constant 0 : i32
    %dma_wait3A_30 = tpu.memref_slice %arg4[%add3A_22, %dma_wait3A_29] : memref<36864x1024xf32, #tpu.memory_space<hbm>> -> memref<48x1024xf32, #tpu.memory_space<hbm>>
    tpu.wait_dma2 semaphore(%arg10 : memref<!tpu.dma_semaphore, #tpu.memory_space<semaphore_mem>>) src(%arg6 : memref<48x1024xf32, #tpu.memory_space<vmem>>) dst(%dma_wait3A_30 : memref<48x1024xf32, #tpu.memory_space<hbm>>)
    %dma_start3A_31 = arith.constant 96 : i32
    %dma_start3A_32 = tpu.memref_slice %arg5[%dma_start3A_31] : memref<1152xi32, #tpu.memory_space<vmem>> -> memref<48xi32, #tpu.memory_space<vmem>>
    %dma_start3A_33 = arith.constant 0 : i32
    %dma_start3A_34 = arith.constant 0 : i32
    %dma_start3A_35 = tpu.memref_slice %arg3[%dma_start3A_33, %dma_start3A_34] : memref<20608x1024xf32, #tpu.memory_space<hbm>> -> memref<20608x1024xf32, #tpu.memory_space<hbm>>
    tpu.enqueue_indirect_dma source(%dma_start3A_35 : memref<20608x1024xf32, #tpu.memory_space<hbm>>) target(%arg6 : memref<48x1024xf32, #tpu.memory_space<vmem>>) offsets(%dma_start3A_32 : memref<48xi32, #tpu.memory_space<vmem>>) semaphore(%arg8 : memref<!tpu.dma_semaphore, #tpu.memory_space<semaphore_mem>>)
    %dma_wait3A_36 = arith.constant 48 : i32
    %dma_wait3A_37 = tpu.memref_slice %arg5[%dma_wait3A_36] : memref<1152xi32, #tpu.memory_space<vmem>> -> memref<48xi32, #tpu.memory_space<vmem>>
    %dma_wait3A_38 = arith.constant 0 : i32
    %dma_wait3A_39 = arith.constant 0 : i32
    %dma_wait3A_40 = tpu.memref_slice %arg3[%dma_wait3A_38, %dma_wait3A_39] : memref<20608x1024xf32, #tpu.memory_space<hbm>> -> memref<20608x1024xf32, #tpu.memory_space<hbm>>
    tpu.wait_indirect_dma semaphore(%arg9 : memref<!tpu.dma_semaphore, #tpu.memory_space<semaphore_mem>>) src(%dma_wait3A_40 : memref<20608x1024xf32, #tpu.memory_space<hbm>>) dst(%arg7 : memref<48x1024xf32, #tpu.memory_space<vmem>>)
    %add3A_41 = arith.constant 48 : i32
    %add3A_42 = arith.addi %mul3A_2, %add3A_41 : i32
    %dma_start3A_43 = arith.constant 0 : i32
    %dma_start3A_44 = tpu.memref_slice %arg4[%add3A_42, %dma_start3A_43] : memref<36864x1024xf32, #tpu.memory_space<hbm>> -> memref<48x1024xf32, #tpu.memory_space<hbm>>
    %dma_start3A_45 = arith.constant 0 : i32
    %dma_start3A_46 = tpu.memref_slice %arg4[%add3A_42, %dma_start3A_45] : memref<36864x1024xf32, #tpu.memory_space<hbm>> -> memref<48x1024xf32, #tpu.memory_space<hbm>>
    tpu.enqueue_dma source(%arg7 : memref<48x1024xf32, #tpu.memory_space<vmem>>) target(%dma_start3A_46 : memref<48x1024xf32, #tpu.memory_space<hbm>>) target_semaphore(%arg11 : memref<!tpu.dma_semaphore, #tpu.memory_space<semaphore_mem>>)
    %dma_wait3A_47 = arith.constant 0 : i32
    %dma_wait3A_48 = tpu.memref_slice %arg4[%add3A_42, %dma_wait3A_47] : memref<36864x1024xf32, #tpu.memory_space<hbm>> -> memref<48x1024xf32, #tpu.memory_space<hbm>>
    %dma_wait3A_49 = arith.constant 0 : i32
    %dma_wait3A_50 = tpu.memref_slice %arg4[%add3A_42, %dma_wait3A_49] : memref<36864x1024xf32, #tpu.memory_space<hbm>> -> memref<48x1024xf32, #tpu.memory_space<hbm>>
    tpu.wait_dma2 semaphore(%arg11 : memref<!tpu.dma_semaphore, #tpu.memory_space<semaphore_mem>>) src(%arg7 : memref<48x1024xf32, #tpu.memory_space<vmem>>) dst(%dma_wait3A_50 : memref<48x1024xf32, #tpu.memory_space<hbm>>)
    %dma_start3A_51 = arith.constant 144 : i32
    %dma_start3A_52 = tpu.memref_slice %arg5[%dma_start3A_51] : memref<1152xi32, #tpu.memory_space<vmem>> -> memref<48xi32, #tpu.memory_space<vmem>>
    %dma_start3A_53 = arith.constant 0 : i32
    %dma_start3A_54 = arith.constant 0 : i32
    %dma_start3A_55 = tpu.memref_slice %arg3[%dma_start3A_53, %dma_start3A_54] : memref<20608x1024xf32, #tpu.memory_space<hbm>> -> memref<20608x1024xf32, #tpu.memory_space<hbm>>
    tpu.enqueue_indirect_dma source(%dma_start3A_55 : memref<20608x1024xf32, #tpu.memory_space<hbm>>) target(%arg7 : memref<48x1024xf32, #tpu.memory_space<vmem>>) offsets(%dma_start3A_52 : memref<48xi32, #tpu.memory_space<vmem>>) semaphore(%arg9 : memref<!tpu.dma_semaphore, #tpu.memory_space<semaphore_mem>>)
    %dma_wait3A_56 = arith.constant 96 : i32
    %dma_wait3A_57 = tpu.memref_slice %arg5[%dma_wait3A_56] : memref<1152xi32, #tpu.memory_space<vmem>> -> memref<48xi32, #tpu.memory_space<vmem>>
    %dma_wait3A_58 = arith.constant 0 : i32
    %dma_wait3A_59 = arith.constant 0 : i32
    %dma_wait3A_60 = tpu.memref_slice %arg3[%dma_wait3A_58, %dma_wait3A_59] : memref<20608x1024xf32, #tpu.memory_space<hbm>> -> memref<20608x1024xf32, #tpu.memory_space<hbm>>
    tpu.wait_indirect_dma semaphore(%arg8 : memref<!tpu.dma_semaphore, #tpu.memory_space<semaphore_mem>>) src(%dma_wait3A_60 : memref<20608x1024xf32, #tpu.memory_space<hbm>>) dst(%arg6 : memref<48x1024xf32, #tpu.memory_space<vmem>>)
    %add3A_61 = arith.constant 96 : i32
    %add3A_62 = arith.addi %mul3A_2, %add3A_61 : i32
    %dma_start3A_63 = arith.constant 0 : i32
    %dma_start3A_64 = tpu.memref_slice %arg4[%add3A_62, %dma_start3A_63] : memref<36864x1024xf32, #tpu.memory_space<hbm>> -> memref<48x1024xf32, #tpu.memory_space<hbm>>
    %dma_start3A_65 = arith.constant 0 : i32
    %dma_start3A_66 = tpu.memref_slice %arg4[%add3A_62, %dma_start3A_65] : memref<36864x1024xf32, #tpu.memory_space<hbm>> -> memref<48x1024xf32, #tpu.memory_space<hbm>>
    tpu.enqueue_dma source(%arg6 : memref<48x1024xf32, #tpu.memory_space<vmem>>) target(%dma_start3A_66 : memref<48x1024xf32, #tpu.memory_space<hbm>>) target_semaphore(%arg10 : memref<!tpu.dma_semaphore, #tpu.memory_space<semaphore_mem>>)
    %dma_wait3A_67 = arith.constant 0 : i32
    %dma_wait3A_68 = tpu.memref_slice %arg4[%add3A_62, %dma_wait3A_67] : memref<36864x1024xf32, #tpu.memory_space<hbm>> -> memref<48x1024xf32, #tpu.memory_space<hbm>>
    %dma_wait3A_69 = arith.constant 0 : i32
    %dma_wait3A_70 = tpu.memref_slice %arg4[%add3A_62, %dma_wait3A_69] : memref<36864x1024xf32, #tpu.memory_space<hbm>> -> memref<48x1024xf32, #tpu.memory_space<hbm>>
    tpu.wait_dma2 semaphore(%arg10 : memref<!tpu.dma_semaphore, #tpu.memory_space<semaphore_mem>>) src(%arg6 : memref<48x1024xf32, #tpu.memory_space<vmem>>) dst(%dma_wait3A_70 : memref<48x1024xf32, #tpu.memory_space<hbm>>)
    %dma_start3A_71 = arith.constant 192 : i32
    %dma_start3A_72 = tpu.memref_slice %arg5[%dma_start3A_71] : memref<1152xi32, #tpu.memory_space<vmem>> -> memref<48xi32, #tpu.memory_space<vmem>>
    %dma_start3A_73 = arith.constant 0 : i32
    %dma_start3A_74 = arith.constant 0 : i32
    %dma_start3A_75 = tpu.memref_slice %arg3[%dma_start3A_73, %dma_start3A_74] : memref<20608x1024xf32, #tpu.memory_space<hbm>> -> memref<20608x1024xf32, #tpu.memory_space<hbm>>
    tpu.enqueue_indirect_dma source(%dma_start3A_75 : memref<20608x1024xf32, #tpu.memory_space<hbm>>) target(%arg6 : memref<48x1024xf32, #tpu.memory_space<vmem>>) offsets(%dma_start3A_72 : memref<48xi32, #tpu.memory_space<vmem>>) semaphore(%arg8 : memref<!tpu.dma_semaphore, #tpu.memory_space<semaphore_mem>>)
    %dma_wait3A_76 = arith.constant 144 : i32
    %dma_wait3A_77 = tpu.memref_slice %arg5[%dma_wait3A_76] : memref<1152xi32, #tpu.memory_space<vmem>> -> memref<48xi32, #tpu.memory_space<vmem>>
    %dma_wait3A_78 = arith.constant 0 : i32
    %dma_wait3A_79 = arith.constant 0 : i32
    %dma_wait3A_80 = tpu.memref_slice %arg3[%dma_wait3A_78, %dma_wait3A_79] : memref<20608x1024xf32, #tpu.memory_space<hbm>> -> memref<20608x1024xf32, #tpu.memory_space<hbm>>
    tpu.wait_indirect_dma semaphore(%arg9 : memref<!tpu.dma_semaphore, #tpu.memory_space<semaphore_mem>>) src(%dma_wait3A_80 : memref<20608x1024xf32, #tpu.memory_space<hbm>>) dst(%arg7 : memref<48x1024xf32, #tpu.memory_space<vmem>>)
    %add3A_81 = arith.constant 144 : i32
    %add3A_82 = arith.addi %mul3A_2, %add3A_81 : i32
    %dma_start3A_83 = arith.constant 0 : i32
    %dma_start3A_84 = tpu.memref_slice %arg4[%add3A_82, %dma_start3A_83] : memref<36864x1024xf32, #tpu.memory_space<hbm>> -> memref<48x1024xf32, #tpu.memory_space<hbm>>
    %dma_start3A_85 = arith.constant 0 : i32
    %dma_start3A_86 = tpu.memref_slice %arg4[%add3A_82, %dma_start3A_85] : memref<36864x1024xf32, #tpu.memory_space<hbm>> -> memref<48x1024xf32, #tpu.memory_space<hbm>>
    tpu.enqueue_dma source(%arg7 : memref<48x1024xf32, #tpu.memory_space<vmem>>) target(%dma_start3A_86 : memref<48x1024xf32, #tpu.memory_space<hbm>>) target_semaphore(%arg11 : memref<!tpu.dma_semaphore, #tpu.memory_space<semaphore_mem>>)
    %dma_wait3A_87 = arith.constant 0 : i32
    %dma_wait3A_88 = tpu.memref_slice %arg4[%add3A_82, %dma_wait3A_87] : memref<36864x1024xf32, #tpu.memory_space<hbm>> -> memref<48x1024xf32, #tpu.memory_space<hbm>>
    %dma_wait3A_89 = arith.constant 0 : i32
    %dma_wait3A_90 = tpu.memref_slice %arg4[%add3A_82, %dma_wait3A_89] : memref<36864x1024xf32, #tpu.memory_space<hbm>> -> memref<48x1024xf32, #tpu.memory_space<hbm>>
    tpu.wait_dma2 semaphore(%arg11 : memref<!tpu.dma_semaphore, #tpu.memory_space<semaphore_mem>>) src(%arg7 : memref<48x1024xf32, #tpu.memory_space<vmem>>) dst(%dma_wait3A_90 : memref<48x1024xf32, #tpu.memory_space<hbm>>)
    %dma_start3A_91 = arith.constant 240 : i32
    %dma_start3A_92 = tpu.memref_slice %arg5[%dma_start3A_91] : memref<1152xi32, #tpu.memory_space<vmem>> -> memref<48xi32, #tpu.memory_space<vmem>>
    %dma_start3A_93 = arith.constant 0 : i32
    %dma_start3A_94 = arith.constant 0 : i32
    %dma_start3A_95 = tpu.memref_slice %arg3[%dma_start3A_93, %dma_start3A_94] : memref<20608x1024xf32, #tpu.memory_space<hbm>> -> memref<20608x1024xf32, #tpu.memory_space<hbm>>
    tpu.enqueue_indirect_dma source(%dma_start3A_95 : memref<20608x1024xf32, #tpu.memory_space<hbm>>) target(%arg7 : memref<48x1024xf32, #tpu.memory_space<vmem>>) offsets(%dma_start3A_92 : memref<48xi32, #tpu.memory_space<vmem>>) semaphore(%arg9 : memref<!tpu.dma_semaphore, #tpu.memory_space<semaphore_mem>>)
    %dma_wait3A_96 = arith.constant 192 : i32
    %dma_wait3A_97 = tpu.memref_slice %arg5[%dma_wait3A_96] : memref<1152xi32, #tpu.memory_space<vmem>> -> memref<48xi32, #tpu.memory_space<vmem>>
    %dma_wait3A_98 = arith.constant 0 : i32
    %dma_wait3A_99 = arith.constant 0 : i32
    %dma_wait3A_100 = tpu.memref_slice %arg3[%dma_wait3A_98, %dma_wait3A_99] : memref<20608x1024xf32, #tpu.memory_space<hbm>> -> memref<20608x1024xf32, #tpu.memory_space<hbm>>
    tpu.wait_indirect_dma semaphore(%arg8 : memref<!tpu.dma_semaphore, #tpu.memory_space<semaphore_mem>>) src(%dma_wait3A_100 : memref<20608x1024xf32, #tpu.memory_space<hbm>>) dst(%arg6 : memref<48x1024xf32, #tpu.memory_space<vmem>>)
    %add3A_101 = arith.constant 192 : i32
    %add3A_102 = arith.addi %mul3A_2, %add3A_101 : i32
    %dma_start3A_103 = arith.constant 0 : i32
    %dma_start3A_104 = tpu.memref_slice %arg4[%add3A_102, %dma_start3A_103] : memref<36864x1024xf32, #tpu.memory_space<hbm>> -> memref<48x1024xf32, #tpu.memory_space<hbm>>
    %dma_start3A_105 = arith.constant 0 : i32
    %dma_start3A_106 = tpu.memref_slice %arg4[%add3A_102, %dma_start3A_105] : memref<36864x1024xf32, #tpu.memory_space<hbm>> -> memref<48x1024xf32, #tpu.memory_space<hbm>>
    tpu.enqueue_dma source(%arg6 : memref<48x1024xf32, #tpu.memory_space<vmem>>) target(%dma_start3A_106 : memref<48x1024xf32, #tpu.memory_space<hbm>>) target_semaphore(%arg10 : memref<!tpu.dma_semaphore, #tpu.memory_space<semaphore_mem>>)
    %dma_wait3A_107 = arith.constant 0 : i32
    %dma_wait3A_108 = tpu.memref_slice %arg4[%add3A_102, %dma_wait3A_107] : memref<36864x1024xf32, #tpu.memory_space<hbm>> -> memref<48x1024xf32, #tpu.memory_space<hbm>>
    %dma_wait3A_109 = arith.constant 0 : i32
    %dma_wait3A_110 = tpu.memref_slice %arg4[%add3A_102, %dma_wait3A_109] : memref<36864x1024xf32, #tpu.memory_space<hbm>> -> memref<48x1024xf32, #tpu.memory_space<hbm>>
    tpu.wait_dma2 semaphore(%arg10 : memref<!tpu.dma_semaphore, #tpu.memory_space<semaphore_mem>>) src(%arg6 : memref<48x1024xf32, #tpu.memory_space<vmem>>) dst(%dma_wait3A_110 : memref<48x1024xf32, #tpu.memory_space<hbm>>)
    %dma_start3A_111 = arith.constant 288 : i32
    %dma_start3A_112 = tpu.memref_slice %arg5[%dma_start3A_111] : memref<1152xi32, #tpu.memory_space<vmem>> -> memref<48xi32, #tpu.memory_space<vmem>>
    %dma_start3A_113 = arith.constant 0 : i32
    %dma_start3A_114 = arith.constant 0 : i32
    %dma_start3A_115 = tpu.memref_slice %arg3[%dma_start3A_113, %dma_start3A_114] : memref<20608x1024xf32, #tpu.memory_space<hbm>> -> memref<20608x1024xf32, #tpu.memory_space<hbm>>
    tpu.enqueue_indirect_dma source(%dma_start3A_115 : memref<20608x1024xf32, #tpu.memory_space<hbm>>) target(%arg6 : memref<48x1024xf32, #tpu.memory_space<vmem>>) offsets(%dma_start3A_112 : memref<48xi32, #tpu.memory_space<vmem>>) semaphore(%arg8 : memref<!tpu.dma_semaphore, #tpu.memory_space<semaphore_mem>>)
    %dma_wait3A_116 = arith.constant 240 : i32
    %dma_wait3A_117 = tpu.memref_slice %arg5[%dma_wait3A_116] : memref<1152xi32, #tpu.memory_space<vmem>> -> memref<48xi32, #tpu.memory_space<vmem>>
    %dma_wait3A_118 = arith.constant 0 : i32
    %dma_wait3A_119 = arith.constant 0 : i32
    %dma_wait3A_120 = tpu.memref_slice %arg3[%dma_wait3A_118, %dma_wait3A_119] : memref<20608x1024xf32, #tpu.memory_space<hbm>> -> memref<20608x1024xf32, #tpu.memory_space<hbm>>
    tpu.wait_indirect_dma semaphore(%arg9 : memref<!tpu.dma_semaphore, #tpu.memory_space<semaphore_mem>>) src(%dma_wait3A_120 : memref<20608x1024xf32, #tpu.memory_space<hbm>>) dst(%arg7 : memref<48x1024xf32, #tpu.memory_space<vmem>>)
    %add3A_121 = arith.constant 240 : i32
    %add3A_122 = arith.addi %mul3A_2, %add3A_121 : i32
    %dma_start3A_123 = arith.constant 0 : i32
    %dma_start3A_124 = tpu.memref_slice %arg4[%add3A_122, %dma_start3A_123] : memref<36864x1024xf32, #tpu.memory_space<hbm>> -> memref<48x1024xf32, #tpu.memory_space<hbm>>
    %dma_start3A_125 = arith.constant 0 : i32
    %dma_start3A_126 = tpu.memref_slice %arg4[%add3A_122, %dma_start3A_125] : memref<36864x1024xf32, #tpu.memory_space<hbm>> -> memref<48x1024xf32, #tpu.memory_space<hbm>>
    tpu.enqueue_dma source(%arg7 : memref<48x1024xf32, #tpu.memory_space<vmem>>) target(%dma_start3A_126 : memref<48x1024xf32, #tpu.memory_space<hbm>>) target_semaphore(%arg11 : memref<!tpu.dma_semaphore, #tpu.memory_space<semaphore_mem>>)
    %dma_wait3A_127 = arith.constant 0 : i32
    %dma_wait3A_128 = tpu.memref_slice %arg4[%add3A_122, %dma_wait3A_127] : memref<36864x1024xf32, #tpu.memory_space<hbm>> -> memref<48x1024xf32, #tpu.memory_space<hbm>>
    %dma_wait3A_129 = arith.constant 0 : i32
    %dma_wait3A_130 = tpu.memref_slice %arg4[%add3A_122, %dma_wait3A_129] : memref<36864x1024xf32, #tpu.memory_space<hbm>> -> memref<48x1024xf32, #tpu.memory_space<hbm>>
    tpu.wait_dma2 semaphore(%arg11 : memref<!tpu.dma_semaphore, #tpu.memory_space<semaphore_mem>>) src(%arg7 : memref<48x1024xf32, #tpu.memory_space<vmem>>) dst(%dma_wait3A_130 : memref<48x1024xf32, #tpu.memory_space<hbm>>)
    %dma_start3A_131 = arith.constant 336 : i32
    %dma_start3A_132 = tpu.memref_slice %arg5[%dma_start3A_131] : memref<1152xi32, #tpu.memory_space<vmem>> -> memref<48xi32, #tpu.memory_space<vmem>>
    %dma_start3A_133 = arith.constant 0 : i32
    %dma_start3A_134 = arith.constant 0 : i32
    %dma_start3A_135 = tpu.memref_slice %arg3[%dma_start3A_133, %dma_start3A_134] : memref<20608x1024xf32, #tpu.memory_space<hbm>> -> memref<20608x1024xf32, #tpu.memory_space<hbm>>
    tpu.enqueue_indirect_dma source(%dma_start3A_135 : memref<20608x1024xf32, #tpu.memory_space<hbm>>) target(%arg7 : memref<48x1024xf32, #tpu.memory_space<vmem>>) offsets(%dma_start3A_132 : memref<48xi32, #tpu.memory_space<vmem>>) semaphore(%arg9 : memref<!tpu.dma_semaphore, #tpu.memory_space<semaphore_mem>>)
    %dma_wait3A_136 = arith.constant 288 : i32
    %dma_wait3A_137 = tpu.memref_slice %arg5[%dma_wait3A_136] : memref<1152xi32, #tpu.memory_space<vmem>> -> memref<48xi32, #tpu.memory_space<vmem>>
    %dma_wait3A_138 = arith.constant 0 : i32
    %dma_wait3A_139 = arith.constant 0 : i32
    %dma_wait3A_140 = tpu.memref_slice %arg3[%dma_wait3A_138, %dma_wait3A_139] : memref<20608x1024xf32, #tpu.memory_space<hbm>> -> memref<20608x1024xf32, #tpu.memory_space<hbm>>
    tpu.wait_indirect_dma semaphore(%arg8 : memref<!tpu.dma_semaphore, #tpu.memory_space<semaphore_mem>>) src(%dma_wait3A_140 : memref<20608x1024xf32, #tpu.memory_space<hbm>>) dst(%arg6 : memref<48x1024xf32, #tpu.memory_space<vmem>>)
    %add3A_141 = arith.constant 288 : i32
    %add3A_142 = arith.addi %mul3A_2, %add3A_141 : i32
    %dma_start3A_143 = arith.constant 0 : i32
    %dma_start3A_144 = tpu.memref_slice %arg4[%add3A_142, %dma_start3A_143] : memref<36864x1024xf32, #tpu.memory_space<hbm>> -> memref<48x1024xf32, #tpu.memory_space<hbm>>
    %dma_start3A_145 = arith.constant 0 : i32
    %dma_start3A_146 = tpu.memref_slice %arg4[%add3A_142, %dma_start3A_145] : memref<36864x1024xf32, #tpu.memory_space<hbm>> -> memref<48x1024xf32, #tpu.memory_space<hbm>>
    tpu.enqueue_dma source(%arg6 : memref<48x1024xf32, #tpu.memory_space<vmem>>) target(%dma_start3A_146 : memref<48x1024xf32, #tpu.memory_space<hbm>>) target_semaphore(%arg10 : memref<!tpu.dma_semaphore, #tpu.memory_space<semaphore_mem>>)
    %dma_wait3A_147 = arith.constant 0 : i32
    %dma_wait3A_148 = tpu.memref_slice %arg4[%add3A_142, %dma_wait3A_147] : memref<36864x1024xf32, #tpu.memory_space<hbm>> -> memref<48x1024xf32, #tpu.memory_space<hbm>>
    %dma_wait3A_149 = arith.constant 0 : i32
    %dma_wait3A_150 = tpu.memref_slice %arg4[%add3A_142, %dma_wait3A_149] : memref<36864x1024xf32, #tpu.memory_space<hbm>> -> memref<48x1024xf32, #tpu.memory_space<hbm>>
    tpu.wait_dma2 semaphore(%arg10 : memref<!tpu.dma_semaphore, #tpu.memory_space<semaphore_mem>>) src(%arg6 : memref<48x1024xf32, #tpu.memory_space<vmem>>) dst(%dma_wait3A_150 : memref<48x1024xf32, #tpu.memory_space<hbm>>)
    %dma_start3A_151 = arith.constant 384 : i32
    %dma_start3A_152 = tpu.memref_slice %arg5[%dma_start3A_151] : memref<1152xi32, #tpu.memory_space<vmem>> -> memref<48xi32, #tpu.memory_space<vmem>>
    %dma_start3A_153 = arith.constant 0 : i32
    %dma_start3A_154 = arith.constant 0 : i32
    %dma_start3A_155 = tpu.memref_slice %arg3[%dma_start3A_153, %dma_start3A_154] : memref<20608x1024xf32, #tpu.memory_space<hbm>> -> memref<20608x1024xf32, #tpu.memory_space<hbm>>
    tpu.enqueue_indirect_dma source(%dma_start3A_155 : memref<20608x1024xf32, #tpu.memory_space<hbm>>) target(%arg6 : memref<48x1024xf32, #tpu.memory_space<vmem>>) offsets(%dma_start3A_152 : memref<48xi32, #tpu.memory_space<vmem>>) semaphore(%arg8 : memref<!tpu.dma_semaphore, #tpu.memory_space<semaphore_mem>>)
    %dma_wait3A_156 = arith.constant 336 : i32
    %dma_wait3A_157 = tpu.memref_slice %arg5[%dma_wait3A_156] : memref<1152xi32, #tpu.memory_space<vmem>> -> memref<48xi32, #tpu.memory_space<vmem>>
    %dma_wait3A_158 = arith.constant 0 : i32
    %dma_wait3A_159 = arith.constant 0 : i32
    %dma_wait3A_160 = tpu.memref_slice %arg3[%dma_wait3A_158, %dma_wait3A_159] : memref<20608x1024xf32, #tpu.memory_space<hbm>> -> memref<20608x1024xf32, #tpu.memory_space<hbm>>
    tpu.wait_indirect_dma semaphore(%arg9 : memref<!tpu.dma_semaphore, #tpu.memory_space<semaphore_mem>>) src(%dma_wait3A_160 : memref<20608x1024xf32, #tpu.memory_space<hbm>>) dst(%arg7 : memref<48x1024xf32, #tpu.memory_space<vmem>>)
    %add3A_161 = arith.constant 336 : i32
    %add3A_162 = arith.addi %mul3A_2, %add3A_161 : i32
    %dma_start3A_163 = arith.constant 0 : i32
    %dma_start3A_164 = tpu.memref_slice %arg4[%add3A_162, %dma_start3A_163] : memref<36864x1024xf32, #tpu.memory_space<hbm>> -> memref<48x1024xf32, #tpu.memory_space<hbm>>
    %dma_start3A_165 = arith.constant 0 : i32
    %dma_start3A_166 = tpu.memref_slice %arg4[%add3A_162, %dma_start3A_165] : memref<36864x1024xf32, #tpu.memory_space<hbm>> -> memref<48x1024xf32, #tpu.memory_space<hbm>>
    tpu.enqueue_dma source(%arg7 : memref<48x1024xf32, #tpu.memory_space<vmem>>) target(%dma_start3A_166 : memref<48x1024xf32, #tpu.memory_space<hbm>>) target_semaphore(%arg11 : memref<!tpu.dma_semaphore, #tpu.memory_space<semaphore_mem>>)
    %dma_wait3A_167 = arith.constant 0 : i32
    %dma_wait3A_168 = tpu.memref_slice %arg4[%add3A_162, %dma_wait3A_167] : memref<36864x1024xf32, #tpu.memory_space<hbm>> -> memref<48x1024xf32, #tpu.memory_space<hbm>>
    %dma_wait3A_169 = arith.constant 0 : i32
    %dma_wait3A_170 = tpu.memref_slice %arg4[%add3A_162, %dma_wait3A_169] : memref<36864x1024xf32, #tpu.memory_space<hbm>> -> memref<48x1024xf32, #tpu.memory_space<hbm>>
    tpu.wait_dma2 semaphore(%arg11 : memref<!tpu.dma_semaphore, #tpu.memory_space<semaphore_mem>>) src(%arg7 : memref<48x1024xf32, #tpu.memory_space<vmem>>) dst(%dma_wait3A_170 : memref<48x1024xf32, #tpu.memory_space<hbm>>)
    %dma_start3A_171 = arith.constant 432 : i32
    %dma_start3A_172 = tpu.memref_slice %arg5[%dma_start3A_171] : memref<1152xi32, #tpu.memory_space<vmem>> -> memref<48xi32, #tpu.memory_space<vmem>>
    %dma_start3A_173 = arith.constant 0 : i32
    %dma_start3A_174 = arith.constant 0 : i32
    %dma_start3A_175 = tpu.memref_slice %arg3[%dma_start3A_173, %dma_start3A_174] : memref<20608x1024xf32, #tpu.memory_space<hbm>> -> memref<20608x1024xf32, #tpu.memory_space<hbm>>
    tpu.enqueue_indirect_dma source(%dma_start3A_175 : memref<20608x1024xf32, #tpu.memory_space<hbm>>) target(%arg7 : memref<48x1024xf32, #tpu.memory_space<vmem>>) offsets(%dma_start3A_172 : memref<48xi32, #tpu.memory_space<vmem>>) semaphore(%arg9 : memref<!tpu.dma_semaphore, #tpu.memory_space<semaphore_mem>>)
    %dma_wait3A_176 = arith.constant 384 : i32
    %dma_wait3A_177 = tpu.memref_slice %arg5[%dma_wait3A_176] : memref<1152xi32, #tpu.memory_space<vmem>> -> memref<48xi32, #tpu.memory_space<vmem>>
    %dma_wait3A_178 = arith.constant 0 : i32
    %dma_wait3A_179 = arith.constant 0 : i32
    %dma_wait3A_180 = tpu.memref_slice %arg3[%dma_wait3A_178, %dma_wait3A_179] : memref<20608x1024xf32, #tpu.memory_space<hbm>> -> memref<20608x1024xf32, #tpu.memory_space<hbm>>
    tpu.wait_indirect_dma semaphore(%arg8 : memref<!tpu.dma_semaphore, #tpu.memory_space<semaphore_mem>>) src(%dma_wait3A_180 : memref<20608x1024xf32, #tpu.memory_space<hbm>>) dst(%arg6 : memref<48x1024xf32, #tpu.memory_space<vmem>>)
    %add3A_181 = arith.constant 384 : i32
    %add3A_182 = arith.addi %mul3A_2, %add3A_181 : i32
    %dma_start3A_183 = arith.constant 0 : i32
    %dma_start3A_184 = tpu.memref_slice %arg4[%add3A_182, %dma_start3A_183] : memref<36864x1024xf32, #tpu.memory_space<hbm>> -> memref<48x1024xf32, #tpu.memory_space<hbm>>
    %dma_start3A_185 = arith.constant 0 : i32
    %dma_start3A_186 = tpu.memref_slice %arg4[%add3A_182, %dma_start3A_185] : memref<36864x1024xf32, #tpu.memory_space<hbm>> -> memref<48x1024xf32, #tpu.memory_space<hbm>>
    tpu.enqueue_dma source(%arg6 : memref<48x1024xf32, #tpu.memory_space<vmem>>) target(%dma_start3A_186 : memref<48x1024xf32, #tpu.memory_space<hbm>>) target_semaphore(%arg10 : memref<!tpu.dma_semaphore, #tpu.memory_space<semaphore_mem>>)
    %dma_wait3A_187 = arith.constant 0 : i32
    %dma_wait3A_188 = tpu.memref_slice %arg4[%add3A_182, %dma_wait3A_187] : memref<36864x1024xf32, #tpu.memory_space<hbm>> -> memref<48x1024xf32, #tpu.memory_space<hbm>>
    %dma_wait3A_189 = arith.constant 0 : i32
    %dma_wait3A_190 = tpu.memref_slice %arg4[%add3A_182, %dma_wait3A_189] : memref<36864x1024xf32, #tpu.memory_space<hbm>> -> memref<48x1024xf32, #tpu.memory_space<hbm>>
    tpu.wait_dma2 semaphore(%arg10 : memref<!tpu.dma_semaphore, #tpu.memory_space<semaphore_mem>>) src(%arg6 : memref<48x1024xf32, #tpu.memory_space<vmem>>) dst(%dma_wait3A_190 : memref<48x1024xf32, #tpu.memory_space<hbm>>)
    %dma_start3A_191 = arith.constant 480 : i32
    %dma_start3A_192 = tpu.memref_slice %arg5[%dma_start3A_191] : memref<1152xi32, #tpu.memory_space<vmem>> -> memref<48xi32, #tpu.memory_space<vmem>>
    %dma_start3A_193 = arith.constant 0 : i32
    %dma_start3A_194 = arith.constant 0 : i32
    %dma_start3A_195 = tpu.memref_slice %arg3[%dma_start3A_193, %dma_start3A_194] : memref<20608x1024xf32, #tpu.memory_space<hbm>> -> memref<20608x1024xf32, #tpu.memory_space<hbm>>
    tpu.enqueue_indirect_dma source(%dma_start3A_195 : memref<20608x1024xf32, #tpu.memory_space<hbm>>) target(%arg6 : memref<48x1024xf32, #tpu.memory_space<vmem>>) offsets(%dma_start3A_192 : memref<48xi32, #tpu.memory_space<vmem>>) semaphore(%arg8 : memref<!tpu.dma_semaphore, #tpu.memory_space<semaphore_mem>>)
    %dma_wait3A_196 = arith.constant 432 : i32
    %dma_wait3A_197 = tpu.memref_slice %arg5[%dma_wait3A_196] : memref<1152xi32, #tpu.memory_space<vmem>> -> memref<48xi32, #tpu.memory_space<vmem>>
    %dma_wait3A_198 = arith.constant 0 : i32
    %dma_wait3A_199 = arith.constant 0 : i32
    %dma_wait3A_200 = tpu.memref_slice %arg3[%dma_wait3A_198, %dma_wait3A_199] : memref<20608x1024xf32, #tpu.memory_space<hbm>> -> memref<20608x1024xf32, #tpu.memory_space<hbm>>
    tpu.wait_indirect_dma semaphore(%arg9 : memref<!tpu.dma_semaphore, #tpu.memory_space<semaphore_mem>>) src(%dma_wait3A_200 : memref<20608x1024xf32, #tpu.memory_space<hbm>>) dst(%arg7 : memref<48x1024xf32, #tpu.memory_space<vmem>>)
    %add3A_201 = arith.constant 432 : i32
    %add3A_202 = arith.addi %mul3A_2, %add3A_201 : i32
    %dma_start3A_203 = arith.constant 0 : i32
    %dma_start3A_204 = tpu.memref_slice %arg4[%add3A_202, %dma_start3A_203] : memref<36864x1024xf32, #tpu.memory_space<hbm>> -> memref<48x1024xf32, #tpu.memory_space<hbm>>
    %dma_start3A_205 = arith.constant 0 : i32
    %dma_start3A_206 = tpu.memref_slice %arg4[%add3A_202, %dma_start3A_205] : memref<36864x1024xf32, #tpu.memory_space<hbm>> -> memref<48x1024xf32, #tpu.memory_space<hbm>>
    tpu.enqueue_dma source(%arg7 : memref<48x1024xf32, #tpu.memory_space<vmem>>) target(%dma_start3A_206 : memref<48x1024xf32, #tpu.memory_space<hbm>>) target_semaphore(%arg11 : memref<!tpu.dma_semaphore, #tpu.memory_space<semaphore_mem>>)
    %dma_wait3A_207 = arith.constant 0 : i32
    %dma_wait3A_208 = tpu.memref_slice %arg4[%add3A_202, %dma_wait3A_207] : memref<36864x1024xf32, #tpu.memory_space<hbm>> -> memref<48x1024xf32, #tpu.memory_space<hbm>>
    %dma_wait3A_209 = arith.constant 0 : i32
    %dma_wait3A_210 = tpu.memref_slice %arg4[%add3A_202, %dma_wait3A_209] : memref<36864x1024xf32, #tpu.memory_space<hbm>> -> memref<48x1024xf32, #tpu.memory_space<hbm>>
    tpu.wait_dma2 semaphore(%arg11 : memref<!tpu.dma_semaphore, #tpu.memory_space<semaphore_mem>>) src(%arg7 : memref<48x1024xf32, #tpu.memory_space<vmem>>) dst(%dma_wait3A_210 : memref<48x1024xf32, #tpu.memory_space<hbm>>)
    %dma_start3A_211 = arith.constant 528 : i32
    %dma_start3A_212 = tpu.memref_slice %arg5[%dma_start3A_211] : memref<1152xi32, #tpu.memory_space<vmem>> -> memref<48xi32, #tpu.memory_space<vmem>>
    %dma_start3A_213 = arith.constant 0 : i32
    %dma_start3A_214 = arith.constant 0 : i32
    %dma_start3A_215 = tpu.memref_slice %arg3[%dma_start3A_213, %dma_start3A_214] : memref<20608x1024xf32, #tpu.memory_space<hbm>> -> memref<20608x1024xf32, #tpu.memory_space<hbm>>
    tpu.enqueue_indirect_dma source(%dma_start3A_215 : memref<20608x1024xf32, #tpu.memory_space<hbm>>) target(%arg7 : memref<48x1024xf32, #tpu.memory_space<vmem>>) offsets(%dma_start3A_212 : memref<48xi32, #tpu.memory_space<vmem>>) semaphore(%arg9 : memref<!tpu.dma_semaphore, #tpu.memory_space<semaphore_mem>>)
    %dma_wait3A_216 = arith.constant 480 : i32
    %dma_wait3A_217 = tpu.memref_slice %arg5[%dma_wait3A_216] : memref<1152xi32, #tpu.memory_space<vmem>> -> memref<48xi32, #tpu.memory_space<vmem>>
    %dma_wait3A_218 = arith.constant 0 : i32
    %dma_wait3A_219 = arith.constant 0 : i32
    %dma_wait3A_220 = tpu.memref_slice %arg3[%dma_wait3A_218, %dma_wait3A_219] : memref<20608x1024xf32, #tpu.memory_space<hbm>> -> memref<20608x1024xf32, #tpu.memory_space<hbm>>
    tpu.wait_indirect_dma semaphore(%arg8 : memref<!tpu.dma_semaphore, #tpu.memory_space<semaphore_mem>>) src(%dma_wait3A_220 : memref<20608x1024xf32, #tpu.memory_space<hbm>>) dst(%arg6 : memref<48x1024xf32, #tpu.memory_space<vmem>>)
    %add3A_221 = arith.constant 480 : i32
    %add3A_222 = arith.addi %mul3A_2, %add3A_221 : i32
    %dma_start3A_223 = arith.constant 0 : i32
    %dma_start3A_224 = tpu.memref_slice %arg4[%add3A_222, %dma_start3A_223] : memref<36864x1024xf32, #tpu.memory_space<hbm>> -> memref<48x1024xf32, #tpu.memory_space<hbm>>
    %dma_start3A_225 = arith.constant 0 : i32
    %dma_start3A_226 = tpu.memref_slice %arg4[%add3A_222, %dma_start3A_225] : memref<36864x1024xf32, #tpu.memory_space<hbm>> -> memref<48x1024xf32, #tpu.memory_space<hbm>>
    tpu.enqueue_dma source(%arg6 : memref<48x1024xf32, #tpu.memory_space<vmem>>) target(%dma_start3A_226 : memref<48x1024xf32, #tpu.memory_space<hbm>>) target_semaphore(%arg10 : memref<!tpu.dma_semaphore, #tpu.memory_space<semaphore_mem>>)
    %dma_wait3A_227 = arith.constant 0 : i32
    %dma_wait3A_228 = tpu.memref_slice %arg4[%add3A_222, %dma_wait3A_227] : memref<36864x1024xf32, #tpu.memory_space<hbm>> -> memref<48x1024xf32, #tpu.memory_space<hbm>>
    %dma_wait3A_229 = arith.constant 0 : i32
    %dma_wait3A_230 = tpu.memref_slice %arg4[%add3A_222, %dma_wait3A_229] : memref<36864x1024xf32, #tpu.memory_space<hbm>> -> memref<48x1024xf32, #tpu.memory_space<hbm>>
    tpu.wait_dma2 semaphore(%arg10 : memref<!tpu.dma_semaphore, #tpu.memory_space<semaphore_mem>>) src(%arg6 : memref<48x1024xf32, #tpu.memory_space<vmem>>) dst(%dma_wait3A_230 : memref<48x1024xf32, #tpu.memory_space<hbm>>)
    %dma_start3A_231 = arith.constant 576 : i32
    %dma_start3A_232 = tpu.memref_slice %arg5[%dma_start3A_231] : memref<1152xi32, #tpu.memory_space<vmem>> -> memref<48xi32, #tpu.memory_space<vmem>>
    %dma_start3A_233 = arith.constant 0 : i32
    %dma_start3A_234 = arith.constant 0 : i32
    %dma_start3A_235 = tpu.memref_slice %arg3[%dma_start3A_233, %dma_start3A_234] : memref<20608x1024xf32, #tpu.memory_space<hbm>> -> memref<20608x1024xf32, #tpu.memory_space<hbm>>
    tpu.enqueue_indirect_dma source(%dma_start3A_235 : memref<20608x1024xf32, #tpu.memory_space<hbm>>) target(%arg6 : memref<48x1024xf32, #tpu.memory_space<vmem>>) offsets(%dma_start3A_232 : memref<48xi32, #tpu.memory_space<vmem>>) semaphore(%arg8 : memref<!tpu.dma_semaphore, #tpu.memory_space<semaphore_mem>>)
    %dma_wait3A_236 = arith.constant 528 : i32
    %dma_wait3A_237 = tpu.memref_slice %arg5[%dma_wait3A_236] : memref<1152xi32, #tpu.memory_space<vmem>> -> memref<48xi32, #tpu.memory_space<vmem>>
    %dma_wait3A_238 = arith.constant 0 : i32
    %dma_wait3A_239 = arith.constant 0 : i32
    %dma_wait3A_240 = tpu.memref_slice %arg3[%dma_wait3A_238, %dma_wait3A_239] : memref<20608x1024xf32, #tpu.memory_space<hbm>> -> memref<20608x1024xf32, #tpu.memory_space<hbm>>
    tpu.wait_indirect_dma semaphore(%arg9 : memref<!tpu.dma_semaphore, #tpu.memory_space<semaphore_mem>>) src(%dma_wait3A_240 : memref<20608x1024xf32, #tpu.memory_space<hbm>>) dst(%arg7 : memref<48x1024xf32, #tpu.memory_space<vmem>>)
    %add3A_241 = arith.constant 528 : i32
    %add3A_242 = arith.addi %mul3A_2, %add3A_241 : i32
    %dma_start3A_243 = arith.constant 0 : i32
    %dma_start3A_244 = tpu.memref_slice %arg4[%add3A_242, %dma_start3A_243] : memref<36864x1024xf32, #tpu.memory_space<hbm>> -> memref<48x1024xf32, #tpu.memory_space<hbm>>
    %dma_start3A_245 = arith.constant 0 : i32
    %dma_start3A_246 = tpu.memref_slice %arg4[%add3A_242, %dma_start3A_245] : memref<36864x1024xf32, #tpu.memory_space<hbm>> -> memref<48x1024xf32, #tpu.memory_space<hbm>>
    tpu.enqueue_dma source(%arg7 : memref<48x1024xf32, #tpu.memory_space<vmem>>) target(%dma_start3A_246 : memref<48x1024xf32, #tpu.memory_space<hbm>>) target_semaphore(%arg11 : memref<!tpu.dma_semaphore, #tpu.memory_space<semaphore_mem>>)
    %dma_wait3A_247 = arith.constant 0 : i32
    %dma_wait3A_248 = tpu.memref_slice %arg4[%add3A_242, %dma_wait3A_247] : memref<36864x1024xf32, #tpu.memory_space<hbm>> -> memref<48x1024xf32, #tpu.memory_space<hbm>>
    %dma_wait3A_249 = arith.constant 0 : i32
    %dma_wait3A_250 = tpu.memref_slice %arg4[%add3A_242, %dma_wait3A_249] : memref<36864x1024xf32, #tpu.memory_space<hbm>> -> memref<48x1024xf32, #tpu.memory_space<hbm>>
    tpu.wait_dma2 semaphore(%arg11 : memref<!tpu.dma_semaphore, #tpu.memory_space<semaphore_mem>>) src(%arg7 : memref<48x1024xf32, #tpu.memory_space<vmem>>) dst(%dma_wait3A_250 : memref<48x1024xf32, #tpu.memory_space<hbm>>)
    %dma_start3A_251 = arith.constant 624 : i32
    %dma_start3A_252 = tpu.memref_slice %arg5[%dma_start3A_251] : memref<1152xi32, #tpu.memory_space<vmem>> -> memref<48xi32, #tpu.memory_space<vmem>>
    %dma_start3A_253 = arith.constant 0 : i32
    %dma_start3A_254 = arith.constant 0 : i32
    %dma_start3A_255 = tpu.memref_slice %arg3[%dma_start3A_253, %dma_start3A_254] : memref<20608x1024xf32, #tpu.memory_space<hbm>> -> memref<20608x1024xf32, #tpu.memory_space<hbm>>
    tpu.enqueue_indirect_dma source(%dma_start3A_255 : memref<20608x1024xf32, #tpu.memory_space<hbm>>) target(%arg7 : memref<48x1024xf32, #tpu.memory_space<vmem>>) offsets(%dma_start3A_252 : memref<48xi32, #tpu.memory_space<vmem>>) semaphore(%arg9 : memref<!tpu.dma_semaphore, #tpu.memory_space<semaphore_mem>>)
    %dma_wait3A_256 = arith.constant 576 : i32
    %dma_wait3A_257 = tpu.memref_slice %arg5[%dma_wait3A_256] : memref<1152xi32, #tpu.memory_space<vmem>> -> memref<48xi32, #tpu.memory_space<vmem>>
    %dma_wait3A_258 = arith.constant 0 : i32
    %dma_wait3A_259 = arith.constant 0 : i32
    %dma_wait3A_260 = tpu.memref_slice %arg3[%dma_wait3A_258, %dma_wait3A_259] : memref<20608x1024xf32, #tpu.memory_space<hbm>> -> memref<20608x1024xf32, #tpu.memory_space<hbm>>
    tpu.wait_indirect_dma semaphore(%arg8 : memref<!tpu.dma_semaphore, #tpu.memory_space<semaphore_mem>>) src(%dma_wait3A_260 : memref<20608x1024xf32, #tpu.memory_space<hbm>>) dst(%arg6 : memref<48x1024xf32, #tpu.memory_space<vmem>>)
    %add3A_261 = arith.constant 576 : i32
    %add3A_262 = arith.addi %mul3A_2, %add3A_261 : i32
    %dma_start3A_263 = arith.constant 0 : i32
    %dma_start3A_264 = tpu.memref_slice %arg4[%add3A_262, %dma_start3A_263] : memref<36864x1024xf32, #tpu.memory_space<hbm>> -> memref<48x1024xf32, #tpu.memory_space<hbm>>
    %dma_start3A_265 = arith.constant 0 : i32
    %dma_start3A_266 = tpu.memref_slice %arg4[%add3A_262, %dma_start3A_265] : memref<36864x1024xf32, #tpu.memory_space<hbm>> -> memref<48x1024xf32, #tpu.memory_space<hbm>>
    tpu.enqueue_dma source(%arg6 : memref<48x1024xf32, #tpu.memory_space<vmem>>) target(%dma_start3A_266 : memref<48x1024xf32, #tpu.memory_space<hbm>>) target_semaphore(%arg10 : memref<!tpu.dma_semaphore, #tpu.memory_space<semaphore_mem>>)
    %dma_wait3A_267 = arith.constant 0 : i32
    %dma_wait3A_268 = tpu.memref_slice %arg4[%add3A_262, %dma_wait3A_267] : memref<36864x1024xf32, #tpu.memory_space<hbm>> -> memref<48x1024xf32, #tpu.memory_space<hbm>>
    %dma_wait3A_269 = arith.constant 0 : i32
    %dma_wait3A_270 = tpu.memref_slice %arg4[%add3A_262, %dma_wait3A_269] : memref<36864x1024xf32, #tpu.memory_space<hbm>> -> memref<48x1024xf32, #tpu.memory_space<hbm>>
    tpu.wait_dma2 semaphore(%arg10 : memref<!tpu.dma_semaphore, #tpu.memory_space<semaphore_mem>>) src(%arg6 : memref<48x1024xf32, #tpu.memory_space<vmem>>) dst(%dma_wait3A_270 : memref<48x1024xf32, #tpu.memory_space<hbm>>)
    %dma_start3A_271 = arith.constant 672 : i32
    %dma_start3A_272 = tpu.memref_slice %arg5[%dma_start3A_271] : memref<1152xi32, #tpu.memory_space<vmem>> -> memref<48xi32, #tpu.memory_space<vmem>>
    %dma_start3A_273 = arith.constant 0 : i32
    %dma_start3A_274 = arith.constant 0 : i32
    %dma_start3A_275 = tpu.memref_slice %arg3[%dma_start3A_273, %dma_start3A_274] : memref<20608x1024xf32, #tpu.memory_space<hbm>> -> memref<20608x1024xf32, #tpu.memory_space<hbm>>
    tpu.enqueue_indirect_dma source(%dma_start3A_275 : memref<20608x1024xf32, #tpu.memory_space<hbm>>) target(%arg6 : memref<48x1024xf32, #tpu.memory_space<vmem>>) offsets(%dma_start3A_272 : memref<48xi32, #tpu.memory_space<vmem>>) semaphore(%arg8 : memref<!tpu.dma_semaphore, #tpu.memory_space<semaphore_mem>>)
    %dma_wait3A_276 = arith.constant 624 : i32
    %dma_wait3A_277 = tpu.memref_slice %arg5[%dma_wait3A_276] : memref<1152xi32, #tpu.memory_space<vmem>> -> memref<48xi32, #tpu.memory_space<vmem>>
    %dma_wait3A_278 = arith.constant 0 : i32
    %dma_wait3A_279 = arith.constant 0 : i32
    %dma_wait3A_280 = tpu.memref_slice %arg3[%dma_wait3A_278, %dma_wait3A_279] : memref<20608x1024xf32, #tpu.memory_space<hbm>> -> memref<20608x1024xf32, #tpu.memory_space<hbm>>
    tpu.wait_indirect_dma semaphore(%arg9 : memref<!tpu.dma_semaphore, #tpu.memory_space<semaphore_mem>>) src(%dma_wait3A_280 : memref<20608x1024xf32, #tpu.memory_space<hbm>>) dst(%arg7 : memref<48x1024xf32, #tpu.memory_space<vmem>>)
    %add3A_281 = arith.constant 624 : i32
    %add3A_282 = arith.addi %mul3A_2, %add3A_281 : i32
    %dma_start3A_283 = arith.constant 0 : i32
    %dma_start3A_284 = tpu.memref_slice %arg4[%add3A_282, %dma_start3A_283] : memref<36864x1024xf32, #tpu.memory_space<hbm>> -> memref<48x1024xf32, #tpu.memory_space<hbm>>
    %dma_start3A_285 = arith.constant 0 : i32
    %dma_start3A_286 = tpu.memref_slice %arg4[%add3A_282, %dma_start3A_285] : memref<36864x1024xf32, #tpu.memory_space<hbm>> -> memref<48x1024xf32, #tpu.memory_space<hbm>>
    tpu.enqueue_dma source(%arg7 : memref<48x1024xf32, #tpu.memory_space<vmem>>) target(%dma_start3A_286 : memref<48x1024xf32, #tpu.memory_space<hbm>>) target_semaphore(%arg11 : memref<!tpu.dma_semaphore, #tpu.memory_space<semaphore_mem>>)
    %dma_wait3A_287 = arith.constant 0 : i32
    %dma_wait3A_288 = tpu.memref_slice %arg4[%add3A_282, %dma_wait3A_287] : memref<36864x1024xf32, #tpu.memory_space<hbm>> -> memref<48x1024xf32, #tpu.memory_space<hbm>>
    %dma_wait3A_289 = arith.constant 0 : i32
    %dma_wait3A_290 = tpu.memref_slice %arg4[%add3A_282, %dma_wait3A_289] : memref<36864x1024xf32, #tpu.memory_space<hbm>> -> memref<48x1024xf32, #tpu.memory_space<hbm>>
    tpu.wait_dma2 semaphore(%arg11 : memref<!tpu.dma_semaphore, #tpu.memory_space<semaphore_mem>>) src(%arg7 : memref<48x1024xf32, #tpu.memory_space<vmem>>) dst(%dma_wait3A_290 : memref<48x1024xf32, #tpu.memory_space<hbm>>)
    %dma_start3A_291 = arith.constant 720 : i32
    %dma_start3A_292 = tpu.memref_slice %arg5[%dma_start3A_291] : memref<1152xi32, #tpu.memory_space<vmem>> -> memref<48xi32, #tpu.memory_space<vmem>>
    %dma_start3A_293 = arith.constant 0 : i32
    %dma_start3A_294 = arith.constant 0 : i32
    %dma_start3A_295 = tpu.memref_slice %arg3[%dma_start3A_293, %dma_start3A_294] : memref<20608x1024xf32, #tpu.memory_space<hbm>> -> memref<20608x1024xf32, #tpu.memory_space<hbm>>
    tpu.enqueue_indirect_dma source(%dma_start3A_295 : memref<20608x1024xf32, #tpu.memory_space<hbm>>) target(%arg7 : memref<48x1024xf32, #tpu.memory_space<vmem>>) offsets(%dma_start3A_292 : memref<48xi32, #tpu.memory_space<vmem>>) semaphore(%arg9 : memref<!tpu.dma_semaphore, #tpu.memory_space<semaphore_mem>>)
    %dma_wait3A_296 = arith.constant 672 : i32
    %dma_wait3A_297 = tpu.memref_slice %arg5[%dma_wait3A_296] : memref<1152xi32, #tpu.memory_space<vmem>> -> memref<48xi32, #tpu.memory_space<vmem>>
    %dma_wait3A_298 = arith.constant 0 : i32
    %dma_wait3A_299 = arith.constant 0 : i32
    %dma_wait3A_300 = tpu.memref_slice %arg3[%dma_wait3A_298, %dma_wait3A_299] : memref<20608x1024xf32, #tpu.memory_space<hbm>> -> memref<20608x1024xf32, #tpu.memory_space<hbm>>
    tpu.wait_indirect_dma semaphore(%arg8 : memref<!tpu.dma_semaphore, #tpu.memory_space<semaphore_mem>>) src(%dma_wait3A_300 : memref<20608x1024xf32, #tpu.memory_space<hbm>>) dst(%arg6 : memref<48x1024xf32, #tpu.memory_space<vmem>>)
    %add3A_301 = arith.constant 672 : i32
    %add3A_302 = arith.addi %mul3A_2, %add3A_301 : i32
    %dma_start3A_303 = arith.constant 0 : i32
    %dma_start3A_304 = tpu.memref_slice %arg4[%add3A_302, %dma_start3A_303] : memref<36864x1024xf32, #tpu.memory_space<hbm>> -> memref<48x1024xf32, #tpu.memory_space<hbm>>
    %dma_start3A_305 = arith.constant 0 : i32
    %dma_start3A_306 = tpu.memref_slice %arg4[%add3A_302, %dma_start3A_305] : memref<36864x1024xf32, #tpu.memory_space<hbm>> -> memref<48x1024xf32, #tpu.memory_space<hbm>>
    tpu.enqueue_dma source(%arg6 : memref<48x1024xf32, #tpu.memory_space<vmem>>) target(%dma_start3A_306 : memref<48x1024xf32, #tpu.memory_space<hbm>>) target_semaphore(%arg10 : memref<!tpu.dma_semaphore, #tpu.memory_space<semaphore_mem>>)
    %dma_wait3A_307 = arith.constant 0 : i32
    %dma_wait3A_308 = tpu.memref_slice %arg4[%add3A_302, %dma_wait3A_307] : memref<36864x1024xf32, #tpu.memory_space<hbm>> -> memref<48x1024xf32, #tpu.memory_space<hbm>>
    %dma_wait3A_309 = arith.constant 0 : i32
    %dma_wait3A_310 = tpu.memref_slice %arg4[%add3A_302, %dma_wait3A_309] : memref<36864x1024xf32, #tpu.memory_space<hbm>> -> memref<48x1024xf32, #tpu.memory_space<hbm>>
    tpu.wait_dma2 semaphore(%arg10 : memref<!tpu.dma_semaphore, #tpu.memory_space<semaphore_mem>>) src(%arg6 : memref<48x1024xf32, #tpu.memory_space<vmem>>) dst(%dma_wait3A_310 : memref<48x1024xf32, #tpu.memory_space<hbm>>)
    %dma_start3A_311 = arith.constant 768 : i32
    %dma_start3A_312 = tpu.memref_slice %arg5[%dma_start3A_311] : memref<1152xi32, #tpu.memory_space<vmem>> -> memref<48xi32, #tpu.memory_space<vmem>>
    %dma_start3A_313 = arith.constant 0 : i32
    %dma_start3A_314 = arith.constant 0 : i32
    %dma_start3A_315 = tpu.memref_slice %arg3[%dma_start3A_313, %dma_start3A_314] : memref<20608x1024xf32, #tpu.memory_space<hbm>> -> memref<20608x1024xf32, #tpu.memory_space<hbm>>
    tpu.enqueue_indirect_dma source(%dma_start3A_315 : memref<20608x1024xf32, #tpu.memory_space<hbm>>) target(%arg6 : memref<48x1024xf32, #tpu.memory_space<vmem>>) offsets(%dma_start3A_312 : memref<48xi32, #tpu.memory_space<vmem>>) semaphore(%arg8 : memref<!tpu.dma_semaphore, #tpu.memory_space<semaphore_mem>>)
    %dma_wait3A_316 = arith.constant 720 : i32
    %dma_wait3A_317 = tpu.memref_slice %arg5[%dma_wait3A_316] : memref<1152xi32, #tpu.memory_space<vmem>> -> memref<48xi32, #tpu.memory_space<vmem>>
    %dma_wait3A_318 = arith.constant 0 : i32
    %dma_wait3A_319 = arith.constant 0 : i32
    %dma_wait3A_320 = tpu.memref_slice %arg3[%dma_wait3A_318, %dma_wait3A_319] : memref<20608x1024xf32, #tpu.memory_space<hbm>> -> memref<20608x1024xf32, #tpu.memory_space<hbm>>
    tpu.wait_indirect_dma semaphore(%arg9 : memref<!tpu.dma_semaphore, #tpu.memory_space<semaphore_mem>>) src(%dma_wait3A_320 : memref<20608x1024xf32, #tpu.memory_space<hbm>>) dst(%arg7 : memref<48x1024xf32, #tpu.memory_space<vmem>>)
    %add3A_321 = arith.constant 720 : i32
    %add3A_322 = arith.addi %mul3A_2, %add3A_321 : i32
    %dma_start3A_323 = arith.constant 0 : i32
    %dma_start3A_324 = tpu.memref_slice %arg4[%add3A_322, %dma_start3A_323] : memref<36864x1024xf32, #tpu.memory_space<hbm>> -> memref<48x1024xf32, #tpu.memory_space<hbm>>
    %dma_start3A_325 = arith.constant 0 : i32
    %dma_start3A_326 = tpu.memref_slice %arg4[%add3A_322, %dma_start3A_325] : memref<36864x1024xf32, #tpu.memory_space<hbm>> -> memref<48x1024xf32, #tpu.memory_space<hbm>>
    tpu.enqueue_dma source(%arg7 : memref<48x1024xf32, #tpu.memory_space<vmem>>) target(%dma_start3A_326 : memref<48x1024xf32, #tpu.memory_space<hbm>>) target_semaphore(%arg11 : memref<!tpu.dma_semaphore, #tpu.memory_space<semaphore_mem>>)
    %dma_wait3A_327 = arith.constant 0 : i32
    %dma_wait3A_328 = tpu.memref_slice %arg4[%add3A_322, %dma_wait3A_327] : memref<36864x1024xf32, #tpu.memory_space<hbm>> -> memref<48x1024xf32, #tpu.memory_space<hbm>>
    %dma_wait3A_329 = arith.constant 0 : i32
    %dma_wait3A_330 = tpu.memref_slice %arg4[%add3A_322, %dma_wait3A_329] : memref<36864x1024xf32, #tpu.memory_space<hbm>> -> memref<48x1024xf32, #tpu.memory_space<hbm>>
    tpu.wait_dma2 semaphore(%arg11 : memref<!tpu.dma_semaphore, #tpu.memory_space<semaphore_mem>>) src(%arg7 : memref<48x1024xf32, #tpu.memory_space<vmem>>) dst(%dma_wait3A_330 : memref<48x1024xf32, #tpu.memory_space<hbm>>)
    %dma_start3A_331 = arith.constant 816 : i32
    %dma_start3A_332 = tpu.memref_slice %arg5[%dma_start3A_331] : memref<1152xi32, #tpu.memory_space<vmem>> -> memref<48xi32, #tpu.memory_space<vmem>>
    %dma_start3A_333 = arith.constant 0 : i32
    %dma_start3A_334 = arith.constant 0 : i32
    %dma_start3A_335 = tpu.memref_slice %arg3[%dma_start3A_333, %dma_start3A_334] : memref<20608x1024xf32, #tpu.memory_space<hbm>> -> memref<20608x1024xf32, #tpu.memory_space<hbm>>
    tpu.enqueue_indirect_dma source(%dma_start3A_335 : memref<20608x1024xf32, #tpu.memory_space<hbm>>) target(%arg7 : memref<48x1024xf32, #tpu.memory_space<vmem>>) offsets(%dma_start3A_332 : memref<48xi32, #tpu.memory_space<vmem>>) semaphore(%arg9 : memref<!tpu.dma_semaphore, #tpu.memory_space<semaphore_mem>>)
    %dma_wait3A_336 = arith.constant 768 : i32
    %dma_wait3A_337 = tpu.memref_slice %arg5[%dma_wait3A_336] : memref<1152xi32, #tpu.memory_space<vmem>> -> memref<48xi32, #tpu.memory_space<vmem>>
    %dma_wait3A_338 = arith.constant 0 : i32
    %dma_wait3A_339 = arith.constant 0 : i32
    %dma_wait3A_340 = tpu.memref_slice %arg3[%dma_wait3A_338, %dma_wait3A_339] : memref<20608x1024xf32, #tpu.memory_space<hbm>> -> memref<20608x1024xf32, #tpu.memory_space<hbm>>
    tpu.wait_indirect_dma semaphore(%arg8 : memref<!tpu.dma_semaphore, #tpu.memory_space<semaphore_mem>>) src(%dma_wait3A_340 : memref<20608x1024xf32, #tpu.memory_space<hbm>>) dst(%arg6 : memref<48x1024xf32, #tpu.memory_space<vmem>>)
    %add3A_341 = arith.constant 768 : i32
    %add3A_342 = arith.addi %mul3A_2, %add3A_341 : i32
    %dma_start3A_343 = arith.constant 0 : i32
    %dma_start3A_344 = tpu.memref_slice %arg4[%add3A_342, %dma_start3A_343] : memref<36864x1024xf32, #tpu.memory_space<hbm>> -> memref<48x1024xf32, #tpu.memory_space<hbm>>
    %dma_start3A_345 = arith.constant 0 : i32
    %dma_start3A_346 = tpu.memref_slice %arg4[%add3A_342, %dma_start3A_345] : memref<36864x1024xf32, #tpu.memory_space<hbm>> -> memref<48x1024xf32, #tpu.memory_space<hbm>>
    tpu.enqueue_dma source(%arg6 : memref<48x1024xf32, #tpu.memory_space<vmem>>) target(%dma_start3A_346 : memref<48x1024xf32, #tpu.memory_space<hbm>>) target_semaphore(%arg10 : memref<!tpu.dma_semaphore, #tpu.memory_space<semaphore_mem>>)
    %dma_wait3A_347 = arith.constant 0 : i32
    %dma_wait3A_348 = tpu.memref_slice %arg4[%add3A_342, %dma_wait3A_347] : memref<36864x1024xf32, #tpu.memory_space<hbm>> -> memref<48x1024xf32, #tpu.memory_space<hbm>>
    %dma_wait3A_349 = arith.constant 0 : i32
    %dma_wait3A_350 = tpu.memref_slice %arg4[%add3A_342, %dma_wait3A_349] : memref<36864x1024xf32, #tpu.memory_space<hbm>> -> memref<48x1024xf32, #tpu.memory_space<hbm>>
    tpu.wait_dma2 semaphore(%arg10 : memref<!tpu.dma_semaphore, #tpu.memory_space<semaphore_mem>>) src(%arg6 : memref<48x1024xf32, #tpu.memory_space<vmem>>) dst(%dma_wait3A_350 : memref<48x1024xf32, #tpu.memory_space<hbm>>)
    %dma_start3A_351 = arith.constant 864 : i32
    %dma_start3A_352 = tpu.memref_slice %arg5[%dma_start3A_351] : memref<1152xi32, #tpu.memory_space<vmem>> -> memref<48xi32, #tpu.memory_space<vmem>>
    %dma_start3A_353 = arith.constant 0 : i32
    %dma_start3A_354 = arith.constant 0 : i32
    %dma_start3A_355 = tpu.memref_slice %arg3[%dma_start3A_353, %dma_start3A_354] : memref<20608x1024xf32, #tpu.memory_space<hbm>> -> memref<20608x1024xf32, #tpu.memory_space<hbm>>
    tpu.enqueue_indirect_dma source(%dma_start3A_355 : memref<20608x1024xf32, #tpu.memory_space<hbm>>) target(%arg6 : memref<48x1024xf32, #tpu.memory_space<vmem>>) offsets(%dma_start3A_352 : memref<48xi32, #tpu.memory_space<vmem>>) semaphore(%arg8 : memref<!tpu.dma_semaphore, #tpu.memory_space<semaphore_mem>>)
    %dma_wait3A_356 = arith.constant 816 : i32
    %dma_wait3A_357 = tpu.memref_slice %arg5[%dma_wait3A_356] : memref<1152xi32, #tpu.memory_space<vmem>> -> memref<48xi32, #tpu.memory_space<vmem>>
    %dma_wait3A_358 = arith.constant 0 : i32
    %dma_wait3A_359 = arith.constant 0 : i32
    %dma_wait3A_360 = tpu.memref_slice %arg3[%dma_wait3A_358, %dma_wait3A_359] : memref<20608x1024xf32, #tpu.memory_space<hbm>> -> memref<20608x1024xf32, #tpu.memory_space<hbm>>
    tpu.wait_indirect_dma semaphore(%arg9 : memref<!tpu.dma_semaphore, #tpu.memory_space<semaphore_mem>>) src(%dma_wait3A_360 : memref<20608x1024xf32, #tpu.memory_space<hbm>>) dst(%arg7 : memref<48x1024xf32, #tpu.memory_space<vmem>>)
    %add3A_361 = arith.constant 816 : i32
    %add3A_362 = arith.addi %mul3A_2, %add3A_361 : i32
    %dma_start3A_363 = arith.constant 0 : i32
    %dma_start3A_364 = tpu.memref_slice %arg4[%add3A_362, %dma_start3A_363] : memref<36864x1024xf32, #tpu.memory_space<hbm>> -> memref<48x1024xf32, #tpu.memory_space<hbm>>
    %dma_start3A_365 = arith.constant 0 : i32
    %dma_start3A_366 = tpu.memref_slice %arg4[%add3A_362, %dma_start3A_365] : memref<36864x1024xf32, #tpu.memory_space<hbm>> -> memref<48x1024xf32, #tpu.memory_space<hbm>>
    tpu.enqueue_dma source(%arg7 : memref<48x1024xf32, #tpu.memory_space<vmem>>) target(%dma_start3A_366 : memref<48x1024xf32, #tpu.memory_space<hbm>>) target_semaphore(%arg11 : memref<!tpu.dma_semaphore, #tpu.memory_space<semaphore_mem>>)
    %dma_wait3A_367 = arith.constant 0 : i32
    %dma_wait3A_368 = tpu.memref_slice %arg4[%add3A_362, %dma_wait3A_367] : memref<36864x1024xf32, #tpu.memory_space<hbm>> -> memref<48x1024xf32, #tpu.memory_space<hbm>>
    %dma_wait3A_369 = arith.constant 0 : i32
    %dma_wait3A_370 = tpu.memref_slice %arg4[%add3A_362, %dma_wait3A_369] : memref<36864x1024xf32, #tpu.memory_space<hbm>> -> memref<48x1024xf32, #tpu.memory_space<hbm>>
    tpu.wait_dma2 semaphore(%arg11 : memref<!tpu.dma_semaphore, #tpu.memory_space<semaphore_mem>>) src(%arg7 : memref<48x1024xf32, #tpu.memory_space<vmem>>) dst(%dma_wait3A_370 : memref<48x1024xf32, #tpu.memory_space<hbm>>)
    %dma_start3A_371 = arith.constant 912 : i32
    %dma_start3A_372 = tpu.memref_slice %arg5[%dma_start3A_371] : memref<1152xi32, #tpu.memory_space<vmem>> -> memref<48xi32, #tpu.memory_space<vmem>>
    %dma_start3A_373 = arith.constant 0 : i32
    %dma_start3A_374 = arith.constant 0 : i32
    %dma_start3A_375 = tpu.memref_slice %arg3[%dma_start3A_373, %dma_start3A_374] : memref<20608x1024xf32, #tpu.memory_space<hbm>> -> memref<20608x1024xf32, #tpu.memory_space<hbm>>
    tpu.enqueue_indirect_dma source(%dma_start3A_375 : memref<20608x1024xf32, #tpu.memory_space<hbm>>) target(%arg7 : memref<48x1024xf32, #tpu.memory_space<vmem>>) offsets(%dma_start3A_372 : memref<48xi32, #tpu.memory_space<vmem>>) semaphore(%arg9 : memref<!tpu.dma_semaphore, #tpu.memory_space<semaphore_mem>>)
    %dma_wait3A_376 = arith.constant 864 : i32
    %dma_wait3A_377 = tpu.memref_slice %arg5[%dma_wait3A_376] : memref<1152xi32, #tpu.memory_space<vmem>> -> memref<48xi32, #tpu.memory_space<vmem>>
    %dma_wait3A_378 = arith.constant 0 : i32
    %dma_wait3A_379 = arith.constant 0 : i32
    %dma_wait3A_380 = tpu.memref_slice %arg3[%dma_wait3A_378, %dma_wait3A_379] : memref<20608x1024xf32, #tpu.memory_space<hbm>> -> memref<20608x1024xf32, #tpu.memory_space<hbm>>
    tpu.wait_indirect_dma semaphore(%arg8 : memref<!tpu.dma_semaphore, #tpu.memory_space<semaphore_mem>>) src(%dma_wait3A_380 : memref<20608x1024xf32, #tpu.memory_space<hbm>>) dst(%arg6 : memref<48x1024xf32, #tpu.memory_space<vmem>>)
    %add3A_381 = arith.constant 864 : i32
    %add3A_382 = arith.addi %mul3A_2, %add3A_381 : i32
    %dma_start3A_383 = arith.constant 0 : i32
    %dma_start3A_384 = tpu.memref_slice %arg4[%add3A_382, %dma_start3A_383] : memref<36864x1024xf32, #tpu.memory_space<hbm>> -> memref<48x1024xf32, #tpu.memory_space<hbm>>
    %dma_start3A_385 = arith.constant 0 : i32
    %dma_start3A_386 = tpu.memref_slice %arg4[%add3A_382, %dma_start3A_385] : memref<36864x1024xf32, #tpu.memory_space<hbm>> -> memref<48x1024xf32, #tpu.memory_space<hbm>>
    tpu.enqueue_dma source(%arg6 : memref<48x1024xf32, #tpu.memory_space<vmem>>) target(%dma_start3A_386 : memref<48x1024xf32, #tpu.memory_space<hbm>>) target_semaphore(%arg10 : memref<!tpu.dma_semaphore, #tpu.memory_space<semaphore_mem>>)
    %dma_wait3A_387 = arith.constant 0 : i32
    %dma_wait3A_388 = tpu.memref_slice %arg4[%add3A_382, %dma_wait3A_387] : memref<36864x1024xf32, #tpu.memory_space<hbm>> -> memref<48x1024xf32, #tpu.memory_space<hbm>>
    %dma_wait3A_389 = arith.constant 0 : i32
    %dma_wait3A_390 = tpu.memref_slice %arg4[%add3A_382, %dma_wait3A_389] : memref<36864x1024xf32, #tpu.memory_space<hbm>> -> memref<48x1024xf32, #tpu.memory_space<hbm>>
    tpu.wait_dma2 semaphore(%arg10 : memref<!tpu.dma_semaphore, #tpu.memory_space<semaphore_mem>>) src(%arg6 : memref<48x1024xf32, #tpu.memory_space<vmem>>) dst(%dma_wait3A_390 : memref<48x1024xf32, #tpu.memory_space<hbm>>)
    %dma_start3A_391 = arith.constant 960 : i32
    %dma_start3A_392 = tpu.memref_slice %arg5[%dma_start3A_391] : memref<1152xi32, #tpu.memory_space<vmem>> -> memref<48xi32, #tpu.memory_space<vmem>>
    %dma_start3A_393 = arith.constant 0 : i32
    %dma_start3A_394 = arith.constant 0 : i32
    %dma_start3A_395 = tpu.memref_slice %arg3[%dma_start3A_393, %dma_start3A_394] : memref<20608x1024xf32, #tpu.memory_space<hbm>> -> memref<20608x1024xf32, #tpu.memory_space<hbm>>
    tpu.enqueue_indirect_dma source(%dma_start3A_395 : memref<20608x1024xf32, #tpu.memory_space<hbm>>) target(%arg6 : memref<48x1024xf32, #tpu.memory_space<vmem>>) offsets(%dma_start3A_392 : memref<48xi32, #tpu.memory_space<vmem>>) semaphore(%arg8 : memref<!tpu.dma_semaphore, #tpu.memory_space<semaphore_mem>>)
    %dma_wait3A_396 = arith.constant 912 : i32
    %dma_wait3A_397 = tpu.memref_slice %arg5[%dma_wait3A_396] : memref<1152xi32, #tpu.memory_space<vmem>> -> memref<48xi32, #tpu.memory_space<vmem>>
    %dma_wait3A_398 = arith.constant 0 : i32
    %dma_wait3A_399 = arith.constant 0 : i32
    %dma_wait3A_400 = tpu.memref_slice %arg3[%dma_wait3A_398, %dma_wait3A_399] : memref<20608x1024xf32, #tpu.memory_space<hbm>> -> memref<20608x1024xf32, #tpu.memory_space<hbm>>
    tpu.wait_indirect_dma semaphore(%arg9 : memref<!tpu.dma_semaphore, #tpu.memory_space<semaphore_mem>>) src(%dma_wait3A_400 : memref<20608x1024xf32, #tpu.memory_space<hbm>>) dst(%arg7 : memref<48x1024xf32, #tpu.memory_space<vmem>>)
    %add3A_401 = arith.constant 912 : i32
    %add3A_402 = arith.addi %mul3A_2, %add3A_401 : i32
    %dma_start3A_403 = arith.constant 0 : i32
    %dma_start3A_404 = tpu.memref_slice %arg4[%add3A_402, %dma_start3A_403] : memref<36864x1024xf32, #tpu.memory_space<hbm>> -> memref<48x1024xf32, #tpu.memory_space<hbm>>
    %dma_start3A_405 = arith.constant 0 : i32
    %dma_start3A_406 = tpu.memref_slice %arg4[%add3A_402, %dma_start3A_405] : memref<36864x1024xf32, #tpu.memory_space<hbm>> -> memref<48x1024xf32, #tpu.memory_space<hbm>>
    tpu.enqueue_dma source(%arg7 : memref<48x1024xf32, #tpu.memory_space<vmem>>) target(%dma_start3A_406 : memref<48x1024xf32, #tpu.memory_space<hbm>>) target_semaphore(%arg11 : memref<!tpu.dma_semaphore, #tpu.memory_space<semaphore_mem>>)
    %dma_wait3A_407 = arith.constant 0 : i32
    %dma_wait3A_408 = tpu.memref_slice %arg4[%add3A_402, %dma_wait3A_407] : memref<36864x1024xf32, #tpu.memory_space<hbm>> -> memref<48x1024xf32, #tpu.memory_space<hbm>>
    %dma_wait3A_409 = arith.constant 0 : i32
    %dma_wait3A_410 = tpu.memref_slice %arg4[%add3A_402, %dma_wait3A_409] : memref<36864x1024xf32, #tpu.memory_space<hbm>> -> memref<48x1024xf32, #tpu.memory_space<hbm>>
    tpu.wait_dma2 semaphore(%arg11 : memref<!tpu.dma_semaphore, #tpu.memory_space<semaphore_mem>>) src(%arg7 : memref<48x1024xf32, #tpu.memory_space<vmem>>) dst(%dma_wait3A_410 : memref<48x1024xf32, #tpu.memory_space<hbm>>)
    %dma_start3A_411 = arith.constant 1008 : i32
    %dma_start3A_412 = tpu.memref_slice %arg5[%dma_start3A_411] : memref<1152xi32, #tpu.memory_space<vmem>> -> memref<48xi32, #tpu.memory_space<vmem>>
    %dma_start3A_413 = arith.constant 0 : i32
    %dma_start3A_414 = arith.constant 0 : i32
    %dma_start3A_415 = tpu.memref_slice %arg3[%dma_start3A_413, %dma_start3A_414] : memref<20608x1024xf32, #tpu.memory_space<hbm>> -> memref<20608x1024xf32, #tpu.memory_space<hbm>>
    tpu.enqueue_indirect_dma source(%dma_start3A_415 : memref<20608x1024xf32, #tpu.memory_space<hbm>>) target(%arg7 : memref<48x1024xf32, #tpu.memory_space<vmem>>) offsets(%dma_start3A_412 : memref<48xi32, #tpu.memory_space<vmem>>) semaphore(%arg9 : memref<!tpu.dma_semaphore, #tpu.memory_space<semaphore_mem>>)
    %dma_wait3A_416 = arith.constant 960 : i32
    %dma_wait3A_417 = tpu.memref_slice %arg5[%dma_wait3A_416] : memref<1152xi32, #tpu.memory_space<vmem>> -> memref<48xi32, #tpu.memory_space<vmem>>
    %dma_wait3A_418 = arith.constant 0 : i32
    %dma_wait3A_419 = arith.constant 0 : i32
    %dma_wait3A_420 = tpu.memref_slice %arg3[%dma_wait3A_418, %dma_wait3A_419] : memref<20608x1024xf32, #tpu.memory_space<hbm>> -> memref<20608x1024xf32, #tpu.memory_space<hbm>>
    tpu.wait_indirect_dma semaphore(%arg8 : memref<!tpu.dma_semaphore, #tpu.memory_space<semaphore_mem>>) src(%dma_wait3A_420 : memref<20608x1024xf32, #tpu.memory_space<hbm>>) dst(%arg6 : memref<48x1024xf32, #tpu.memory_space<vmem>>)
    %add3A_421 = arith.constant 960 : i32
    %add3A_422 = arith.addi %mul3A_2, %add3A_421 : i32
    %dma_start3A_423 = arith.constant 0 : i32
    %dma_start3A_424 = tpu.memref_slice %arg4[%add3A_422, %dma_start3A_423] : memref<36864x1024xf32, #tpu.memory_space<hbm>> -> memref<48x1024xf32, #tpu.memory_space<hbm>>
    %dma_start3A_425 = arith.constant 0 : i32
    %dma_start3A_426 = tpu.memref_slice %arg4[%add3A_422, %dma_start3A_425] : memref<36864x1024xf32, #tpu.memory_space<hbm>> -> memref<48x1024xf32, #tpu.memory_space<hbm>>
    tpu.enqueue_dma source(%arg6 : memref<48x1024xf32, #tpu.memory_space<vmem>>) target(%dma_start3A_426 : memref<48x1024xf32, #tpu.memory_space<hbm>>) target_semaphore(%arg10 : memref<!tpu.dma_semaphore, #tpu.memory_space<semaphore_mem>>)
    %dma_wait3A_427 = arith.constant 0 : i32
    %dma_wait3A_428 = tpu.memref_slice %arg4[%add3A_422, %dma_wait3A_427] : memref<36864x1024xf32, #tpu.memory_space<hbm>> -> memref<48x1024xf32, #tpu.memory_space<hbm>>
    %dma_wait3A_429 = arith.constant 0 : i32
    %dma_wait3A_430 = tpu.memref_slice %arg4[%add3A_422, %dma_wait3A_429] : memref<36864x1024xf32, #tpu.memory_space<hbm>> -> memref<48x1024xf32, #tpu.memory_space<hbm>>
    tpu.wait_dma2 semaphore(%arg10 : memref<!tpu.dma_semaphore, #tpu.memory_space<semaphore_mem>>) src(%arg6 : memref<48x1024xf32, #tpu.memory_space<vmem>>) dst(%dma_wait3A_430 : memref<48x1024xf32, #tpu.memory_space<hbm>>)
    %dma_start3A_431 = arith.constant 1056 : i32
    %dma_start3A_432 = tpu.memref_slice %arg5[%dma_start3A_431] : memref<1152xi32, #tpu.memory_space<vmem>> -> memref<48xi32, #tpu.memory_space<vmem>>
    %dma_start3A_433 = arith.constant 0 : i32
    %dma_start3A_434 = arith.constant 0 : i32
    %dma_start3A_435 = tpu.memref_slice %arg3[%dma_start3A_433, %dma_start3A_434] : memref<20608x1024xf32, #tpu.memory_space<hbm>> -> memref<20608x1024xf32, #tpu.memory_space<hbm>>
    tpu.enqueue_indirect_dma source(%dma_start3A_435 : memref<20608x1024xf32, #tpu.memory_space<hbm>>) target(%arg6 : memref<48x1024xf32, #tpu.memory_space<vmem>>) offsets(%dma_start3A_432 : memref<48xi32, #tpu.memory_space<vmem>>) semaphore(%arg8 : memref<!tpu.dma_semaphore, #tpu.memory_space<semaphore_mem>>)
    %dma_wait3A_436 = arith.constant 1008 : i32
    %dma_wait3A_437 = tpu.memref_slice %arg5[%dma_wait3A_436] : memref<1152xi32, #tpu.memory_space<vmem>> -> memref<48xi32, #tpu.memory_space<vmem>>
    %dma_wait3A_438 = arith.constant 0 : i32
    %dma_wait3A_439 = arith.constant 0 : i32
    %dma_wait3A_440 = tpu.memref_slice %arg3[%dma_wait3A_438, %dma_wait3A_439] : memref<20608x1024xf32, #tpu.memory_space<hbm>> -> memref<20608x1024xf32, #tpu.memory_space<hbm>>
    tpu.wait_indirect_dma semaphore(%arg9 : memref<!tpu.dma_semaphore, #tpu.memory_space<semaphore_mem>>) src(%dma_wait3A_440 : memref<20608x1024xf32, #tpu.memory_space<hbm>>) dst(%arg7 : memref<48x1024xf32, #tpu.memory_space<vmem>>)
    %add3A_441 = arith.constant 1008 : i32
    %add3A_442 = arith.addi %mul3A_2, %add3A_441 : i32
    %dma_start3A_443 = arith.constant 0 : i32
    %dma_start3A_444 = tpu.memref_slice %arg4[%add3A_442, %dma_start3A_443] : memref<36864x1024xf32, #tpu.memory_space<hbm>> -> memref<48x1024xf32, #tpu.memory_space<hbm>>
    %dma_start3A_445 = arith.constant 0 : i32
    %dma_start3A_446 = tpu.memref_slice %arg4[%add3A_442, %dma_start3A_445] : memref<36864x1024xf32, #tpu.memory_space<hbm>> -> memref<48x1024xf32, #tpu.memory_space<hbm>>
    tpu.enqueue_dma source(%arg7 : memref<48x1024xf32, #tpu.memory_space<vmem>>) target(%dma_start3A_446 : memref<48x1024xf32, #tpu.memory_space<hbm>>) target_semaphore(%arg11 : memref<!tpu.dma_semaphore, #tpu.memory_space<semaphore_mem>>)
    %dma_wait3A_447 = arith.constant 0 : i32
    %dma_wait3A_448 = tpu.memref_slice %arg4[%add3A_442, %dma_wait3A_447] : memref<36864x1024xf32, #tpu.memory_space<hbm>> -> memref<48x1024xf32, #tpu.memory_space<hbm>>
    %dma_wait3A_449 = arith.constant 0 : i32
    %dma_wait3A_450 = tpu.memref_slice %arg4[%add3A_442, %dma_wait3A_449] : memref<36864x1024xf32, #tpu.memory_space<hbm>> -> memref<48x1024xf32, #tpu.memory_space<hbm>>
    tpu.wait_dma2 semaphore(%arg11 : memref<!tpu.dma_semaphore, #tpu.memory_space<semaphore_mem>>) src(%arg7 : memref<48x1024xf32, #tpu.memory_space<vmem>>) dst(%dma_wait3A_450 : memref<48x1024xf32, #tpu.memory_space<hbm>>)
    %dma_start3A_451 = arith.constant 1104 : i32
    %dma_start3A_452 = tpu.memref_slice %arg5[%dma_start3A_451] : memref<1152xi32, #tpu.memory_space<vmem>> -> memref<48xi32, #tpu.memory_space<vmem>>
    %dma_start3A_453 = arith.constant 0 : i32
    %dma_start3A_454 = arith.constant 0 : i32
    %dma_start3A_455 = tpu.memref_slice %arg3[%dma_start3A_453, %dma_start3A_454] : memref<20608x1024xf32, #tpu.memory_space<hbm>> -> memref<20608x1024xf32, #tpu.memory_space<hbm>>
    tpu.enqueue_indirect_dma source(%dma_start3A_455 : memref<20608x1024xf32, #tpu.memory_space<hbm>>) target(%arg7 : memref<48x1024xf32, #tpu.memory_space<vmem>>) offsets(%dma_start3A_452 : memref<48xi32, #tpu.memory_space<vmem>>) semaphore(%arg9 : memref<!tpu.dma_semaphore, #tpu.memory_space<semaphore_mem>>)
    %dma_wait3A_456 = arith.constant 1056 : i32
    %dma_wait3A_457 = tpu.memref_slice %arg5[%dma_wait3A_456] : memref<1152xi32, #tpu.memory_space<vmem>> -> memref<48xi32, #tpu.memory_space<vmem>>
    %dma_wait3A_458 = arith.constant 0 : i32
    %dma_wait3A_459 = arith.constant 0 : i32
    %dma_wait3A_460 = tpu.memref_slice %arg3[%dma_wait3A_458, %dma_wait3A_459] : memref<20608x1024xf32, #tpu.memory_space<hbm>> -> memref<20608x1024xf32, #tpu.memory_space<hbm>>
    tpu.wait_indirect_dma semaphore(%arg8 : memref<!tpu.dma_semaphore, #tpu.memory_space<semaphore_mem>>) src(%dma_wait3A_460 : memref<20608x1024xf32, #tpu.memory_space<hbm>>) dst(%arg6 : memref<48x1024xf32, #tpu.memory_space<vmem>>)
    %add3A_461 = arith.constant 1056 : i32
    %add3A_462 = arith.addi %mul3A_2, %add3A_461 : i32
    %dma_start3A_463 = arith.constant 0 : i32
    %dma_start3A_464 = tpu.memref_slice %arg4[%add3A_462, %dma_start3A_463] : memref<36864x1024xf32, #tpu.memory_space<hbm>> -> memref<48x1024xf32, #tpu.memory_space<hbm>>
    %dma_start3A_465 = arith.constant 0 : i32
    %dma_start3A_466 = tpu.memref_slice %arg4[%add3A_462, %dma_start3A_465] : memref<36864x1024xf32, #tpu.memory_space<hbm>> -> memref<48x1024xf32, #tpu.memory_space<hbm>>
    tpu.enqueue_dma source(%arg6 : memref<48x1024xf32, #tpu.memory_space<vmem>>) target(%dma_start3A_466 : memref<48x1024xf32, #tpu.memory_space<hbm>>) target_semaphore(%arg10 : memref<!tpu.dma_semaphore, #tpu.memory_space<semaphore_mem>>)
    %dma_wait3A_467 = arith.constant 1104 : i32
    %dma_wait3A_468 = tpu.memref_slice %arg5[%dma_wait3A_467] : memref<1152xi32, #tpu.memory_space<vmem>> -> memref<48xi32, #tpu.memory_space<vmem>>
    %dma_wait3A_469 = arith.constant 0 : i32
    %dma_wait3A_470 = arith.constant 0 : i32
    %dma_wait3A_471 = tpu.memref_slice %arg3[%dma_wait3A_469, %dma_wait3A_470] : memref<20608x1024xf32, #tpu.memory_space<hbm>> -> memref<20608x1024xf32, #tpu.memory_space<hbm>>
    tpu.wait_indirect_dma semaphore(%arg9 : memref<!tpu.dma_semaphore, #tpu.memory_space<semaphore_mem>>) src(%dma_wait3A_471 : memref<20608x1024xf32, #tpu.memory_space<hbm>>) dst(%arg7 : memref<48x1024xf32, #tpu.memory_space<vmem>>)
    %add3A_472 = arith.constant 1104 : i32
    %add3A_473 = arith.addi %mul3A_2, %add3A_472 : i32
    %dma_start3A_474 = arith.constant 0 : i32
    %dma_start3A_475 = tpu.memref_slice %arg4[%add3A_473, %dma_start3A_474] : memref<36864x1024xf32, #tpu.memory_space<hbm>> -> memref<48x1024xf32, #tpu.memory_space<hbm>>
    %dma_start3A_476 = arith.constant 0 : i32
    %dma_start3A_477 = tpu.memref_slice %arg4[%add3A_473, %dma_start3A_476] : memref<36864x1024xf32, #tpu.memory_space<hbm>> -> memref<48x1024xf32, #tpu.memory_space<hbm>>
    tpu.enqueue_dma source(%arg7 : memref<48x1024xf32, #tpu.memory_space<vmem>>) target(%dma_start3A_477 : memref<48x1024xf32, #tpu.memory_space<hbm>>) target_semaphore(%arg11 : memref<!tpu.dma_semaphore, #tpu.memory_space<semaphore_mem>>)
    %dma_wait3A_478 = arith.constant 0 : i32
    %dma_wait3A_479 = tpu.memref_slice %arg4[%add3A_462, %dma_wait3A_478] : memref<36864x1024xf32, #tpu.memory_space<hbm>> -> memref<48x1024xf32, #tpu.memory_space<hbm>>
    %dma_wait3A_480 = arith.constant 0 : i32
    %dma_wait3A_481 = tpu.memref_slice %arg4[%add3A_462, %dma_wait3A_480] : memref<36864x1024xf32, #tpu.memory_space<hbm>> -> memref<48x1024xf32, #tpu.memory_space<hbm>>
    tpu.wait_dma2 semaphore(%arg10 : memref<!tpu.dma_semaphore, #tpu.memory_space<semaphore_mem>>) src(%arg6 : memref<48x1024xf32, #tpu.memory_space<vmem>>) dst(%dma_wait3A_481 : memref<48x1024xf32, #tpu.memory_space<hbm>>)
    %dma_wait3A_482 = arith.constant 0 : i32
    %dma_wait3A_483 = tpu.memref_slice %arg4[%add3A_473, %dma_wait3A_482] : memref<36864x1024xf32, #tpu.memory_space<hbm>> -> memref<48x1024xf32, #tpu.memory_space<hbm>>
    %dma_wait3A_484 = arith.constant 0 : i32
    %dma_wait3A_485 = tpu.memref_slice %arg4[%add3A_473, %dma_wait3A_484] : memref<36864x1024xf32, #tpu.memory_space<hbm>> -> memref<48x1024xf32, #tpu.memory_space<hbm>>
    tpu.wait_dma2 semaphore(%arg11 : memref<!tpu.dma_semaphore, #tpu.memory_space<semaphore_mem>>) src(%arg7 : memref<48x1024xf32, #tpu.memory_space<vmem>>) dst(%dma_wait3A_485 : memref<48x1024xf32, #tpu.memory_space<hbm>>)
    return
  }
}

</mosaic_0001>

<sc_bundles>
// kernel: kernel.3.cloned.1.call-start
scs
__scs_entry_jumppad:
0x0: {  	(pc) =	sbr.rel $0x88, $3  }
0x1: {  	(tag) =	ssettag $0x0;
	lr =	simm.s32 $0x1  }
0x2: {  	[smem:$0x3F9F] =	sst lr;
	_ =	strace $0xD0000000  }
0x3: {  	_ = 	snop  }
0x4: {  	_ = 	snop  }
0x5: {  	_ = 	snop  }
0x6: {  	_ = 	snop  }
0x7: {  	_ = 	snop  }
__scs_overlays_trampoline_lowered:
0x8: {  	[smem:$0x3FAE] =	sst s0  }
0x9: {  	[smem:$0x3FAF] =	sst s1  }
0xa: {  	[smem:$0x3FB0] =	sst s2  }
0xb: {  	[smem:$0x3FB1] =	sst s3  }
0xc: {  	[smem:$0x3FB2] =	sst s4  }
0xd: {  	[smem:$0x3FB3] =	sst s5  }
0xe: {  	[smem:$0x3FB4] =	sst s6  }
0xf: {  	[smem:$0x3FB5] =	sst s7  }
0x10: {  	[smem:$0x3FB6] =	sst s8  }
0x11: {  	[smem:$0x3FB7] =	sst s9;
	s0 =	simm.s32 @!p0 $0x0  }
0x12: {  	s1 =	sld [smem:$0x3F9D];
	s0 =	simm.s32 @p0 $0x1  }
0x13: {  	[smem:$0x3FB8] =	sst s0;
	s0 =	simm.s32 @!p1 $0x0  }
0x14: {  	s2 =	sld [smem:$0x3F9C];
	s0 =	simm.s32 @p1 $0x1  }
0x15: {  	[smem:$0x3FB9] =	sst s0;
	s0 =	simm.s32 @!p2 $0x0  }
0x16: {  	s3 =	sld [smem:$0x3FDB];
	s0 =	simm.s32 @p2 $0x1  }
0x17: {  	s4 =	simm.s32 $0x1BF5;
	[smem:$0x3FBB] =	sst s0  }
0x18: {  	s0 =	sld [smem:$0x3F9E];
	_ =	swait.ge [sflag:s4], $0x0  }
0x19: {  	s7 =	sld [smem:$0x3F9F]  }
0x1a: {  	s8 =	sadd.s32 $0xFFFFE003, lr  }
0x1b: {  	s9 =	sadd.s32 $0xFFFFFEF7, lr;
	s5 =	simm.s32 $0xFFFFFFFF;
	p2 =	slt.u32 s8, $0xFFFFF086  }
0x1c: {  	p1 =	slt.u32 s9, $0xF7A;
	s5 =	simm.s32 @!p2 $0x0  }
0x1d: {  	s5 =	simm.s32 @p1 $0x1;
	p0 =	seq.s32 s7, s2  }
0x1e: {  	s7 =	smul.u32 @!p0 $0xF7A, s2;
	p2 =	seq.s32 @!p0 s5, $0x0  }
0x1f: {  	s9 =	smul.u32 $0xF7A, s1;
	s8 =	simm.s32 @!p0 $0x1BF5;
	p2 =	por !p2, p0  }
0x20: {  	[sflag:s8] =	ssyncset.s32 @!p0 $0xFFFFF086;
	s6 =	sadd.s32 @!p0 s3, s7;
	s7 =	simm.s32 @!p0 $0x108  }
0x21: {  	s3 =	sadd.s32 s3, s9;
	s6 =	sadd.s32 @!p0 $0x88, s6;
	s7 =	simm.s32 @p2 $0x1082  }
0x22: {  	[simem:s7], [sflag:s8] =	dma.local @!p0 [hbm:s6], $0xF7A  }
0x23: {  	s9 =	sor.u32 $0xD0000000, s2;
	s6 =	simm.s32 $0x108;
	_ =	swait.ge @!p0 [sflag:s8], $0x0  }
0x24: {  	s3 =	sadd.s32 $0x88, s3;
	s6 =	simm.s32 @!p1 $0x1082;
	[sflag:s4] =	ssyncset.s32 $0xFFFFF086  }
0x25: {  	[simem:s6], [sflag:s4] =	dma.local [hbm:s3], $0xF7A  }
0x26: {  	[smem:$0x3F9F] =	sst s1;
	(tag) =	ssettag s2;
	_ =	strace s9  }
0x27: {  	s1 =	sld [smem:$0x3FAF]  }
0x28: {  	s2 =	sld [smem:$0x3FB0]  }
0x29: {  	s4 =	sld [smem:$0x3FB2]  }
0x2a: {  	p0 =	seq.s32 s5, $0x0;
	s5 =	sld [smem:$0x3FB3]  }
0x2b: {  	s6 =	sld [smem:$0x3FB4]  }
0x2c: {  	s7 =	sld [smem:$0x3FB5]  }
0x2d: {  	s3 =	simm.s32 $0x108;
	s8 =	sld [smem:$0x3FB6]  }
0x2e: {  	s3 =	simm.s32 @!p0 $0x1082;
	s9 =	sld [smem:$0x3FB7]  }
0x2f: {  	lr =	sadd.s32 s0, s3;
	s0 =	sld [smem:$0x3FAE]  }
0x30: {  	s3 =	sld [smem:$0x3FB1]  }
0x31: {  	[smem:$0x3FBA] =	sst s10  }
0x32: {  	s10 =	sld [smem:$0x3FB8];
	_ =	sdelay $0x3  }
0x33: {  	p0 =	seq.s32 s10, $0x1;
	s10 =	sld [smem:$0x3FBA];
	_ =	sdelay $0x3  }
0x34: {  	[smem:$0x3FBA] =	sst s10  }
0x35: {  	s10 =	sld [smem:$0x3FB9];
	_ =	sdelay $0x3  }
0x36: {  	p1 =	seq.s32 s10, $0x1;
	s10 =	sld [smem:$0x3FBA];
	_ =	sdelay $0x3  }
0x37: {  	[smem:$0x3FBA] =	sst s10  }
0x38: {  	s10 =	sld [smem:$0x3FBB]  }
0x39: {  	_ = 	snop;
	(pc) =	sbr.ind lr, $3  }
0x3a: {  	_ = 	snop  }
0x3b: {  	_ = 	snop  }
0x3c: {  	p2 =	seq.s32 s10, $0x1;
	s10 =	sld [smem:$0x3FBA]  }
0x3d: {  	_ =	shalt  }
0x3e: {  	_ =	shalt  }
0x3f: {  	_ =	shalt  }
0x40: {  	_ =	shalt  }
0x41: {  	_ =	shalt  }
0x42: {  	_ =	shalt  }
0x43: {  	_ =	shalt  }
0x44: {  	_ =	shalt  }
0x45: {  	_ =	shalt  }
0x46: {  	_ =	shalt  }
0x47: {  	_ =	shalt  }
0x48: {  	_ =	shalt  }
0x49: {  	_ =	shalt  }
0x4a: {  	_ =	shalt  }
0x4b: {  	_ =	shalt  }
0x4c: {  	_ =	shalt  }
0x4d: {  	_ =	shalt  }
0x4e: {  	_ =	shalt  }
0x4f: {  	_ =	shalt  }
0x50: {  	_ =	shalt  }
0x51: {  	_ =	shalt  }
0x52: {  	_ =	shalt  }
0x53: {  	_ =	shalt  }
0x54: {  	_ =	shalt  }
0x55: {  	_ =	shalt  }
0x56: {  	_ =	shalt  }
0x57: {  	_ =	shalt  }
0x58: {  	_ =	shalt  }
0x59: {  	_ =	shalt  }
0x5a: {  	_ =	shalt  }
0x5b: {  	_ =	shalt  }
0x5c: {  	_ =	shalt  }
0x5d: {  	_ =	shalt  }
0x5e: {  	_ =	shalt  }
0x5f: {  	_ =	shalt  }
0x60: {  	_ =	shalt  }
0x61: {  	_ =	shalt  }
0x62: {  	_ =	shalt  }
0x63: {  	_ =	shalt  }
0x64: {  	_ =	shalt  }
0x65: {  	_ =	shalt  }
0x66: {  	_ =	shalt  }
0x67: {  	_ =	shalt  }
0x68: {  	_ =	shalt  }
0x69: {  	_ =	shalt  }
0x6a: {  	_ =	shalt  }
0x6b: {  	_ =	shalt  }
0x6c: {  	_ =	shalt  }
0x6d: {  	_ =	shalt  }
0x6e: {  	_ =	shalt  }
0x6f: {  	_ =	shalt  }
0x70: {  	_ =	shalt  }
0x71: {  	_ =	shalt  }
0x72: {  	_ =	shalt  }
0x73: {  	_ =	shalt  }
0x74: {  	_ =	shalt  }
0x75: {  	_ =	shalt  }
0x76: {  	_ =	shalt  }
0x77: {  	_ =	shalt  }
0x78: {  	_ =	shalt  }
0x79: {  	_ =	shalt  }
0x7a: {  	_ =	shalt  }
0x7b: {  	_ =	shalt  }
0x7c: {  	_ =	shalt  }
0x7d: {  	_ =	shalt  }
0x7e: {  	_ =	shalt  }
0x7f: {  	_ =	shalt  }
0x80: {  	_ =	shalt  }
0x81: {  	_ =	shalt  }
0x82: {  	_ =	shalt  }
0x83: {  	_ =	shalt  }
0x84: {  	_ =	shalt  }
0x85: {  	_ =	shalt  }
0x86: {  	_ =	shalt  }
0x87: {  	_ =	shalt  }
.Lfunc_end0:
.L_simem_size_0:
called_computation_lowered:
.L_overlay_start_0:
0x88: {  	s2 =	sld [smem:$0x3FD9]  }
0x89: {  	s3 =	sld [smem:$0x3FFE];
	_ =	sdelay $0x1  }
0x8a: {  	s1 =	srdreg.scid  }
0x8b: {  	s0 =	sand.u32 $0x1, s1  }
0x8c: {  	s17 =	sshll.u32 s0, $0xA;
	s2 =	sadd.s32 s3, s2  }
0x8d: {  	s2 =	sadd.s32 s2, s17  }
0x8e: {  	[smem:$0x3FC6] =	sst s2  }
0x8f: {  	_ = 	snop  }
0x90: {  	s2 =	sld [smem:$0x3FC8]  }
0x91: {  	s18 =	sld [smem:$0x3FD0];
	(tm) =	ssettm $0x1  }
0x92: {  	s4 =	sld [smem:$0x3FFB];
	_ =	sdelay $0x3  }
0x93: {  	_ =	strace s4  }
0x94: {  	s4 =	sld [smem:$0x3FFC];
	_ =	sdelay $0x3  }
0x95: {  	_ =	strace s4  }
0x96: {  	s4 =	sld [smem:$0x3FFD];
	_ =	sdelay $0x3  }
0x97: {  	_ =	strace s4  }
0x98: {  	_ =	strace $0x8FFFFFFF  }
0x99: {  	s19 =	sld [smem:$0x3FDB];
	_ =	sdelay $0x1  }
0x9a: {  	s5 =	simm.s32 $_scs_section_size  }
0x9b: {  	s6 =	simm.s32 $_size__tile_overlayer_lowered;
	s7 =	simm.s32 $_tile_overlayer_lowered  }
0x9c: {  	s22 =	simm.s32 $0x1BFF;
	s21 =	sshll.u32 s7, $0x1;
	s4 =	sadd.s32 s5, s19  }
0x9d: {  	s8 =	simm.s32 $0x0;
	s20 =	sshll.u32 s6, $0x1;
	s6 =	sadd.s32 s21, s4  }
0x9e: {  	[timem:s8], [sflag:s22] =	dma.local [hbm:s6], s20  }
0x9f: {  	_ =	swait.ge [sflag:s22], s20  }
0xa0: {  	s5 =	ssub.s32 $0x0, s20;
	[sflag:s22] =	ssyncset.done $0x0  }
0xa1: {  	[sflag:s22] =	ssyncadd.s32 s5;
	_ =	sdelay $0x1  }
0xa2: {  	s23 =	simm.s32 $0x1B8B  }
0xa3: {  	_ =	swait.ge [sflag:s23], $0x1  }
0xa4: {  	[sflag:s23] =	ssyncset.done $0x0  }
0xa5: {  	s25 =	simm.s32 $0x1B8E;
	s24 =	sld [smem:$0x3FFE];
	[sflag:s23] =	ssyncadd.s32 $0xFFFFFFFF  }
0xa6: {  	s26 =	simm.s32 $execute0_lowered;
	[smem:$0x3FD2] =	sst s25  }
0xa7: {  	s6 =	sshll.u32 s26, $0x1;
	_ =	strace $0x80000046;
	[dreg:$0x1] =	wrdreg $0xFFFFFFFF  }
0xa8: {  	s28 =	simm.s32 $_size_execute0_lowered;
	s4 =	sadd.s32 s4, s6;
	[dreg:$0x0] =	wrdreg $0x0  }
0xa9: {  	s6 =	sshll.u32 s28, $0x1;
	[dreg:$0x2] =	wrdreg s4  }
0xaa: {  	[dreg:$0x3] =	wrdreg s6  }
0xab: {  	[dreg:$0x4] =	wrdreg $0xC0  }
0xac: {  	_ =	task [dreg:s8], $0x5FFFF  }
0xad: {  	[dreg:$0x1] =	wrdreg $0xFFFFFFFF  }
0xae: {  	[dreg:$0x0] =	wrdreg $0x60  }
0xaf: {  	[dreg:$0x2] =	wrdreg s24  }
0xb0: {  	[dreg:$0x3] =	wrdreg s2  }
0xb1: {  	[dreg:$0x4] =	wrdreg s18  }
0xb2: {  	[dreg:$0x5] =	wrdreg $0x9  }
0xb3: {  	_ =	task.clear_ibuf [dreg:s8], $0x6FFFF;
	_ =	strace $0x90000046  }
0xb4: {  	s29 =	simm.s32 $0x9;
	_ =	strace $0x80000048  }
0xb5: {  	_ =	swait.ge [sflag:s29], $0x1  }
0xb6: {  	[sflag:s29] =	ssyncadd.s32 $0xFFFFFFFF  }
0xb7: {  	_ =	strace $0x90000048  }
0xb8: {  	_ =	sfence  }
0xb9: {  	s30 =	sld [smem:$0x0];
	_ =	sdelay $0x2  }
0xba: {  	s31 =	sshll.u32 s1, $0xD;
	s1 =	sshrl.u32 s1, $0x2  }
0xbb: {  	s3 =	sand.u32 $0x4000, s31;
	s1 =	sadd.s32 s1, s30  }
0xbc: {  	s0 =	sor.u32 s3, s0;
	s1 =	sshll.u32 s1, $0x11  }
0xbd: {  	s0 =	sor.u32 s1, s0  }
0xbe: {  	s0 =	sadd.s32 $0x8F2B, s0  }
0xbf: {  	[sflag:s0] =	ssyncadd.remote.s32 $0x1  }
0xc0: {  	_ =	sfence.sel $0xFFFF  }
0xc1: {  	[dreg:$0x0] =	wrdreg $0xFFFFFFFF;
	(pc) =	sbr.abs _section_cstart, $3  }
0xc2: {  	[dreg:$0x1] =	wrdreg $0xFFFFFFFF  }
0xc3: {  	_ =	task.clear_ibuf [dreg:s8], $0x2FFFF;
	_ =	strace $0x9FFFFFFF  }
0xc4: {  	(tm) =	ssettm $0x7FFFFFFF  }
0xc5: {  	_ =	shalt  }
tec
execute0_lowered:
.L_overlay_start_1:
0x0: {  	(tag) =	ssettag $0x1  }
0x1: {  	s0 =	rddreg [dreg:$0x0]  }
0x2: {  	s1 =	srdreg.scid;
	s10 =	stileid.u32  }
0x3: {  	s1 =	sand.u32 $0x1, s1;
	s5 =	sshll.u32 s10, $0x1;
	s17 =	smul.u32 $0x900, s10  }
0x4: {  	s5 =	sor.u32 s1, s5;
	s7 =	ssub.s32 $0x2, s1;
	s1 =	smul.u32 $0x480, s1  }
0x5: {  	s2 =	rddreg [dreg:$0x1];
	s3 =	simm.s32 $0x0;
	s6 =	smul.u32 $0x480, s5  }
0x6: {  	[smem:$0x7FF] =	sst s3;
	s8 =	smul.u32 $0x120000, s5  }
0x7: {  	s4 =	rddreg [dreg:$0x2];
	_ =	strace $0x80000047;
	s5 =	smul.u32 $0x24000, s5  }
0x8: {  	s1 =	sadd.s32 s1, s17;
	s6 =	sshrl.u32 s6, $0x3;
	s26 =	sshrl.u32 s8, $0x3  }
0x9: {  	s5 =	sadd.s32 s4, s5;
	[dreg:$0x16] =	wrdreg s1;
	s0 =	sadd.s32 s6, s0  }
0xa: {  	s28 =	sadd.s32 s4, s26;
	[dreg:$0x5] =	wrdreg s5;
	s0 =	sadd.s32 $0x400, s0  }
0xb: {  	s4 =	sadd.s32 $0x4800, s28;
	[dreg:$0x4] =	wrdreg s0  }
0xc: {  	s9 =	sshrl.u32 s7, $0x1;
	s29 =	sadd.s32 $0x6000, s28;
	[dreg:$0x6] =	wrdreg s4  }
0xd: {  	s6 =	ssub.s32 s7, s9;
	s7 =	sadd.s32 $0x7800, s28;
	[dreg:$0x7] =	wrdreg s29  }
0xe: {  	s8 =	sadd.s32 $0x9000, s28;
	[dreg:$0x8] =	wrdreg s7  }
0xf: {  	s9 =	sadd.s32 $0xA800, s28;
	[dreg:$0x9] =	wrdreg s8  }
0x10: {  	s11 =	sadd.s32 $0xC000, s28;
	[dreg:$0xa] =	wrdreg s9  }
0x11: {  	s12 =	sadd.s32 $0xD800, s28;
	[dreg:$0xb] =	wrdreg s11  }
0x12: {  	s13 =	sadd.s32 $0xF000, s28;
	[dreg:$0xc] =	wrdreg s12  }
0x13: {  	s14 =	sadd.s32 $0x10800, s28;
	[dreg:$0xd] =	wrdreg s13  }
0x14: {  	s15 =	sadd.s32 $0x12000, s28;
	[dreg:$0xe] =	wrdreg s14  }
0x15: {  	s16 =	sadd.s32 $0x13800, s28;
	[dreg:$0xf] =	wrdreg s15  }
0x16: {  	s18 =	sadd.s32 $0x16800, s28;
	[dreg:$0x10] =	wrdreg s16  }
0x17: {  	s19 =	sadd.s32 $0x18000, s28;
	[dreg:$0x12] =	wrdreg s18  }
0x18: {  	s20 =	sadd.s32 $0x19800, s28;
	[dreg:$0x13] =	wrdreg s19  }
0x19: {  	s21 =	sadd.s32 $0x1B000, s28;
	[dreg:$0x14] =	wrdreg s20  }
0x1a: {  	s22 =	sadd.s32 $0x1C800, s28;
	[dreg:$0x15] =	wrdreg s21  }
0x1b: {  	s30 =	sadd.s32 $0x100, s2;
	s23 =	sadd.s32 $0x1E000, s28;
	[dreg:$0x17] =	wrdreg s22  }
0x1c: {  	s31 =	sadd.s32 $0x200, s2;
	s24 =	sadd.s32 $0x1F800, s28;
	[dreg:$0x18] =	wrdreg s23  }
0x1d: {  	s1 =	sadd.s32 $0x300, s2;
	s25 =	sadd.s32 $0x21000, s28;
	[dreg:$0x19] =	wrdreg s24  }
0x1e: {  	v8 =	vlaneseq.u32;
	v4 =	vimm.s32 $0x0;
	s26 =	smax.u32 s6, $0x1;
	s7 =	sadd.s32 $0x15000, s28;
	[dreg:$0x1a] =	wrdreg s25  }
0x1f: {  	vm0 =	vcmask $0x300;
	v2 =	vimm.s32 $0xFFFFFFFF;
	vm1 =	vmmov $0xff;
	s0 =	sadd.s32 $0x22800, s28;
	[dreg:$0x1c] =	wrdreg s26;
	s28 =	sadd.s32 $0x1800, s5  }
0x20: {  	v5 =	vimm.s32 $0x1;
	vm2 =	vmmov $0xffff;
	v0 =	vperm.xlane v4, v8;
	s29 =	sadd.s32 $0x3000, s5;
	s5 =	simm.s32 $0x1;
	[dreg:$0x11] =	wrdreg s7  }
0x21: {  	v1 =	vmul.u32 $0x2, v8;
	v2 =	vsel vm0, $0x0, v2;
	v3 =	vsel vm0, $0x1, v4;
	s22 =	simm.s32 $0x3;
	s8 =	simm.s32 $0x2;
	[dreg:$0x1b] =	wrdreg s0  }
0x22: {  	v4 =	vsel vm0, $0xFFFFFFFF, v4;
	v5 =	vsel vm0, $0x9, v5;
	v7 =	vshrl.u32 v8, $0x3;
	s9 =	simm.s32 $0x4;
	s24 =	simm.s32 $0x480;
	[dreg:$0x1d] =	wrdreg s28  }
0x23: {  	v6 =	vand.u32 $0x7, v8;
	v8 =	vor.u32 $0x8, v8;
	v7 =	vmul.u32 $0x8, v7;
	s23 =	simm.s32 $0xC480;
	[dreg:$0x1e] =	wrdreg s29;
	s0 =	simm.s32 $0x0  }
.LBB2_1:
0x24: {  	[dreg:$0x1f] =	wrdreg s0  }
0x25: {  	s11 =	rddreg [dreg:$0x4]  }
0x26: {  	s21 =	rddreg [dreg:$0x16];
	s14 =	simm.s32 $0x5  }
0x27: {  	[tilespmem:s3], [sflag:$0x5] =	stream.linear.gather [hbm4b:s11+s3], $0x480, $0x38;
	v9 =	vmov s21;
	[tilespmem:$0x18480] =	vst v63  }
0x28: {  	_ =	swait.ge [sflag:s14], $0x480;
	v14 =	vshra.s32 v9, $0xB  }
0x29: {  	(v2sf) =	vpush v14, $0x0;
	_ =	sdelay $0x4  }
0x2a: {  	s11 =	sadd.s32 $0x10, s21  }
0x2b: {  	v9 =	vmov s11  }
0x2c: {  	v13 =	vshra.s32 v9, $0xB  }
0x2d: {  	(v2sf) =	vpush v13, $0x0;
	_ =	sdelay $0x3  }
0x2e: {  	s11 =	sadd.s32 $0x10, s11  }
0x2f: {  	v9 =	vmov s11  }
0x30: {  	v12 =	vshra.s32 v9, $0xB  }
0x31: {  	(v2sf) =	vpush v12, $0x0;
	s12 =	spop (v2sf)  }
0x32: {  	s13 =	smulhi.u32 $0x38E38E39, s12;
	s12 =	sshra.s32 s12, $0x1F  }
0x33: {  	s12 =	smul.u32 $0x38E38E39, s12;
	_ =	sdelay $0x1  }
0x34: {  	s12 =	sadd.s32 s12, s13  }
0x35: {  	s11 =	sadd.s32 $0x10, s11;
	v9 =	vmov s12  }
0x36: {  	v10 =	vmov s11;
	v9 =	vnsel vm0, $0x0, v9  }
0x37: {  	v11 =	vshra.s32 v10, $0xB;
	v9 =	vperm.xlane v9, v1  }
0x38: {  	s25 =	spop (v2sf);
	(v2sf) =	vpush v11, $0x0  }
0x39: {  	v15 =	vand.u32 v2, v14;
	v9 =	vsel vm1, v9, v0  }
0x3a: {  	v9 =	vadd.s32 v15, v9  }
0x3b: {  	s11 =	sadd.s32 $0x10, s11;
	v15 =	vshrl.u32 v9, $0x1F  }
0x3c: {  	v10 =	vmov s11;
	s17 =	sadd.s32 $0x10, s11;
	s26 =	smulhi.u32 $0x38E38E39, s25;
	s12 =	sshra.s32 s25, $0x1F;
	v9 =	vshra.s32 v9, v3;
	v15 =	vand.u32 v4, v15  }
0x3d: {  	v10 =	vshra.s32 v10, $0xB;
	s12 =	smul.u32 $0x38E38E39, s12;
	v9 =	vadd.s32 v15, v9;
	v15 =	vmov s17  }
0x3e: {  	(v2sf) =	vpush v10, $0x0;
	v17 =	vmul.u32 v5, v9;
	v9 =	vshra.s32 v15, $0xB  }
0x3f: {  	s28 =	spop (v2sf);
	s12 =	sadd.s32 s12, s26;
	(v2sf) =	vpush v9, $0x0  }
0x40: {  	v16 =	vmov s12  }
0x41: {  	s29 =	smulhi.u32 $0x38E38E39, s28;
	s12 =	sshra.s32 s28, $0x1F;
	v16 =	vnsel vm0, $0x0, v16  }
0x42: {  	s12 =	smul.u32 $0x38E38E39, s12;
	v16 =	vperm.xlane v16, v1  }
0x43: {  	s15 =	simm.s32 $0x40  }
0x44: {  	s16 =	simm.s32 $0x0;
	[sflag:s14] =	ssyncset.done $0x0;
	s11 =	sadd.s32 s12, s29;
	v16 =	vsel vm1, v16, v0;
	v15 =	vand.u32 v2, v13  }
0x45: {  	s18 =	simm.s32 $0x180;
	[sflag:s14] =	ssyncadd.s32 $0xFFFFFB80;
	s14 =	simm.s32 $0x80;
	v16 =	vadd.s32 v15, v16;
	v14 =	vsub.s32 v14, v17;
	v17 =	vmov s11  }
0x46: {  	s13 =	simm.s32 $0xC0;
	s12 =	simm.s32 $0x100;
	v15 =	vld [tilespmem:s16+$0x0];
	s11 =	simm.s32 $0x140;
	v18 =	vshrl.u32 v16, $0x1F;
	v14 =	vbroadcast v14, $0x0;
	v17 =	vnsel vm0, $0x0, v17  }
.LBB2_2:
0x47: {  	p0 =	sne.s32 s18, $0x11C0;
	s19 =	spop (v2sf)  }
0x48: {  	s17 =	sadd.s32 $0x10, s17;
	v16 =	vshra.s32 v16, v3;
	v18 =	vand.u32 v4, v18;
	v19 =	vmul.u32 $0x802, v14;
	s20 =	smulhi.u32 $0x38E38E39, s19;
	s19 =	sshra.s32 s19, $0x1F  }
0x49: {  	v17 =	vperm.xlane v17, v1;
	s21 =	smov.u32 s11;
	v20 =	vmov s17;
	v16 =	vadd.s32 v18, v16;
	s19 =	smul.u32 $0x38E38E39, s19  }
.Ltmp0:
0x4a: {  	vm3 =	veq.s32 v14, $0x0;
	v16 =	vmul.u32 v5, v16;
	v14 =	vadd.s32 $0x800, v19;
	(pc) =	sbr.rel @p0 .LBB2_2-.Ltmp0, $4  }
0x4b: {  	s11 =	smov.u32 s18;
	v18 =	vand.u32 v2, v12;
	v19 =	vshra.s32 v20, $0xB;
	v14 =	vsel vm3, $0x0, v14  }
0x4c: {  	v17 =	vsel vm1, v17, v0;
	s19 =	sadd.s32 s19, s20;
	v20 =	vsub.s32 v13, v16;
	v15 =	vadd.s32 v15, v14;
	v13 =	vmovc v12  }
0x4d: {  	v16 =	vadd.s32 v18, v17;
	v12 =	vmovc v11;
	v11 =	vmovc v10;
	v21 =	vmov s19;
	v14 =	vbroadcast v20, $0x0;
	[tilespmem:s16+$0x0] =	vst v15;
	s16 =	sshra.s32 s15, $0x2;
	s15 =	smov.u32 s14;
	s14 =	smov.u32 s13  }
0x4e: {  	s18 =	sadd.s32 $0x40, s18;
	v10 =	vmovc v9;
	v9 =	vmovc v19;
	v18 =	vshrl.u32 v16, $0x1F;
	s13 =	smov.u32 s12;
	s12 =	smov.u32 s21;
	(v2sf) =	vpush v19, $0x0;
	v17 =	vnsel vm0, $0x0, v21;
	v15 =	vld [tilespmem:s16+$0x0]  }
0x4f: {  	v16 =	vshra.s32 v16, v3;
	v18 =	vand.u32 v4, v18;
	v19 =	vmul.u32 $0x802, v14  }
0x50: {  	s17 =	spop (v2sf);
	v17 =	vperm.xlane v17, v1;
	v16 =	vadd.s32 v18, v16  }
0x51: {  	vm3 =	veq.s32 v14, $0x0;
	s18 =	smulhi.u32 $0x38E38E39, s17;
	s17 =	sshra.s32 s17, $0x1F;
	v16 =	vmul.u32 v5, v16;
	v36 =	vadd.s32 $0x800, v19  }
0x52: {  	v37 =	vand.u32 v2, v12;
	s17 =	smul.u32 $0x38E38E39, s17;
	v14 =	vsel vm3, $0x0, v36  }
0x53: {  	v17 =	vsel vm1, v17, v0;
	v13 =	vsub.s32 v13, v16;
	v14 =	vadd.s32 v15, v14  }
0x54: {  	s15 =	sshra.s32 s15, $0x2;
	v39 =	vadd.s32 v37, v17;
	s17 =	sadd.s32 s17, s18;
	v13 =	vbroadcast v13, $0x0;
	[tilespmem:s16+$0x0] =	vst v14  }
0x55: {  	v41 =	vshrl.u32 v39, $0x1F;
	v16 =	vshra.s32 v39, v3;
	v38 =	vmov s17;
	v42 =	vld [tilespmem:s15+$0x0]  }
0x56: {  	s7 =	spop (v2sf);
	v15 =	vand.u32 v4, v41;
	v40 =	vnsel vm0, $0x0, v38;
	v43 =	vmul.u32 $0x802, v13  }
0x57: {  	s10 =	smulhi.u32 $0x38E38E39, s7;
	s16 =	sshra.s32 s7, $0x1F;
	v15 =	vadd.s32 v15, v16;
	v14 =	vperm.xlane v40, v1  }
0x58: {  	s16 =	smul.u32 $0x38E38E39, s16;
	v15 =	vmul.u32 v5, v15;
	vm3 =	veq.s32 v13, $0x0;
	v44 =	vadd.s32 $0x800, v43  }
0x59: {  	v45 =	vand.u32 v2, v11;
	v13 =	vsel vm3, $0x0, v44  }
0x5a: {  	s16 =	sadd.s32 s16, s10;
	v14 =	vsel vm1, v14, v0;
	v46 =	vsub.s32 v12, v15;
	v13 =	vadd.s32 v42, v13  }
0x5b: {  	s14 =	sshra.s32 s14, $0x2;
	v47 =	vmov s16;
	v14 =	vadd.s32 v45, v14;
	v12 =	vbroadcast v46, $0x0;
	[tilespmem:s15+$0x0] =	vst v13  }
0x5c: {  	v48 =	vnsel vm0, $0x0, v47;
	v49 =	vshrl.u32 v14, $0x1F;
	v50 =	vld [tilespmem:s14+$0x0]  }
0x5d: {  	v14 =	vshra.s32 v14, v3;
	v15 =	vand.u32 v4, v49;
	v51 =	vmul.u32 $0x802, v12  }
0x5e: {  	v13 =	vperm.xlane v48, v1;
	v14 =	vadd.s32 v15, v14  }
0x5f: {  	vm3 =	veq.s32 v12, $0x0;
	s18 =	spop (v2sf);
	v14 =	vmul.u32 v5, v14;
	v52 =	vadd.s32 $0x800, v51  }
0x60: {  	v53 =	vand.u32 v2, v10;
	v13 =	vsel vm1, v13, v0;
	s19 =	smulhi.u32 $0x38E38E39, s18;
	s15 =	sshra.s32 s18, $0x1F;
	v12 =	vsel vm3, $0x0, v52  }
0x61: {  	v55 =	vadd.s32 v53, v13;
	s15 =	smul.u32 $0x38E38E39, s15;
	v11 =	vsub.s32 v11, v14;
	v12 =	vadd.s32 v50, v12  }
0x62: {  	s13 =	sshra.s32 s13, $0x2;
	v57 =	vshrl.u32 v55, $0x1F;
	v11 =	vbroadcast v11, $0x0;
	[tilespmem:s14+$0x0] =	vst v12  }
0x63: {  	v14 =	vand.u32 v4, v57;
	s15 =	sadd.s32 s15, s19;
	v58 =	vld [tilespmem:s13+$0x0]  }
0x64: {  	v54 =	vmov s15;
	v12 =	vshra.s32 v55, v3;
	v59 =	vmul.u32 $0x802, v11  }
0x65: {  	vm3 =	veq.s32 v11, $0x0;
	v56 =	vnsel vm0, $0x0, v54;
	v12 =	vadd.s32 v14, v12  }
0x66: {  	v13 =	vperm.xlane v56, v1;
	v12 =	vmul.u32 v5, v12;
	v11 =	vadd.s32 $0x800, v59  }
0x67: {  	v60 =	vand.u32 v2, v9;
	v11 =	vsel vm3, $0x0, v11  }
0x68: {  	v13 =	vsel vm1, v13, v0;
	v10 =	vsub.s32 v10, v12;
	v11 =	vadd.s32 v58, v11  }
0x69: {  	s12 =	sshra.s32 s12, $0x2;
	v10 =	vbroadcast v10, $0x0;
	[tilespmem:s13+$0x0] =	vst v11;
	v11 =	vadd.s32 v60, v13  }
0x6a: {  	v61 =	vshrl.u32 v11, $0x1F;
	v62 =	vld [tilespmem:s12+$0x0]  }
0x6b: {  	v63 =	vmul.u32 $0x802, v10;
	v11 =	vshra.s32 v11, v3;
	v12 =	vand.u32 v4, v61  }
0x6c: {  	v11 =	vadd.s32 v12, v11  }
0x6d: {  	vm3 =	veq.s32 v10, $0x0;
	v10 =	vadd.s32 $0x800, v63;
	v11 =	vmul.u32 v5, v11  }
0x6e: {  	v10 =	vsel vm3, $0x0, v10  }
0x6f: {  	v9 =	vsub.s32 v9, v11;
	v10 =	vadd.s32 v62, v10  }
0x70: {  	s11 =	sshra.s32 s11, $0x2;
	[tilespmem:s12+$0x0] =	vst v10;
	v9 =	vbroadcast v9, $0x0  }
0x71: {  	v10 =	vld [tilespmem:s11+$0x0]  }
0x72: {  	v11 =	vmul.u32 $0x802, v9;
	_ =	sdelay $0x1  }
0x73: {  	vm3 =	veq.s32 v9, $0x0;
	v9 =	vadd.s32 $0x800, v11  }
0x74: {  	v9 =	vsel vm3, $0x0, v9  }
0x75: {  	v9 =	vadd.s32 v10, v9  }
0x76: {  	[tilespmem:s11+$0x0] =	vst v9  }
0x77: {  	v9 =	vld [tilespmem:$0x0];
	_ =	sdelay $0x4  }
0x78: {  	v10 =	vshll.u32 v9, $0x3  }
0x79: {  	v9 =	vand.u32 $0x7, v9;
	v10 =	vand.u32 $0xFFFFFFC0, v10  }
0x7a: {  	v9 =	vor.u32 v9, v10  }
0x7b: {  	v10 =	vperm.xlane v9, v6;
	_ =	sdelay $0x1  }
0x7c: {  	v10 =	vadd.s32 v7, v10;
	_ =	sdelay $0x4  }
0x7d: {  	[tilespmem:s24], [sflag:$0x1] =	stream.indirect_vreg.gather [hbm4b:s2+s3], $0x80, v10, vm2, $0xb8;
	[tilespmem:$0x18480] =	vst v63  }
0x7e: {  	s0 =	simm.s32 $0xC80;
	v9 =	vperm.xlane v9, v8  }
0x7f: {  	[tilespmem:s0], [sflag:$0x1] =	stream.indirect_vreg.gather [hbm4b:s30+s3], $0x80, v10, vm2, $0xb8;
	[tilespmem:$0x18480] =	vst v63  }
0x80: {  	s20 =	simm.s32 $0x1480;
	v9 =	vadd.s32 v7, v9  }
0x81: {  	[tilespmem:s20], [sflag:$0x1] =	stream.indirect_vreg.gather [hbm4b:s31+s3], $0x80, v10, vm2, $0xb8;
	[tilespmem:$0x18480] =	vst v63  }
0x82: {  	s21 =	simm.s32 $0x1C80  }
0x83: {  	[tilespmem:s21], [sflag:$0x1] =	stream.indirect_vreg.gather [hbm4b:s1+s3], $0x80, v10, vm2, $0xb8;
	[tilespmem:$0x18480] =	vst v63  }
0x84: {  	s25 =	simm.s32 $0x2480  }
0x85: {  	[tilespmem:s25], [sflag:$0x1] =	stream.indirect_vreg.gather [hbm4b:s2+s3], $0x80, v9, vm2, $0xb8;
	[tilespmem:$0x18480] =	vst v63  }
0x86: {  	s26 =	simm.s32 $0x2C80  }
0x87: {  	[tilespmem:s26], [sflag:$0x1] =	stream.indirect_vreg.gather [hbm4b:s30+s3], $0x80, v9, vm2, $0xb8;
	[tilespmem:$0x18480] =	vst v63  }
0x88: {  	s28 =	simm.s32 $0x3480  }
0x89: {  	[tilespmem:s28], [sflag:$0x1] =	stream.indirect_vreg.gather [hbm4b:s31+s3], $0x80, v9, vm2, $0xb8;
	[tilespmem:$0x18480] =	vst v63  }
0x8a: {  	s29 =	simm.s32 $0x3C80  }
0x8b: {  	[tilespmem:s29], [sflag:$0x1] =	stream.indirect_vreg.gather [hbm4b:s1+s3], $0x80, v9, vm2, $0xb8;
	[tilespmem:$0x18480] =	vst v63  }
0x8c: {  	v9 =	vld [tilespmem:$0x10];
	_ =	sdelay $0x4  }
0x8d: {  	v10 =	vshll.u32 v9, $0x3  }
0x8e: {  	v9 =	vand.u32 $0x7, v9;
	v10 =	vand.u32 $0xFFFFFFC0, v10  }
0x8f: {  	v9 =	vor.u32 v9, v10  }
0x90: {  	v10 =	vperm.xlane v9, v6;
	_ =	sdelay $0x1  }
0x91: {  	v10 =	vadd.s32 v7, v10;
	_ =	sdelay $0x3  }
0x92: {  	s6 =	simm.s32 $0x4480  }
0x93: {  	[tilespmem:s6], [sflag:$0x1] =	stream.indirect_vreg.gather [hbm4b:s2+s3], $0x80, v10, vm2, $0xb8;
	[tilespmem:$0x18480] =	vst v63  }
0x94: {  	s7 =	simm.s32 $0x4C80;
	v9 =	vperm.xlane v9, v8  }
0x95: {  	[tilespmem:s7], [sflag:$0x1] =	stream.indirect_vreg.gather [hbm4b:s30+s3], $0x80, v10, vm2, $0xb8;
	[tilespmem:$0x18480] =	vst v63  }
0x96: {  	s10 =	simm.s32 $0x5480;
	v9 =	vadd.s32 v7, v9  }
0x97: {  	[tilespmem:s10], [sflag:$0x1] =	stream.indirect_vreg.gather [hbm4b:s31+s3], $0x80, v10, vm2, $0xb8;
	[tilespmem:$0x18480] =	vst v63  }
0x98: {  	s11 =	simm.s32 $0x5C80  }
0x99: {  	[tilespmem:s11], [sflag:$0x1] =	stream.indirect_vreg.gather [hbm4b:s1+s3], $0x80, v10, vm2, $0xb8;
	[tilespmem:$0x18480] =	vst v63  }
0x9a: {  	s15 =	simm.s32 $0x6480  }
0x9b: {  	[tilespmem:s15], [sflag:$0x1] =	stream.indirect_vreg.gather [hbm4b:s2+s3], $0x80, v9, vm2, $0xb8;
	[tilespmem:$0x18480] =	vst v63  }
0x9c: {  	s16 =	simm.s32 $0x6C80  }
0x9d: {  	[tilespmem:s16], [sflag:$0x1] =	stream.indirect_vreg.gather [hbm4b:s30+s3], $0x80, v9, vm2, $0xb8;
	[tilespmem:$0x18480] =	vst v63  }
0x9e: {  	s17 =	simm.s32 $0x7480  }
0x9f: {  	[tilespmem:s17], [sflag:$0x1] =	stream.indirect_vreg.gather [hbm4b:s31+s3], $0x80, v9, vm2, $0xb8;
	[tilespmem:$0x18480] =	vst v63  }
0xa0: {  	s18 =	simm.s32 $0x7C80  }
0xa1: {  	[tilespmem:s18], [sflag:$0x1] =	stream.indirect_vreg.gather [hbm4b:s1+s3], $0x80, v9, vm2, $0xb8;
	[tilespmem:$0x18480] =	vst v63  }
0xa2: {  	v9 =	vld [tilespmem:$0x20];
	_ =	sdelay $0x4  }
0xa3: {  	v10 =	vshll.u32 v9, $0x3  }
0xa4: {  	v9 =	vand.u32 $0x7, v9;
	v10 =	vand.u32 $0xFFFFFFC0, v10  }
0xa5: {  	v9 =	vor.u32 v9, v10  }
0xa6: {  	v10 =	vperm.xlane v9, v6;
	_ =	sdelay $0x1  }
0xa7: {  	v10 =	vadd.s32 v7, v10;
	_ =	sdelay $0x3  }
0xa8: {  	s19 =	simm.s32 $0x8480  }
0xa9: {  	[tilespmem:s19], [sflag:$0x1] =	stream.indirect_vreg.gather [hbm4b:s2+s3], $0x80, v10, vm2, $0xb8;
	[tilespmem:$0x18480] =	vst v63  }
0xaa: {  	s20 =	simm.s32 $0x8C80;
	v9 =	vperm.xlane v9, v8  }
0xab: {  	[tilespmem:s20], [sflag:$0x1] =	stream.indirect_vreg.gather [hbm4b:s30+s3], $0x80, v10, vm2, $0xb8;
	[tilespmem:$0x18480] =	vst v63  }
0xac: {  	s21 =	simm.s32 $0x9480;
	v9 =	vadd.s32 v7, v9  }
0xad: {  	[tilespmem:s21], [sflag:$0x1] =	stream.indirect_vreg.gather [hbm4b:s31+s3], $0x80, v10, vm2, $0xb8;
	[tilespmem:$0x18480] =	vst v63  }
0xae: {  	s25 =	simm.s32 $0x9C80  }
0xaf: {  	[tilespmem:s25], [sflag:$0x1] =	stream.indirect_vreg.gather [hbm4b:s1+s3], $0x80, v10, vm2, $0xb8;
	[tilespmem:$0x18480] =	vst v63  }
0xb0: {  	s26 =	simm.s32 $0xA480  }
0xb1: {  	[tilespmem:s26], [sflag:$0x1] =	stream.indirect_vreg.gather [hbm4b:s2+s3], $0x80, v9, vm2, $0xb8;
	[tilespmem:$0x18480] =	vst v63  }
0xb2: {  	s28 =	simm.s32 $0xAC80  }
0xb3: {  	[tilespmem:s28], [sflag:$0x1] =	stream.indirect_vreg.gather [hbm4b:s30+s3], $0x80, v9, vm2, $0xb8;
	[tilespmem:$0x18480] =	vst v63  }
0xb4: {  	s29 =	simm.s32 $0xB480  }
0xb5: {  	[tilespmem:s29], [sflag:$0x1] =	stream.indirect_vreg.gather [hbm4b:s31+s3], $0x80, v9, vm2, $0xb8;
	[tilespmem:$0x18480] =	vst v63  }
0xb6: {  	s6 =	simm.s32 $0xBC80  }
0xb7: {  	[tilespmem:s6], [sflag:$0x1] =	stream.indirect_vreg.gather [hbm4b:s1+s3], $0x80, v9, vm2, $0xb8;
	[tilespmem:$0x18480] =	vst v63  }
0xb8: {  	v9 =	vld [tilespmem:$0x30];
	_ =	sdelay $0x4  }
0xb9: {  	v10 =	vshll.u32 v9, $0x3  }
0xba: {  	v9 =	vand.u32 $0x7, v9;
	v10 =	vand.u32 $0xFFFFFFC0, v10  }
0xbb: {  	v9 =	vor.u32 v9, v10  }
0xbc: {  	v10 =	vperm.xlane v9, v6;
	_ =	sdelay $0x1  }
0xbd: {  	v10 =	vadd.s32 v7, v10;
	_ =	sdelay $0x4  }
0xbe: {  	[tilespmem:s23], [sflag:$0x2] =	stream.indirect_vreg.gather [hbm4b:s2+s3], $0x80, v10, vm2, $0xb8;
	[tilespmem:$0x18480] =	vst v63  }
0xbf: {  	s7 =	simm.s32 $0xCC80;
	v9 =	vperm.xlane v9, v8  }
0xc0: {  	[tilespmem:s7], [sflag:$0x2] =	stream.indirect_vreg.gather [hbm4b:s30+s3], $0x80, v10, vm2, $0xb8;
	[tilespmem:$0x18480] =	vst v63  }
0xc1: {  	s10 =	simm.s32 $0xD480;
	v9 =	vadd.s32 v7, v9  }
0xc2: {  	[tilespmem:s10], [sflag:$0x2] =	stream.indirect_vreg.gather [hbm4b:s31+s3], $0x80, v10, vm2, $0xb8;
	[tilespmem:$0x18480] =	vst v63  }
0xc3: {  	s15 =	simm.s32 $0xDC80  }
0xc4: {  	[tilespmem:s15], [sflag:$0x2] =	stream.indirect_vreg.gather [hbm4b:s1+s3], $0x80, v10, vm2, $0xb8;
	[tilespmem:$0x18480] =	vst v63  }
0xc5: {  	s16 =	simm.s32 $0xE480  }
0xc6: {  	[tilespmem:s16], [sflag:$0x2] =	stream.indirect_vreg.gather [hbm4b:s2+s3], $0x80, v9, vm2, $0xb8;
	[tilespmem:$0x18480] =	vst v63  }
0xc7: {  	s20 =	simm.s32 $0xEC80  }
0xc8: {  	[tilespmem:s20], [sflag:$0x2] =	stream.indirect_vreg.gather [hbm4b:s30+s3], $0x80, v9, vm2, $0xb8;
	[tilespmem:$0x18480] =	vst v63  }
0xc9: {  	s21 =	simm.s32 $0xF480  }
0xca: {  	[tilespmem:s21], [sflag:$0x2] =	stream.indirect_vreg.gather [hbm4b:s31+s3], $0x80, v9, vm2, $0xb8;
	[tilespmem:$0x18480] =	vst v63  }
0xcb: {  	s28 =	simm.s32 $0xFC80  }
0xcc: {  	[tilespmem:s28], [sflag:$0x2] =	stream.indirect_vreg.gather [hbm4b:s1+s3], $0x80, v9, vm2, $0xb8;
	[tilespmem:$0x18480] =	vst v63  }
0xcd: {  	v9 =	vld [tilespmem:$0x40];
	_ =	sdelay $0x4  }
0xce: {  	v10 =	vshll.u32 v9, $0x3  }
0xcf: {  	v9 =	vand.u32 $0x7, v9;
	v10 =	vand.u32 $0xFFFFFFC0, v10  }
0xd0: {  	v9 =	vor.u32 v9, v10  }
0xd1: {  	v10 =	vperm.xlane v9, v6;
	_ =	sdelay $0x1  }
0xd2: {  	v10 =	vadd.s32 v7, v10;
	_ =	sdelay $0x3  }
0xd3: {  	s29 =	simm.s32 $0x10480  }
0xd4: {  	[tilespmem:s29], [sflag:$0x2] =	stream.indirect_vreg.gather [hbm4b:s2+s3], $0x80, v10, vm2, $0xb8;
	[tilespmem:$0x18480] =	vst v63  }
0xd5: {  	s0 =	simm.s32 $0x10C80;
	v9 =	vperm.xlane v9, v8  }
0xd6: {  	[tilespmem:s0], [sflag:$0x2] =	stream.indirect_vreg.gather [hbm4b:s30+s3], $0x80, v10, vm2, $0xb8;
	[tilespmem:$0x18480] =	vst v63  }
0xd7: {  	s6 =	simm.s32 $0x11480;
	v9 =	vadd.s32 v7, v9  }
0xd8: {  	[tilespmem:s6], [sflag:$0x2] =	stream.indirect_vreg.gather [hbm4b:s31+s3], $0x80, v10, vm2, $0xb8;
	[tilespmem:$0x18480] =	vst v63  }
0xd9: {  	s7 =	simm.s32 $0x11C80  }
0xda: {  	[tilespmem:s7], [sflag:$0x2] =	stream.indirect_vreg.gather [hbm4b:s1+s3], $0x80, v10, vm2, $0xb8;
	[tilespmem:$0x18480] =	vst v63  }
0xdb: {  	s10 =	simm.s32 $0x12480  }
0xdc: {  	[tilespmem:s10], [sflag:$0x2] =	stream.indirect_vreg.gather [hbm4b:s2+s3], $0x80, v9, vm2, $0xb8;
	[tilespmem:$0x18480] =	vst v63  }
0xdd: {  	s15 =	simm.s32 $0x12C80  }
0xde: {  	[tilespmem:s15], [sflag:$0x2] =	stream.indirect_vreg.gather [hbm4b:s30+s3], $0x80, v9, vm2, $0xb8;
	[tilespmem:$0x18480] =	vst v63  }
0xdf: {  	s16 =	simm.s32 $0x13480  }
0xe0: {  	[tilespmem:s16], [sflag:$0x2] =	stream.indirect_vreg.gather [hbm4b:s31+s3], $0x80, v9, vm2, $0xb8;
	[tilespmem:$0x18480] =	vst v63  }
0xe1: {  	s20 =	simm.s32 $0x13C80  }
0xe2: {  	[tilespmem:s20], [sflag:$0x2] =	stream.indirect_vreg.gather [hbm4b:s1+s3], $0x80, v9, vm2, $0xb8;
	[tilespmem:$0x18480] =	vst v63  }
0xe3: {  	v9 =	vld [tilespmem:$0x50];
	_ =	sdelay $0x4  }
0xe4: {  	v10 =	vshll.u32 v9, $0x3  }
0xe5: {  	v9 =	vand.u32 $0x7, v9;
	v10 =	vand.u32 $0xFFFFFFC0, v10  }
0xe6: {  	v9 =	vor.u32 v9, v10  }
0xe7: {  	v10 =	vperm.xlane v9, v6;
	_ =	sdelay $0x1  }
0xe8: {  	v10 =	vadd.s32 v7, v10;
	_ =	sdelay $0x3  }
0xe9: {  	s21 =	simm.s32 $0x14480  }
0xea: {  	[tilespmem:s21], [sflag:$0x2] =	stream.indirect_vreg.gather [hbm4b:s2+s3], $0x80, v10, vm2, $0xb8;
	[tilespmem:$0x18480] =	vst v63  }
0xeb: {  	s0 =	simm.s32 $0x14C80;
	v9 =	vperm.xlane v9, v8  }
0xec: {  	[tilespmem:s0], [sflag:$0x2] =	stream.indirect_vreg.gather [hbm4b:s30+s3], $0x80, v10, vm2, $0xb8;
	[tilespmem:$0x18480] =	vst v63  }
0xed: {  	s6 =	simm.s32 $0x15480;
	v9 =	vadd.s32 v7, v9  }
0xee: {  	[tilespmem:s6], [sflag:$0x2] =	stream.indirect_vreg.gather [hbm4b:s31+s3], $0x80, v10, vm2, $0xb8;
	[tilespmem:$0x18480] =	vst v63  }
0xef: {  	s7 =	simm.s32 $0x15C80  }
0xf0: {  	[tilespmem:s7], [sflag:$0x2] =	stream.indirect_vreg.gather [hbm4b:s1+s3], $0x80, v10, vm2, $0xb8;
	[tilespmem:$0x18480] =	vst v63  }
0xf1: {  	s10 =	simm.s32 $0x16480  }
0xf2: {  	[tilespmem:s10], [sflag:$0x2] =	stream.indirect_vreg.gather [hbm4b:s2+s3], $0x80, v9, vm2, $0xb8;
	[tilespmem:$0x18480] =	vst v63  }
0xf3: {  	s15 =	simm.s32 $0x16C80  }
0xf4: {  	[tilespmem:s15], [sflag:$0x2] =	stream.indirect_vreg.gather [hbm4b:s30+s3], $0x80, v9, vm2, $0xb8;
	[tilespmem:$0x18480] =	vst v63  }
0xf5: {  	s16 =	simm.s32 $0x17480  }
0xf6: {  	[tilespmem:s16], [sflag:$0x2] =	stream.indirect_vreg.gather [hbm4b:s31+s3], $0x80, v9, vm2, $0xb8;
	[tilespmem:$0x18480] =	vst v63  }
0xf7: {  	s20 =	simm.s32 $0x17C80  }
0xf8: {  	[tilespmem:s20], [sflag:$0x2] =	stream.indirect_vreg.gather [hbm4b:s1+s3], $0x80, v9, vm2, $0xb8;
	[tilespmem:$0x18480] =	vst v63  }
0xf9: {  	_ =	swait.ge [sflag:s5], $0xC000  }
0xfa: {  	[sflag:s5] =	ssyncset.done $0x0  }
0xfb: {  	s21 =	rddreg [dreg:$0x5];
	[sflag:s5] =	ssyncadd.s32 $0xFFFF4000  }
0xfc: {  	[hbm4b:s21+s3] =	stream.linear.scatter [tilespmem:s24], [sflag:$0x3], $0xC000, $0x38;
	[tilespmem:$0x18480] =	vst v63  }
0xfd: {  	_ =	swait.ge [sflag:s22], $0xC000  }
0xfe: {  	[sflag:s22] =	ssyncset.done $0x0  }
0xff: {  	[sflag:s22] =	ssyncadd.s32 $0xFFFF4000  }
0x100: {  	v9 =	vld [tilespmem:$0x60];
	_ =	sdelay $0x4  }
0x101: {  	v10 =	vshll.u32 v9, $0x3  }
0x102: {  	v9 =	vand.u32 $0x7, v9;
	v10 =	vand.u32 $0xFFFFFFC0, v10  }
0x103: {  	v9 =	vor.u32 v9, v10  }
0x104: {  	v10 =	vperm.xlane v9, v6;
	_ =	sdelay $0x1  }
0x105: {  	v10 =	vadd.s32 v7, v10;
	_ =	sdelay $0x4  }
0x106: {  	[tilespmem:s24], [sflag:$0x1] =	stream.indirect_vreg.gather [hbm4b:s2+s3], $0x80, v10, vm2, $0xb8;
	[tilespmem:$0x18480] =	vst v63  }
0x107: {  	s4 =	simm.s32 $0xC80;
	v9 =	vperm.xlane v9, v8  }
0x108: {  	[tilespmem:s4], [sflag:$0x1] =	stream.indirect_vreg.gather [hbm4b:s30+s3], $0x80, v10, vm2, $0xb8;
	[tilespmem:$0x18480] =	vst v63  }
0x109: {  	s0 =	simm.s32 $0x1480;
	v9 =	vadd.s32 v7, v9  }
0x10a: {  	[tilespmem:s0], [sflag:$0x1] =	stream.indirect_vreg.gather [hbm4b:s31+s3], $0x80, v10, vm2, $0xb8;
	[tilespmem:$0x18480] =	vst v63  }
0x10b: {  	s4 =	simm.s32 $0x1C80  }
0x10c: {  	[tilespmem:s4], [sflag:$0x1] =	stream.indirect_vreg.gather [hbm4b:s1+s3], $0x80, v10, vm2, $0xb8;
	[tilespmem:$0x18480] =	vst v63  }
0x10d: {  	s6 =	simm.s32 $0x2480  }
0x10e: {  	[tilespmem:s6], [sflag:$0x1] =	stream.indirect_vreg.gather [hbm4b:s2+s3], $0x80, v9, vm2, $0xb8;
	[tilespmem:$0x18480] =	vst v63  }
0x10f: {  	s7 =	simm.s32 $0x2C80  }
0x110: {  	[tilespmem:s7], [sflag:$0x1] =	stream.indirect_vreg.gather [hbm4b:s30+s3], $0x80, v9, vm2, $0xb8;
	[tilespmem:$0x18480] =	vst v63  }
0x111: {  	s10 =	simm.s32 $0x3480  }
0x112: {  	[tilespmem:s10], [sflag:$0x1] =	stream.indirect_vreg.gather [hbm4b:s31+s3], $0x80, v9, vm2, $0xb8;
	[tilespmem:$0x18480] =	vst v63  }
0x113: {  	s12 =	simm.s32 $0x3C80  }
0x114: {  	[tilespmem:s12], [sflag:$0x1] =	stream.indirect_vreg.gather [hbm4b:s1+s3], $0x80, v9, vm2, $0xb8;
	[tilespmem:$0x18480] =	vst v63  }
0x115: {  	v9 =	vld [tilespmem:$0x70];
	_ =	sdelay $0x4  }
0x116: {  	v10 =	vshll.u32 v9, $0x3  }
0x117: {  	v9 =	vand.u32 $0x7, v9;
	v10 =	vand.u32 $0xFFFFFFC0, v10  }
0x118: {  	v9 =	vor.u32 v9, v10  }
0x119: {  	v10 =	vperm.xlane v9, v6;
	_ =	sdelay $0x1  }
0x11a: {  	v10 =	vadd.s32 v7, v10;
	_ =	sdelay $0x3  }
0x11b: {  	s13 =	simm.s32 $0x4480  }
0x11c: {  	[tilespmem:s13], [sflag:$0x1] =	stream.indirect_vreg.gather [hbm4b:s2+s3], $0x80, v10, vm2, $0xb8;
	[tilespmem:$0x18480] =	vst v63  }
0x11d: {  	s14 =	simm.s32 $0x4C80;
	v9 =	vperm.xlane v9, v8  }
0x11e: {  	[tilespmem:s14], [sflag:$0x1] =	stream.indirect_vreg.gather [hbm4b:s30+s3], $0x80, v10, vm2, $0xb8;
	[tilespmem:$0x18480] =	vst v63  }
0x11f: {  	s12 =	simm.s32 $0x5480;
	v9 =	vadd.s32 v7, v9  }
0x120: {  	[tilespmem:s12], [sflag:$0x1] =	stream.indirect_vreg.gather [hbm4b:s31+s3], $0x80, v10, vm2, $0xb8;
	[tilespmem:$0x18480] =	vst v63  }
0x121: {  	s13 =	simm.s32 $0x5C80  }
0x122: {  	[tilespmem:s13], [sflag:$0x1] =	stream.indirect_vreg.gather [hbm4b:s1+s3], $0x80, v10, vm2, $0xb8;
	[tilespmem:$0x18480] =	vst v63  }
0x123: {  	s14 =	simm.s32 $0x6480  }
0x124: {  	[tilespmem:s14], [sflag:$0x1] =	stream.indirect_vreg.gather [hbm4b:s2+s3], $0x80, v9, vm2, $0xb8;
	[tilespmem:$0x18480] =	vst v63  }
0x125: {  	s15 =	simm.s32 $0x6C80  }
0x126: {  	[tilespmem:s15], [sflag:$0x1] =	stream.indirect_vreg.gather [hbm4b:s30+s3], $0x80, v9, vm2, $0xb8;
	[tilespmem:$0x18480] =	vst v63  }
0x127: {  	s16 =	simm.s32 $0x7480  }
0x128: {  	[tilespmem:s16], [sflag:$0x1] =	stream.indirect_vreg.gather [hbm4b:s31+s3], $0x80, v9, vm2, $0xb8;
	[tilespmem:$0x18480] =	vst v63  }
0x129: {  	s17 =	simm.s32 $0x7C80  }
0x12a: {  	[tilespmem:s17], [sflag:$0x1] =	stream.indirect_vreg.gather [hbm4b:s1+s3], $0x80, v9, vm2, $0xb8;
	[tilespmem:$0x18480] =	vst v63  }
0x12b: {  	v9 =	vld [tilespmem:$0x80];
	_ =	sdelay $0x4  }
0x12c: {  	v10 =	vshll.u32 v9, $0x3  }
0x12d: {  	v9 =	vand.u32 $0x7, v9;
	v10 =	vand.u32 $0xFFFFFFC0, v10  }
0x12e: {  	v9 =	vor.u32 v9, v10  }
0x12f: {  	v10 =	vperm.xlane v9, v6;
	_ =	sdelay $0x1  }
0x130: {  	v10 =	vadd.s32 v7, v10;
	_ =	sdelay $0x3  }
0x131: {  	s18 =	simm.s32 $0x8480  }
0x132: {  	[tilespmem:s18], [sflag:$0x1] =	stream.indirect_vreg.gather [hbm4b:s2+s3], $0x80, v10, vm2, $0xb8;
	[tilespmem:$0x18480] =	vst v63  }
0x133: {  	s19 =	simm.s32 $0x8C80;
	v9 =	vperm.xlane v9, v8  }
0x134: {  	[tilespmem:s19], [sflag:$0x1] =	stream.indirect_vreg.gather [hbm4b:s30+s3], $0x80, v10, vm2, $0xb8;
	[tilespmem:$0x18480] =	vst v63  }
0x135: {  	s17 =	simm.s32 $0x9480;
	v9 =	vadd.s32 v7, v9  }
0x136: {  	[tilespmem:s17], [sflag:$0x1] =	stream.indirect_vreg.gather [hbm4b:s31+s3], $0x80, v10, vm2, $0xb8;
	[tilespmem:$0x18480] =	vst v63  }
0x137: {  	s18 =	simm.s32 $0x9C80  }
0x138: {  	[tilespmem:s18], [sflag:$0x1] =	stream.indirect_vreg.gather [hbm4b:s1+s3], $0x80, v10, vm2, $0xb8;
	[tilespmem:$0x18480] =	vst v63  }
0x139: {  	s19 =	simm.s32 $0xA480  }
0x13a: {  	[tilespmem:s19], [sflag:$0x1] =	stream.indirect_vreg.gather [hbm4b:s2+s3], $0x80, v9, vm2, $0xb8;
	[tilespmem:$0x18480] =	vst v63  }
0x13b: {  	s20 =	simm.s32 $0xAC80  }
0x13c: {  	[tilespmem:s20], [sflag:$0x1] =	stream.indirect_vreg.gather [hbm4b:s30+s3], $0x80, v9, vm2, $0xb8;
	[tilespmem:$0x18480] =	vst v63  }
0x13d: {  	s21 =	simm.s32 $0xB480  }
0x13e: {  	[tilespmem:s21], [sflag:$0x1] =	stream.indirect_vreg.gather [hbm4b:s31+s3], $0x80, v9, vm2, $0xb8;
	[tilespmem:$0x18480] =	vst v63  }
0x13f: {  	s25 =	simm.s32 $0xBC80  }
0x140: {  	[tilespmem:s25], [sflag:$0x1] =	stream.indirect_vreg.gather [hbm4b:s1+s3], $0x80, v9, vm2, $0xb8;
	[tilespmem:$0x18480] =	vst v63  }
0x141: {  	_ =	swait.ge [sflag:s8], $0xC000  }
0x142: {  	[sflag:s8] =	ssyncset.done $0x0  }
0x143: {  	s25 =	rddreg [dreg:$0x1d];
	[sflag:s8] =	ssyncadd.s32 $0xFFFF4000  }
0x144: {  	[hbm4b:s25+s3] =	stream.linear.scatter [tilespmem:s23], [sflag:$0x4], $0xC000, $0x38;
	[tilespmem:$0x18480] =	vst v63  }
0x145: {  	_ =	swait.ge [sflag:s9], $0xC000  }
0x146: {  	[sflag:s9] =	ssyncset.done $0x0  }
0x147: {  	[sflag:s9] =	ssyncadd.s32 $0xFFFF4000  }
0x148: {  	v9 =	vld [tilespmem:$0x90];
	_ =	sdelay $0x4  }
0x149: {  	v10 =	vshll.u32 v9, $0x3  }
0x14a: {  	v9 =	vand.u32 $0x7, v9;
	v10 =	vand.u32 $0xFFFFFFC0, v10  }
0x14b: {  	v9 =	vor.u32 v9, v10  }
0x14c: {  	v10 =	vperm.xlane v9, v6;
	_ =	sdelay $0x1  }
0x14d: {  	v10 =	vadd.s32 v7, v10;
	_ =	sdelay $0x4  }
0x14e: {  	[tilespmem:s23], [sflag:$0x2] =	stream.indirect_vreg.gather [hbm4b:s2+s3], $0x80, v10, vm2, $0xb8;
	[tilespmem:$0x18480] =	vst v63  }
0x14f: {  	s26 =	simm.s32 $0xCC80;
	v9 =	vperm.xlane v9, v8  }
0x150: {  	[tilespmem:s26], [sflag:$0x2] =	stream.indirect_vreg.gather [hbm4b:s30+s3], $0x80, v10, vm2, $0xb8;
	[tilespmem:$0x18480] =	vst v63  }
0x151: {  	s25 =	simm.s32 $0xD480;
	v9 =	vadd.s32 v7, v9  }
0x152: {  	[tilespmem:s25], [sflag:$0x2] =	stream.indirect_vreg.gather [hbm4b:s31+s3], $0x80, v10, vm2, $0xb8;
	[tilespmem:$0x18480] =	vst v63  }
0x153: {  	s26 =	simm.s32 $0xDC80  }
0x154: {  	[tilespmem:s26], [sflag:$0x2] =	stream.indirect_vreg.gather [hbm4b:s1+s3], $0x80, v10, vm2, $0xb8;
	[tilespmem:$0x18480] =	vst v63  }
0x155: {  	s11 =	simm.s32 $0xE480  }
0x156: {  	[tilespmem:s11], [sflag:$0x2] =	stream.indirect_vreg.gather [hbm4b:s2+s3], $0x80, v9, vm2, $0xb8;
	[tilespmem:$0x18480] =	vst v63  }
0x157: {  	s11 =	simm.s32 $0xEC80  }
0x158: {  	[tilespmem:s11], [sflag:$0x2] =	stream.indirect_vreg.gather [hbm4b:s30+s3], $0x80, v9, vm2, $0xb8;
	[tilespmem:$0x18480] =	vst v63  }
0x159: {  	s11 =	simm.s32 $0xF480  }
0x15a: {  	[tilespmem:s11], [sflag:$0x2] =	stream.indirect_vreg.gather [hbm4b:s31+s3], $0x80, v9, vm2, $0xb8;
	[tilespmem:$0x18480] =	vst v63  }
0x15b: {  	s28 =	simm.s32 $0xFC80  }
0x15c: {  	[tilespmem:s28], [sflag:$0x2] =	stream.indirect_vreg.gather [hbm4b:s1+s3], $0x80, v9, vm2, $0xb8;
	[tilespmem:$0x18480] =	vst v63  }
0x15d: {  	v9 =	vld [tilespmem:$0xA0];
	_ =	sdelay $0x4  }
0x15e: {  	v10 =	vshll.u32 v9, $0x3  }
0x15f: {  	v9 =	vand.u32 $0x7, v9;
	v10 =	vand.u32 $0xFFFFFFC0, v10  }
0x160: {  	v9 =	vor.u32 v9, v10  }
0x161: {  	v10 =	vperm.xlane v9, v6;
	_ =	sdelay $0x1  }
0x162: {  	v10 =	vadd.s32 v7, v10;
	_ =	sdelay $0x3  }
0x163: {  	s29 =	simm.s32 $0x10480  }
0x164: {  	[tilespmem:s29], [sflag:$0x2] =	stream.indirect_vreg.gather [hbm4b:s2+s3], $0x80, v10, vm2, $0xb8;
	[tilespmem:$0x18480] =	vst v63  }
0x165: {  	v9 =	vperm.xlane v9, v8;
	s29 =	simm.s32 $0x10C80  }
0x166: {  	[tilespmem:s29], [sflag:$0x2] =	stream.indirect_vreg.gather [hbm4b:s30+s3], $0x80, v10, vm2, $0xb8;
	[tilespmem:$0x18480] =	vst v63  }
0x167: {  	s28 =	simm.s32 $0x11480;
	v9 =	vadd.s32 v7, v9  }
0x168: {  	[tilespmem:s28], [sflag:$0x2] =	stream.indirect_vreg.gather [hbm4b:s31+s3], $0x80, v10, vm2, $0xb8;
	[tilespmem:$0x18480] =	vst v63  }
0x169: {  	s29 =	simm.s32 $0x11C80  }
0x16a: {  	[tilespmem:s29], [sflag:$0x2] =	stream.indirect_vreg.gather [hbm4b:s1+s3], $0x80, v10, vm2, $0xb8;
	[tilespmem:$0x18480] =	vst v63  }
0x16b: {  	s11 =	simm.s32 $0x12480  }
0x16c: {  	[tilespmem:s11], [sflag:$0x2] =	stream.indirect_vreg.gather [hbm4b:s2+s3], $0x80, v9, vm2, $0xb8;
	[tilespmem:$0x18480] =	vst v63  }
0x16d: {  	s11 =	simm.s32 $0x12C80  }
0x16e: {  	[tilespmem:s11], [sflag:$0x2] =	stream.indirect_vreg.gather [hbm4b:s30+s3], $0x80, v9, vm2, $0xb8;
	[tilespmem:$0x18480] =	vst v63  }
0x16f: {  	s11 =	simm.s32 $0x13480  }
0x170: {  	[tilespmem:s11], [sflag:$0x2] =	stream.indirect_vreg.gather [hbm4b:s31+s3], $0x80, v9, vm2, $0xb8;
	[tilespmem:$0x18480] =	vst v63  }
0x171: {  	s11 =	simm.s32 $0x13C80  }
0x172: {  	[tilespmem:s11], [sflag:$0x2] =	stream.indirect_vreg.gather [hbm4b:s1+s3], $0x80, v9, vm2, $0xb8;
	[tilespmem:$0x18480] =	vst v63  }
0x173: {  	v9 =	vld [tilespmem:$0xB0];
	_ =	sdelay $0x4  }
0x174: {  	v10 =	vshll.u32 v9, $0x3  }
0x175: {  	v9 =	vand.u32 $0x7, v9;
	v10 =	vand.u32 $0xFFFFFFC0, v10  }
0x176: {  	v9 =	vor.u32 v9, v10  }
0x177: {  	v10 =	vperm.xlane v9, v6;
	_ =	sdelay $0x1  }
0x178: {  	v10 =	vadd.s32 v7, v10;
	_ =	sdelay $0x3  }
0x179: {  	s11 =	simm.s32 $0x14480  }
0x17a: {  	[tilespmem:s11], [sflag:$0x2] =	stream.indirect_vreg.gather [hbm4b:s2+s3], $0x80, v10, vm2, $0xb8;
	[tilespmem:$0x18480] =	vst v63  }
0x17b: {  	v9 =	vperm.xlane v9, v8;
	s11 =	simm.s32 $0x14C80  }
0x17c: {  	[tilespmem:s11], [sflag:$0x2] =	stream.indirect_vreg.gather [hbm4b:s30+s3], $0x80, v10, vm2, $0xb8;
	[tilespmem:$0x18480] =	vst v63  }
0x17d: {  	v9 =	vadd.s32 v7, v9;
	s11 =	simm.s32 $0x15480  }
0x17e: {  	[tilespmem:s11], [sflag:$0x2] =	stream.indirect_vreg.gather [hbm4b:s31+s3], $0x80, v10, vm2, $0xb8;
	[tilespmem:$0x18480] =	vst v63  }
0x17f: {  	s11 =	simm.s32 $0x15C80  }
0x180: {  	[tilespmem:s11], [sflag:$0x2] =	stream.indirect_vreg.gather [hbm4b:s1+s3], $0x80, v10, vm2, $0xb8;
	[tilespmem:$0x18480] =	vst v63  }
0x181: {  	s11 =	simm.s32 $0x16480  }
0x182: {  	[tilespmem:s11], [sflag:$0x2] =	stream.indirect_vreg.gather [hbm4b:s2+s3], $0x80, v9, vm2, $0xb8;
	[tilespmem:$0x18480] =	vst v63  }
0x183: {  	s11 =	simm.s32 $0x16C80  }
0x184: {  	[tilespmem:s11], [sflag:$0x2] =	stream.indirect_vreg.gather [hbm4b:s30+s3], $0x80, v9, vm2, $0xb8;
	[tilespmem:$0x18480] =	vst v63  }
0x185: {  	s11 =	simm.s32 $0x17480  }
0x186: {  	[tilespmem:s11], [sflag:$0x2] =	stream.indirect_vreg.gather [hbm4b:s31+s3], $0x80, v9, vm2, $0xb8;
	[tilespmem:$0x18480] =	vst v63  }
0x187: {  	s11 =	simm.s32 $0x17C80  }
0x188: {  	[tilespmem:s11], [sflag:$0x2] =	stream.indirect_vreg.gather [hbm4b:s1+s3], $0x80, v9, vm2, $0xb8;
	[tilespmem:$0x18480] =	vst v63  }
0x189: {  	_ =	swait.ge [sflag:s5], $0xC000  }
0x18a: {  	[sflag:s5] =	ssyncset.done $0x0  }
0x18b: {  	s11 =	rddreg [dreg:$0x1e];
	[sflag:s5] =	ssyncadd.s32 $0xFFFF4000  }
0x18c: {  	[hbm4b:s11+s3] =	stream.linear.scatter [tilespmem:s24], [sflag:$0x3], $0xC000, $0x38;
	[tilespmem:$0x18480] =	vst v63  }
0x18d: {  	_ =	swait.ge [sflag:s22], $0xC000  }
0x18e: {  	[sflag:s22] =	ssyncset.done $0x0  }
0x18f: {  	[sflag:s22] =	ssyncadd.s32 $0xFFFF4000  }
0x190: {  	v9 =	vld [tilespmem:$0xC0];
	_ =	sdelay $0x4  }
0x191: {  	v10 =	vshll.u32 v9, $0x3  }
0x192: {  	v9 =	vand.u32 $0x7, v9;
	v10 =	vand.u32 $0xFFFFFFC0, v10  }
0x193: {  	v9 =	vor.u32 v9, v10  }
0x194: {  	v10 =	vperm.xlane v9, v6;
	_ =	sdelay $0x1  }
0x195: {  	v10 =	vadd.s32 v7, v10;
	_ =	sdelay $0x4  }
0x196: {  	[tilespmem:s24], [sflag:$0x1] =	stream.indirect_vreg.gather [hbm4b:s2+s3], $0x80, v10, vm2, $0xb8;
	[tilespmem:$0x18480] =	vst v63  }
0x197: {  	s11 =	simm.s32 $0xC80;
	v9 =	vperm.xlane v9, v8  }
0x198: {  	[tilespmem:s11], [sflag:$0x1] =	stream.indirect_vreg.gather [hbm4b:s30+s3], $0x80, v10, vm2, $0xb8;
	[tilespmem:$0x18480] =	vst v63  }
0x199: {  	v9 =	vadd.s32 v7, v9  }
0x19a: {  	[tilespmem:s0], [sflag:$0x1] =	stream.indirect_vreg.gather [hbm4b:s31+s3], $0x80, v10, vm2, $0xb8;
	[tilespmem:$0x18480] =	vst v63  }
0x19b: {  	_ = 	snop  }
0x19c: {  	[tilespmem:s4], [sflag:$0x1] =	stream.indirect_vreg.gather [hbm4b:s1+s3], $0x80, v10, vm2, $0xb8;
	[tilespmem:$0x18480] =	vst v63  }
0x19d: {  	_ = 	snop  }
0x19e: {  	[tilespmem:s6], [sflag:$0x1] =	stream.indirect_vreg.gather [hbm4b:s2+s3], $0x80, v9, vm2, $0xb8;
	[tilespmem:$0x18480] =	vst v63  }
0x19f: {  	_ = 	snop  }
0x1a0: {  	[tilespmem:s7], [sflag:$0x1] =	stream.indirect_vreg.gather [hbm4b:s30+s3], $0x80, v9, vm2, $0xb8;
	[tilespmem:$0x18480] =	vst v63  }
0x1a1: {  	_ = 	snop  }
0x1a2: {  	[tilespmem:s10], [sflag:$0x1] =	stream.indirect_vreg.gather [hbm4b:s31+s3], $0x80, v9, vm2, $0xb8;
	[tilespmem:$0x18480] =	vst v63  }
0x1a3: {  	s11 =	simm.s32 $0x3C80  }
0x1a4: {  	[tilespmem:s11], [sflag:$0x1] =	stream.indirect_vreg.gather [hbm4b:s1+s3], $0x80, v9, vm2, $0xb8;
	[tilespmem:$0x18480] =	vst v63  }
0x1a5: {  	v9 =	vld [tilespmem:$0xD0];
	_ =	sdelay $0x4  }
0x1a6: {  	v10 =	vshll.u32 v9, $0x3  }
0x1a7: {  	v9 =	vand.u32 $0x7, v9;
	v10 =	vand.u32 $0xFFFFFFC0, v10  }
0x1a8: {  	v9 =	vor.u32 v9, v10  }
0x1a9: {  	v10 =	vperm.xlane v9, v6;
	_ =	sdelay $0x1  }
0x1aa: {  	v10 =	vadd.s32 v7, v10;
	_ =	sdelay $0x3  }
0x1ab: {  	s11 =	simm.s32 $0x4480  }
0x1ac: {  	[tilespmem:s11], [sflag:$0x1] =	stream.indirect_vreg.gather [hbm4b:s2+s3], $0x80, v10, vm2, $0xb8;
	[tilespmem:$0x18480] =	vst v63  }
0x1ad: {  	v9 =	vperm.xlane v9, v8;
	s11 =	simm.s32 $0x4C80  }
0x1ae: {  	[tilespmem:s11], [sflag:$0x1] =	stream.indirect_vreg.gather [hbm4b:s30+s3], $0x80, v10, vm2, $0xb8;
	[tilespmem:$0x18480] =	vst v63  }
0x1af: {  	v9 =	vadd.s32 v7, v9  }
0x1b0: {  	[tilespmem:s12], [sflag:$0x1] =	stream.indirect_vreg.gather [hbm4b:s31+s3], $0x80, v10, vm2, $0xb8;
	[tilespmem:$0x18480] =	vst v63  }
0x1b1: {  	_ = 	snop  }
0x1b2: {  	[tilespmem:s13], [sflag:$0x1] =	stream.indirect_vreg.gather [hbm4b:s1+s3], $0x80, v10, vm2, $0xb8;
	[tilespmem:$0x18480] =	vst v63  }
0x1b3: {  	_ = 	snop  }
0x1b4: {  	[tilespmem:s14], [sflag:$0x1] =	stream.indirect_vreg.gather [hbm4b:s2+s3], $0x80, v9, vm2, $0xb8;
	[tilespmem:$0x18480] =	vst v63  }
0x1b5: {  	_ = 	snop  }
0x1b6: {  	[tilespmem:s15], [sflag:$0x1] =	stream.indirect_vreg.gather [hbm4b:s30+s3], $0x80, v9, vm2, $0xb8;
	[tilespmem:$0x18480] =	vst v63  }
0x1b7: {  	_ = 	snop  }
0x1b8: {  	[tilespmem:s16], [sflag:$0x1] =	stream.indirect_vreg.gather [hbm4b:s31+s3], $0x80, v9, vm2, $0xb8;
	[tilespmem:$0x18480] =	vst v63  }
0x1b9: {  	s11 =	simm.s32 $0x7C80  }
0x1ba: {  	[tilespmem:s11], [sflag:$0x1] =	stream.indirect_vreg.gather [hbm4b:s1+s3], $0x80, v9, vm2, $0xb8;
	[tilespmem:$0x18480] =	vst v63  }
0x1bb: {  	v9 =	vld [tilespmem:$0xE0];
	_ =	sdelay $0x4  }
0x1bc: {  	v10 =	vshll.u32 v9, $0x3  }
0x1bd: {  	v9 =	vand.u32 $0x7, v9;
	v10 =	vand.u32 $0xFFFFFFC0, v10  }
0x1be: {  	v9 =	vor.u32 v9, v10  }
0x1bf: {  	v10 =	vperm.xlane v9, v6;
	_ =	sdelay $0x1  }
0x1c0: {  	v10 =	vadd.s32 v7, v10;
	_ =	sdelay $0x3  }
0x1c1: {  	s11 =	simm.s32 $0x8480  }
0x1c2: {  	[tilespmem:s11], [sflag:$0x1] =	stream.indirect_vreg.gather [hbm4b:s2+s3], $0x80, v10, vm2, $0xb8;
	[tilespmem:$0x18480] =	vst v63  }
0x1c3: {  	v9 =	vperm.xlane v9, v8;
	s11 =	simm.s32 $0x8C80  }
0x1c4: {  	[tilespmem:s11], [sflag:$0x1] =	stream.indirect_vreg.gather [hbm4b:s30+s3], $0x80, v10, vm2, $0xb8;
	[tilespmem:$0x18480] =	vst v63  }
0x1c5: {  	v9 =	vadd.s32 v7, v9  }
0x1c6: {  	[tilespmem:s17], [sflag:$0x1] =	stream.indirect_vreg.gather [hbm4b:s31+s3], $0x80, v10, vm2, $0xb8;
	[tilespmem:$0x18480] =	vst v63  }
0x1c7: {  	_ = 	snop  }
0x1c8: {  	[tilespmem:s18], [sflag:$0x1] =	stream.indirect_vreg.gather [hbm4b:s1+s3], $0x80, v10, vm2, $0xb8;
	[tilespmem:$0x18480] =	vst v63  }
0x1c9: {  	_ = 	snop  }
0x1ca: {  	[tilespmem:s19], [sflag:$0x1] =	stream.indirect_vreg.gather [hbm4b:s2+s3], $0x80, v9, vm2, $0xb8;
	[tilespmem:$0x18480] =	vst v63  }
0x1cb: {  	_ = 	snop  }
0x1cc: {  	[tilespmem:s20], [sflag:$0x1] =	stream.indirect_vreg.gather [hbm4b:s30+s3], $0x80, v9, vm2, $0xb8;
	[tilespmem:$0x18480] =	vst v63  }
0x1cd: {  	_ = 	snop  }
0x1ce: {  	[tilespmem:s21], [sflag:$0x1] =	stream.indirect_vreg.gather [hbm4b:s31+s3], $0x80, v9, vm2, $0xb8;
	[tilespmem:$0x18480] =	vst v63  }
0x1cf: {  	s11 =	simm.s32 $0xBC80  }
0x1d0: {  	[tilespmem:s11], [sflag:$0x1] =	stream.indirect_vreg.gather [hbm4b:s1+s3], $0x80, v9, vm2, $0xb8;
	[tilespmem:$0x18480] =	vst v63  }
0x1d1: {  	_ =	swait.ge [sflag:s8], $0xC000  }
0x1d2: {  	[sflag:s8] =	ssyncset.done $0x0  }
0x1d3: {  	s11 =	rddreg [dreg:$0x6];
	[sflag:s8] =	ssyncadd.s32 $0xFFFF4000  }
0x1d4: {  	[hbm4b:s11+s3] =	stream.linear.scatter [tilespmem:s23], [sflag:$0x4], $0xC000, $0x38;
	[tilespmem:$0x18480] =	vst v63  }
0x1d5: {  	_ =	swait.ge [sflag:s9], $0xC000  }
0x1d6: {  	[sflag:s9] =	ssyncset.done $0x0  }
0x1d7: {  	[sflag:s9] =	ssyncadd.s32 $0xFFFF4000  }
0x1d8: {  	v9 =	vld [tilespmem:$0xF0];
	_ =	sdelay $0x4  }
0x1d9: {  	v10 =	vshll.u32 v9, $0x3  }
0x1da: {  	v9 =	vand.u32 $0x7, v9;
	v10 =	vand.u32 $0xFFFFFFC0, v10  }
0x1db: {  	v9 =	vor.u32 v9, v10  }
0x1dc: {  	v10 =	vperm.xlane v9, v6;
	_ =	sdelay $0x1  }
0x1dd: {  	v10 =	vadd.s32 v7, v10;
	_ =	sdelay $0x4  }
0x1de: {  	[tilespmem:s23], [sflag:$0x2] =	stream.indirect_vreg.gather [hbm4b:s2+s3], $0x80, v10, vm2, $0xb8;
	[tilespmem:$0x18480] =	vst v63  }
0x1df: {  	s11 =	simm.s32 $0xCC80;
	v9 =	vperm.xlane v9, v8  }
0x1e0: {  	[tilespmem:s11], [sflag:$0x2] =	stream.indirect_vreg.gather [hbm4b:s30+s3], $0x80, v10, vm2, $0xb8;
	[tilespmem:$0x18480] =	vst v63  }
0x1e1: {  	s25 =	simm.s32 $0xD480;
	v9 =	vadd.s32 v7, v9  }
0x1e2: {  	[tilespmem:s25], [sflag:$0x2] =	stream.indirect_vreg.gather [hbm4b:s31+s3], $0x80, v10, vm2, $0xb8;
	[tilespmem:$0x18480] =	vst v63  }
0x1e3: {  	s26 =	simm.s32 $0xDC80  }
0x1e4: {  	[tilespmem:s26], [sflag:$0x2] =	stream.indirect_vreg.gather [hbm4b:s1+s3], $0x80, v10, vm2, $0xb8;
	[tilespmem:$0x18480] =	vst v63  }
0x1e5: {  	s11 =	simm.s32 $0xE480  }
0x1e6: {  	[tilespmem:s11], [sflag:$0x2] =	stream.indirect_vreg.gather [hbm4b:s2+s3], $0x80, v9, vm2, $0xb8;
	[tilespmem:$0x18480] =	vst v63  }
0x1e7: {  	s11 =	simm.s32 $0xEC80  }
0x1e8: {  	[tilespmem:s11], [sflag:$0x2] =	stream.indirect_vreg.gather [hbm4b:s30+s3], $0x80, v9, vm2, $0xb8;
	[tilespmem:$0x18480] =	vst v63  }
0x1e9: {  	s11 =	simm.s32 $0xF480  }
0x1ea: {  	[tilespmem:s11], [sflag:$0x2] =	stream.indirect_vreg.gather [hbm4b:s31+s3], $0x80, v9, vm2, $0xb8;
	[tilespmem:$0x18480] =	vst v63  }
0x1eb: {  	s11 =	simm.s32 $0xFC80  }
0x1ec: {  	[tilespmem:s11], [sflag:$0x2] =	stream.indirect_vreg.gather [hbm4b:s1+s3], $0x80, v9, vm2, $0xb8;
	[tilespmem:$0x18480] =	vst v63  }
0x1ed: {  	v9 =	vld [tilespmem:$0x100];
	_ =	sdelay $0x4  }
0x1ee: {  	v10 =	vshll.u32 v9, $0x3  }
0x1ef: {  	v9 =	vand.u32 $0x7, v9;
	v10 =	vand.u32 $0xFFFFFFC0, v10  }
0x1f0: {  	v9 =	vor.u32 v9, v10  }
0x1f1: {  	v10 =	vperm.xlane v9, v6;
	_ =	sdelay $0x1  }
0x1f2: {  	v10 =	vadd.s32 v7, v10;
	_ =	sdelay $0x3  }
0x1f3: {  	s11 =	simm.s32 $0x10480  }
0x1f4: {  	[tilespmem:s11], [sflag:$0x2] =	stream.indirect_vreg.gather [hbm4b:s2+s3], $0x80, v10, vm2, $0xb8;
	[tilespmem:$0x18480] =	vst v63  }
0x1f5: {  	v9 =	vperm.xlane v9, v8;
	s11 =	simm.s32 $0x10C80  }
0x1f6: {  	[tilespmem:s11], [sflag:$0x2] =	stream.indirect_vreg.gather [hbm4b:s30+s3], $0x80, v10, vm2, $0xb8;
	[tilespmem:$0x18480] =	vst v63  }
0x1f7: {  	s28 =	simm.s32 $0x11480;
	v9 =	vadd.s32 v7, v9  }
0x1f8: {  	[tilespmem:s28], [sflag:$0x2] =	stream.indirect_vreg.gather [hbm4b:s31+s3], $0x80, v10, vm2, $0xb8;
	[tilespmem:$0x18480] =	vst v63  }
0x1f9: {  	s29 =	simm.s32 $0x11C80  }
0x1fa: {  	[tilespmem:s29], [sflag:$0x2] =	stream.indirect_vreg.gather [hbm4b:s1+s3], $0x80, v10, vm2, $0xb8;
	[tilespmem:$0x18480] =	vst v63  }
0x1fb: {  	s11 =	simm.s32 $0x12480  }
0x1fc: {  	[tilespmem:s11], [sflag:$0x2] =	stream.indirect_vreg.gather [hbm4b:s2+s3], $0x80, v9, vm2, $0xb8;
	[tilespmem:$0x18480] =	vst v63  }
0x1fd: {  	s11 =	simm.s32 $0x12C80  }
0x1fe: {  	[tilespmem:s11], [sflag:$0x2] =	stream.indirect_vreg.gather [hbm4b:s30+s3], $0x80, v9, vm2, $0xb8;
	[tilespmem:$0x18480] =	vst v63  }
0x1ff: {  	s11 =	simm.s32 $0x13480  }
0x200: {  	[tilespmem:s11], [sflag:$0x2] =	stream.indirect_vreg.gather [hbm4b:s31+s3], $0x80, v9, vm2, $0xb8;
	[tilespmem:$0x18480] =	vst v63  }
0x201: {  	s11 =	simm.s32 $0x13C80  }
0x202: {  	[tilespmem:s11], [sflag:$0x2] =	stream.indirect_vreg.gather [hbm4b:s1+s3], $0x80, v9, vm2, $0xb8;
	[tilespmem:$0x18480] =	vst v63  }
0x203: {  	v9 =	vld [tilespmem:$0x110];
	_ =	sdelay $0x4  }
0x204: {  	v10 =	vshll.u32 v9, $0x3  }
0x205: {  	v9 =	vand.u32 $0x7, v9;
	v10 =	vand.u32 $0xFFFFFFC0, v10  }
0x206: {  	v9 =	vor.u32 v9, v10  }
0x207: {  	v10 =	vperm.xlane v9, v6;
	_ =	sdelay $0x1  }
0x208: {  	v10 =	vadd.s32 v7, v10;
	_ =	sdelay $0x3  }
0x209: {  	s11 =	simm.s32 $0x14480  }
0x20a: {  	[tilespmem:s11], [sflag:$0x2] =	stream.indirect_vreg.gather [hbm4b:s2+s3], $0x80, v10, vm2, $0xb8;
	[tilespmem:$0x18480] =	vst v63  }
0x20b: {  	v9 =	vperm.xlane v9, v8;
	s11 =	simm.s32 $0x14C80  }
0x20c: {  	[tilespmem:s11], [sflag:$0x2] =	stream.indirect_vreg.gather [hbm4b:s30+s3], $0x80, v10, vm2, $0xb8;
	[tilespmem:$0x18480] =	vst v63  }
0x20d: {  	v9 =	vadd.s32 v7, v9;
	s11 =	simm.s32 $0x15480  }
0x20e: {  	[tilespmem:s11], [sflag:$0x2] =	stream.indirect_vreg.gather [hbm4b:s31+s3], $0x80, v10, vm2, $0xb8;
	[tilespmem:$0x18480] =	vst v63  }
0x20f: {  	s11 =	simm.s32 $0x15C80  }
0x210: {  	[tilespmem:s11], [sflag:$0x2] =	stream.indirect_vreg.gather [hbm4b:s1+s3], $0x80, v10, vm2, $0xb8;
	[tilespmem:$0x18480] =	vst v63  }
0x211: {  	s11 =	simm.s32 $0x16480  }
0x212: {  	[tilespmem:s11], [sflag:$0x2] =	stream.indirect_vreg.gather [hbm4b:s2+s3], $0x80, v9, vm2, $0xb8;
	[tilespmem:$0x18480] =	vst v63  }
0x213: {  	s11 =	simm.s32 $0x16C80  }
0x214: {  	[tilespmem:s11], [sflag:$0x2] =	stream.indirect_vreg.gather [hbm4b:s30+s3], $0x80, v9, vm2, $0xb8;
	[tilespmem:$0x18480] =	vst v63  }
0x215: {  	s11 =	simm.s32 $0x17480  }
0x216: {  	[tilespmem:s11], [sflag:$0x2] =	stream.indirect_vreg.gather [hbm4b:s31+s3], $0x80, v9, vm2, $0xb8;
	[tilespmem:$0x18480] =	vst v63  }
0x217: {  	s11 =	simm.s32 $0x17C80  }
0x218: {  	[tilespmem:s11], [sflag:$0x2] =	stream.indirect_vreg.gather [hbm4b:s1+s3], $0x80, v9, vm2, $0xb8;
	[tilespmem:$0x18480] =	vst v63  }
0x219: {  	_ =	swait.ge [sflag:s5], $0xC000  }
0x21a: {  	[sflag:s5] =	ssyncset.done $0x0  }
0x21b: {  	s11 =	rddreg [dreg:$0x7];
	[sflag:s5] =	ssyncadd.s32 $0xFFFF4000  }
0x21c: {  	[hbm4b:s11+s3] =	stream.linear.scatter [tilespmem:s24], [sflag:$0x3], $0xC000, $0x38;
	[tilespmem:$0x18480] =	vst v63  }
0x21d: {  	_ =	swait.ge [sflag:s22], $0xC000  }
0x21e: {  	[sflag:s22] =	ssyncset.done $0x0  }
0x21f: {  	[sflag:s22] =	ssyncadd.s32 $0xFFFF4000  }
0x220: {  	v9 =	vld [tilespmem:$0x120];
	_ =	sdelay $0x4  }
0x221: {  	v10 =	vshll.u32 v9, $0x3  }
0x222: {  	v9 =	vand.u32 $0x7, v9;
	v10 =	vand.u32 $0xFFFFFFC0, v10  }
0x223: {  	v9 =	vor.u32 v9, v10  }
0x224: {  	v10 =	vperm.xlane v9, v6;
	_ =	sdelay $0x1  }
0x225: {  	v10 =	vadd.s32 v7, v10;
	_ =	sdelay $0x4  }
0x226: {  	[tilespmem:s24], [sflag:$0x1] =	stream.indirect_vreg.gather [hbm4b:s2+s3], $0x80, v10, vm2, $0xb8;
	[tilespmem:$0x18480] =	vst v63  }
0x227: {  	s11 =	simm.s32 $0xC80;
	v9 =	vperm.xlane v9, v8  }
0x228: {  	[tilespmem:s11], [sflag:$0x1] =	stream.indirect_vreg.gather [hbm4b:s30+s3], $0x80, v10, vm2, $0xb8;
	[tilespmem:$0x18480] =	vst v63  }
0x229: {  	s0 =	simm.s32 $0x1480;
	v9 =	vadd.s32 v7, v9  }
0x22a: {  	[tilespmem:s0], [sflag:$0x1] =	stream.indirect_vreg.gather [hbm4b:s31+s3], $0x80, v10, vm2, $0xb8;
	[tilespmem:$0x18480] =	vst v63  }
0x22b: {  	s4 =	simm.s32 $0x1C80  }
0x22c: {  	[tilespmem:s4], [sflag:$0x1] =	stream.indirect_vreg.gather [hbm4b:s1+s3], $0x80, v10, vm2, $0xb8;
	[tilespmem:$0x18480] =	vst v63  }
0x22d: {  	s6 =	simm.s32 $0x2480  }
0x22e: {  	[tilespmem:s6], [sflag:$0x1] =	stream.indirect_vreg.gather [hbm4b:s2+s3], $0x80, v9, vm2, $0xb8;
	[tilespmem:$0x18480] =	vst v63  }
0x22f: {  	s7 =	simm.s32 $0x2C80  }
0x230: {  	[tilespmem:s7], [sflag:$0x1] =	stream.indirect_vreg.gather [hbm4b:s30+s3], $0x80, v9, vm2, $0xb8;
	[tilespmem:$0x18480] =	vst v63  }
0x231: {  	s10 =	simm.s32 $0x3480  }
0x232: {  	[tilespmem:s10], [sflag:$0x1] =	stream.indirect_vreg.gather [hbm4b:s31+s3], $0x80, v9, vm2, $0xb8;
	[tilespmem:$0x18480] =	vst v63  }
0x233: {  	s11 =	simm.s32 $0x3C80  }
0x234: {  	[tilespmem:s11], [sflag:$0x1] =	stream.indirect_vreg.gather [hbm4b:s1+s3], $0x80, v9, vm2, $0xb8;
	[tilespmem:$0x18480] =	vst v63  }
0x235: {  	v9 =	vld [tilespmem:$0x130];
	_ =	sdelay $0x4  }
0x236: {  	v10 =	vshll.u32 v9, $0x3  }
0x237: {  	v9 =	vand.u32 $0x7, v9;
	v10 =	vand.u32 $0xFFFFFFC0, v10  }
0x238: {  	v9 =	vor.u32 v9, v10  }
0x239: {  	v10 =	vperm.xlane v9, v6;
	_ =	sdelay $0x1  }
0x23a: {  	v10 =	vadd.s32 v7, v10;
	_ =	sdelay $0x3  }
0x23b: {  	s11 =	simm.s32 $0x4480  }
0x23c: {  	[tilespmem:s11], [sflag:$0x1] =	stream.indirect_vreg.gather [hbm4b:s2+s3], $0x80, v10, vm2, $0xb8;
	[tilespmem:$0x18480] =	vst v63  }
0x23d: {  	v9 =	vperm.xlane v9, v8;
	s11 =	simm.s32 $0x4C80  }
0x23e: {  	[tilespmem:s11], [sflag:$0x1] =	stream.indirect_vreg.gather [hbm4b:s30+s3], $0x80, v10, vm2, $0xb8;
	[tilespmem:$0x18480] =	vst v63  }
0x23f: {  	s12 =	simm.s32 $0x5480;
	v9 =	vadd.s32 v7, v9  }
0x240: {  	[tilespmem:s12], [sflag:$0x1] =	stream.indirect_vreg.gather [hbm4b:s31+s3], $0x80, v10, vm2, $0xb8;
	[tilespmem:$0x18480] =	vst v63  }
0x241: {  	s13 =	simm.s32 $0x5C80  }
0x242: {  	[tilespmem:s13], [sflag:$0x1] =	stream.indirect_vreg.gather [hbm4b:s1+s3], $0x80, v10, vm2, $0xb8;
	[tilespmem:$0x18480] =	vst v63  }
0x243: {  	s14 =	simm.s32 $0x6480  }
0x244: {  	[tilespmem:s14], [sflag:$0x1] =	stream.indirect_vreg.gather [hbm4b:s2+s3], $0x80, v9, vm2, $0xb8;
	[tilespmem:$0x18480] =	vst v63  }
0x245: {  	s15 =	simm.s32 $0x6C80  }
0x246: {  	[tilespmem:s15], [sflag:$0x1] =	stream.indirect_vreg.gather [hbm4b:s30+s3], $0x80, v9, vm2, $0xb8;
	[tilespmem:$0x18480] =	vst v63  }
0x247: {  	s16 =	simm.s32 $0x7480  }
0x248: {  	[tilespmem:s16], [sflag:$0x1] =	stream.indirect_vreg.gather [hbm4b:s31+s3], $0x80, v9, vm2, $0xb8;
	[tilespmem:$0x18480] =	vst v63  }
0x249: {  	s11 =	simm.s32 $0x7C80  }
0x24a: {  	[tilespmem:s11], [sflag:$0x1] =	stream.indirect_vreg.gather [hbm4b:s1+s3], $0x80, v9, vm2, $0xb8;
	[tilespmem:$0x18480] =	vst v63  }
0x24b: {  	v9 =	vld [tilespmem:$0x140];
	_ =	sdelay $0x4  }
0x24c: {  	v10 =	vshll.u32 v9, $0x3  }
0x24d: {  	v9 =	vand.u32 $0x7, v9;
	v10 =	vand.u32 $0xFFFFFFC0, v10  }
0x24e: {  	v9 =	vor.u32 v9, v10  }
0x24f: {  	v10 =	vperm.xlane v9, v6;
	_ =	sdelay $0x1  }
0x250: {  	v10 =	vadd.s32 v7, v10;
	_ =	sdelay $0x3  }
0x251: {  	s11 =	simm.s32 $0x8480  }
0x252: {  	[tilespmem:s11], [sflag:$0x1] =	stream.indirect_vreg.gather [hbm4b:s2+s3], $0x80, v10, vm2, $0xb8;
	[tilespmem:$0x18480] =	vst v63  }
0x253: {  	v9 =	vperm.xlane v9, v8;
	s11 =	simm.s32 $0x8C80  }
0x254: {  	[tilespmem:s11], [sflag:$0x1] =	stream.indirect_vreg.gather [hbm4b:s30+s3], $0x80, v10, vm2, $0xb8;
	[tilespmem:$0x18480] =	vst v63  }
0x255: {  	s17 =	simm.s32 $0x9480;
	v9 =	vadd.s32 v7, v9  }
0x256: {  	[tilespmem:s17], [sflag:$0x1] =	stream.indirect_vreg.gather [hbm4b:s31+s3], $0x80, v10, vm2, $0xb8;
	[tilespmem:$0x18480] =	vst v63  }
0x257: {  	s18 =	simm.s32 $0x9C80  }
0x258: {  	[tilespmem:s18], [sflag:$0x1] =	stream.indirect_vreg.gather [hbm4b:s1+s3], $0x80, v10, vm2, $0xb8;
	[tilespmem:$0x18480] =	vst v63  }
0x259: {  	s19 =	simm.s32 $0xA480  }
0x25a: {  	[tilespmem:s19], [sflag:$0x1] =	stream.indirect_vreg.gather [hbm4b:s2+s3], $0x80, v9, vm2, $0xb8;
	[tilespmem:$0x18480] =	vst v63  }
0x25b: {  	s20 =	simm.s32 $0xAC80  }
0x25c: {  	[tilespmem:s20], [sflag:$0x1] =	stream.indirect_vreg.gather [hbm4b:s30+s3], $0x80, v9, vm2, $0xb8;
	[tilespmem:$0x18480] =	vst v63  }
0x25d: {  	s21 =	simm.s32 $0xB480  }
0x25e: {  	[tilespmem:s21], [sflag:$0x1] =	stream.indirect_vreg.gather [hbm4b:s31+s3], $0x80, v9, vm2, $0xb8;
	[tilespmem:$0x18480] =	vst v63  }
0x25f: {  	s11 =	simm.s32 $0xBC80  }
0x260: {  	[tilespmem:s11], [sflag:$0x1] =	stream.indirect_vreg.gather [hbm4b:s1+s3], $0x80, v9, vm2, $0xb8;
	[tilespmem:$0x18480] =	vst v63  }
0x261: {  	_ =	swait.ge [sflag:s8], $0xC000  }
0x262: {  	[sflag:s8] =	ssyncset.done $0x0  }
0x263: {  	s0 =	rddreg [dreg:$0x8];
	[sflag:s8] =	ssyncadd.s32 $0xFFFF4000  }
0x264: {  	[hbm4b:s0+s3] =	stream.linear.scatter [tilespmem:s23], [sflag:$0x4], $0xC000, $0x38;
	[tilespmem:$0x18480] =	vst v63  }
0x265: {  	_ =	swait.ge [sflag:s9], $0xC000  }
0x266: {  	[sflag:s9] =	ssyncset.done $0x0  }
0x267: {  	[sflag:s9] =	ssyncadd.s32 $0xFFFF4000  }
0x268: {  	v9 =	vld [tilespmem:$0x150];
	_ =	sdelay $0x4  }
0x269: {  	v10 =	vshll.u32 v9, $0x3  }
0x26a: {  	v9 =	vand.u32 $0x7, v9;
	v10 =	vand.u32 $0xFFFFFFC0, v10  }
0x26b: {  	v9 =	vor.u32 v9, v10  }
0x26c: {  	v10 =	vperm.xlane v9, v6;
	_ =	sdelay $0x1  }
0x26d: {  	v10 =	vadd.s32 v7, v10;
	_ =	sdelay $0x4  }
0x26e: {  	[tilespmem:s23], [sflag:$0x2] =	stream.indirect_vreg.gather [hbm4b:s2+s3], $0x80, v10, vm2, $0xb8;
	[tilespmem:$0x18480] =	vst v63  }
0x26f: {  	s11 =	simm.s32 $0xCC80;
	v9 =	vperm.xlane v9, v8  }
0x270: {  	[tilespmem:s11], [sflag:$0x2] =	stream.indirect_vreg.gather [hbm4b:s30+s3], $0x80, v10, vm2, $0xb8;
	[tilespmem:$0x18480] =	vst v63  }
0x271: {  	s25 =	simm.s32 $0xD480;
	v9 =	vadd.s32 v7, v9  }
0x272: {  	[tilespmem:s25], [sflag:$0x2] =	stream.indirect_vreg.gather [hbm4b:s31+s3], $0x80, v10, vm2, $0xb8;
	[tilespmem:$0x18480] =	vst v63  }
0x273: {  	s26 =	simm.s32 $0xDC80  }
0x274: {  	[tilespmem:s26], [sflag:$0x2] =	stream.indirect_vreg.gather [hbm4b:s1+s3], $0x80, v10, vm2, $0xb8;
	[tilespmem:$0x18480] =	vst v63  }
0x275: {  	s11 =	simm.s32 $0xE480  }
0x276: {  	[tilespmem:s11], [sflag:$0x2] =	stream.indirect_vreg.gather [hbm4b:s2+s3], $0x80, v9, vm2, $0xb8;
	[tilespmem:$0x18480] =	vst v63  }
0x277: {  	s11 =	simm.s32 $0xEC80  }
0x278: {  	[tilespmem:s11], [sflag:$0x2] =	stream.indirect_vreg.gather [hbm4b:s30+s3], $0x80, v9, vm2, $0xb8;
	[tilespmem:$0x18480] =	vst v63  }
0x279: {  	s11 =	simm.s32 $0xF480  }
0x27a: {  	[tilespmem:s11], [sflag:$0x2] =	stream.indirect_vreg.gather [hbm4b:s31+s3], $0x80, v9, vm2, $0xb8;
	[tilespmem:$0x18480] =	vst v63  }
0x27b: {  	s11 =	simm.s32 $0xFC80  }
0x27c: {  	[tilespmem:s11], [sflag:$0x2] =	stream.indirect_vreg.gather [hbm4b:s1+s3], $0x80, v9, vm2, $0xb8;
	[tilespmem:$0x18480] =	vst v63  }
0x27d: {  	v9 =	vld [tilespmem:$0x160];
	_ =	sdelay $0x4  }
0x27e: {  	v10 =	vshll.u32 v9, $0x3  }
0x27f: {  	v9 =	vand.u32 $0x7, v9;
	v10 =	vand.u32 $0xFFFFFFC0, v10  }
0x280: {  	v9 =	vor.u32 v9, v10  }
0x281: {  	v10 =	vperm.xlane v9, v6;
	_ =	sdelay $0x1  }
0x282: {  	v10 =	vadd.s32 v7, v10;
	_ =	sdelay $0x3  }
0x283: {  	s11 =	simm.s32 $0x10480  }
0x284: {  	[tilespmem:s11], [sflag:$0x2] =	stream.indirect_vreg.gather [hbm4b:s2+s3], $0x80, v10, vm2, $0xb8;
	[tilespmem:$0x18480] =	vst v63  }
0x285: {  	v9 =	vperm.xlane v9, v8;
	s11 =	simm.s32 $0x10C80  }
0x286: {  	[tilespmem:s11], [sflag:$0x2] =	stream.indirect_vreg.gather [hbm4b:s30+s3], $0x80, v10, vm2, $0xb8;
	[tilespmem:$0x18480] =	vst v63  }
0x287: {  	s28 =	simm.s32 $0x11480;
	v9 =	vadd.s32 v7, v9  }
0x288: {  	[tilespmem:s28], [sflag:$0x2] =	stream.indirect_vreg.gather [hbm4b:s31+s3], $0x80, v10, vm2, $0xb8;
	[tilespmem:$0x18480] =	vst v63  }
0x289: {  	s29 =	simm.s32 $0x11C80  }
0x28a: {  	[tilespmem:s29], [sflag:$0x2] =	stream.indirect_vreg.gather [hbm4b:s1+s3], $0x80, v10, vm2, $0xb8;
	[tilespmem:$0x18480] =	vst v63  }
0x28b: {  	s11 =	simm.s32 $0x12480  }
0x28c: {  	[tilespmem:s11], [sflag:$0x2] =	stream.indirect_vreg.gather [hbm4b:s2+s3], $0x80, v9, vm2, $0xb8;
	[tilespmem:$0x18480] =	vst v63  }
0x28d: {  	s11 =	simm.s32 $0x12C80  }
0x28e: {  	[tilespmem:s11], [sflag:$0x2] =	stream.indirect_vreg.gather [hbm4b:s30+s3], $0x80, v9, vm2, $0xb8;
	[tilespmem:$0x18480] =	vst v63  }
0x28f: {  	s11 =	simm.s32 $0x13480  }
0x290: {  	[tilespmem:s11], [sflag:$0x2] =	stream.indirect_vreg.gather [hbm4b:s31+s3], $0x80, v9, vm2, $0xb8;
	[tilespmem:$0x18480] =	vst v63  }
0x291: {  	s11 =	simm.s32 $0x13C80  }
0x292: {  	[tilespmem:s11], [sflag:$0x2] =	stream.indirect_vreg.gather [hbm4b:s1+s3], $0x80, v9, vm2, $0xb8;
	[tilespmem:$0x18480] =	vst v63  }
0x293: {  	v9 =	vld [tilespmem:$0x170];
	_ =	sdelay $0x4  }
0x294: {  	v10 =	vshll.u32 v9, $0x3  }
0x295: {  	v9 =	vand.u32 $0x7, v9;
	v10 =	vand.u32 $0xFFFFFFC0, v10  }
0x296: {  	v9 =	vor.u32 v9, v10  }
0x297: {  	v10 =	vperm.xlane v9, v6;
	_ =	sdelay $0x1  }
0x298: {  	v10 =	vadd.s32 v7, v10;
	_ =	sdelay $0x3  }
0x299: {  	s11 =	simm.s32 $0x14480  }
0x29a: {  	[tilespmem:s11], [sflag:$0x2] =	stream.indirect_vreg.gather [hbm4b:s2+s3], $0x80, v10, vm2, $0xb8;
	[tilespmem:$0x18480] =	vst v63  }
0x29b: {  	v9 =	vperm.xlane v9, v8;
	s11 =	simm.s32 $0x14C80  }
0x29c: {  	[tilespmem:s11], [sflag:$0x2] =	stream.indirect_vreg.gather [hbm4b:s30+s3], $0x80, v10, vm2, $0xb8;
	[tilespmem:$0x18480] =	vst v63  }
0x29d: {  	v9 =	vadd.s32 v7, v9;
	s11 =	simm.s32 $0x15480  }
0x29e: {  	[tilespmem:s11], [sflag:$0x2] =	stream.indirect_vreg.gather [hbm4b:s31+s3], $0x80, v10, vm2, $0xb8;
	[tilespmem:$0x18480] =	vst v63  }
0x29f: {  	s11 =	simm.s32 $0x15C80  }
0x2a0: {  	[tilespmem:s11], [sflag:$0x2] =	stream.indirect_vreg.gather [hbm4b:s1+s3], $0x80, v10, vm2, $0xb8;
	[tilespmem:$0x18480] =	vst v63  }
0x2a1: {  	s11 =	simm.s32 $0x16480  }
0x2a2: {  	[tilespmem:s11], [sflag:$0x2] =	stream.indirect_vreg.gather [hbm4b:s2+s3], $0x80, v9, vm2, $0xb8;
	[tilespmem:$0x18480] =	vst v63  }
0x2a3: {  	s11 =	simm.s32 $0x16C80  }
0x2a4: {  	[tilespmem:s11], [sflag:$0x2] =	stream.indirect_vreg.gather [hbm4b:s30+s3], $0x80, v9, vm2, $0xb8;
	[tilespmem:$0x18480] =	vst v63  }
0x2a5: {  	s11 =	simm.s32 $0x17480  }
0x2a6: {  	[tilespmem:s11], [sflag:$0x2] =	stream.indirect_vreg.gather [hbm4b:s31+s3], $0x80, v9, vm2, $0xb8;
	[tilespmem:$0x18480] =	vst v63  }
0x2a7: {  	s11 =	simm.s32 $0x17C80  }
0x2a8: {  	[tilespmem:s11], [sflag:$0x2] =	stream.indirect_vreg.gather [hbm4b:s1+s3], $0x80, v9, vm2, $0xb8;
	[tilespmem:$0x18480] =	vst v63  }
0x2a9: {  	_ =	swait.ge [sflag:s5], $0xC000  }
0x2aa: {  	[sflag:s5] =	ssyncset.done $0x0  }
0x2ab: {  	s11 =	rddreg [dreg:$0x9];
	[sflag:s5] =	ssyncadd.s32 $0xFFFF4000  }
0x2ac: {  	[hbm4b:s11+s3] =	stream.linear.scatter [tilespmem:s24], [sflag:$0x3], $0xC000, $0x38;
	[tilespmem:$0x18480] =	vst v63  }
0x2ad: {  	_ =	swait.ge [sflag:s22], $0xC000  }
0x2ae: {  	[sflag:s22] =	ssyncset.done $0x0  }
0x2af: {  	[sflag:s22] =	ssyncadd.s32 $0xFFFF4000  }
0x2b0: {  	v9 =	vld [tilespmem:$0x180];
	_ =	sdelay $0x4  }
0x2b1: {  	v10 =	vshll.u32 v9, $0x3  }
0x2b2: {  	v9 =	vand.u32 $0x7, v9;
	v10 =	vand.u32 $0xFFFFFFC0, v10  }
0x2b3: {  	v9 =	vor.u32 v9, v10  }
0x2b4: {  	v10 =	vperm.xlane v9, v6;
	_ =	sdelay $0x1  }
0x2b5: {  	v10 =	vadd.s32 v7, v10;
	_ =	sdelay $0x4  }
0x2b6: {  	[tilespmem:s24], [sflag:$0x1] =	stream.indirect_vreg.gather [hbm4b:s2+s3], $0x80, v10, vm2, $0xb8;
	[tilespmem:$0x18480] =	vst v63  }
0x2b7: {  	s11 =	simm.s32 $0xC80;
	v9 =	vperm.xlane v9, v8  }
0x2b8: {  	[tilespmem:s11], [sflag:$0x1] =	stream.indirect_vreg.gather [hbm4b:s30+s3], $0x80, v10, vm2, $0xb8;
	[tilespmem:$0x18480] =	vst v63  }
0x2b9: {  	v9 =	vadd.s32 v7, v9;
	s11 =	simm.s32 $0x1480  }
0x2ba: {  	[tilespmem:s11], [sflag:$0x1] =	stream.indirect_vreg.gather [hbm4b:s31+s3], $0x80, v10, vm2, $0xb8;
	[tilespmem:$0x18480] =	vst v63  }
0x2bb: {  	s4 =	simm.s32 $0x1C80  }
0x2bc: {  	[tilespmem:s4], [sflag:$0x1] =	stream.indirect_vreg.gather [hbm4b:s1+s3], $0x80, v10, vm2, $0xb8;
	[tilespmem:$0x18480] =	vst v63  }
0x2bd: {  	s6 =	simm.s32 $0x2480  }
0x2be: {  	[tilespmem:s6], [sflag:$0x1] =	stream.indirect_vreg.gather [hbm4b:s2+s3], $0x80, v9, vm2, $0xb8;
	[tilespmem:$0x18480] =	vst v63  }
0x2bf: {  	s7 =	simm.s32 $0x2C80  }
0x2c0: {  	[tilespmem:s7], [sflag:$0x1] =	stream.indirect_vreg.gather [hbm4b:s30+s3], $0x80, v9, vm2, $0xb8;
	[tilespmem:$0x18480] =	vst v63  }
0x2c1: {  	s10 =	simm.s32 $0x3480  }
0x2c2: {  	[tilespmem:s10], [sflag:$0x1] =	stream.indirect_vreg.gather [hbm4b:s31+s3], $0x80, v9, vm2, $0xb8;
	[tilespmem:$0x18480] =	vst v63  }
0x2c3: {  	s11 =	simm.s32 $0x3C80  }
0x2c4: {  	[tilespmem:s11], [sflag:$0x1] =	stream.indirect_vreg.gather [hbm4b:s1+s3], $0x80, v9, vm2, $0xb8;
	[tilespmem:$0x18480] =	vst v63  }
0x2c5: {  	v9 =	vld [tilespmem:$0x190];
	_ =	sdelay $0x4  }
0x2c6: {  	v10 =	vshll.u32 v9, $0x3  }
0x2c7: {  	v9 =	vand.u32 $0x7, v9;
	v10 =	vand.u32 $0xFFFFFFC0, v10  }
0x2c8: {  	v9 =	vor.u32 v9, v10  }
0x2c9: {  	v10 =	vperm.xlane v9, v6;
	_ =	sdelay $0x1  }
0x2ca: {  	v10 =	vadd.s32 v7, v10;
	_ =	sdelay $0x3  }
0x2cb: {  	s11 =	simm.s32 $0x4480  }
0x2cc: {  	[tilespmem:s11], [sflag:$0x1] =	stream.indirect_vreg.gather [hbm4b:s2+s3], $0x80, v10, vm2, $0xb8;
	[tilespmem:$0x18480] =	vst v63  }
0x2cd: {  	v9 =	vperm.xlane v9, v8;
	s11 =	simm.s32 $0x4C80  }
0x2ce: {  	[tilespmem:s11], [sflag:$0x1] =	stream.indirect_vreg.gather [hbm4b:s30+s3], $0x80, v10, vm2, $0xb8;
	[tilespmem:$0x18480] =	vst v63  }
0x2cf: {  	s12 =	simm.s32 $0x5480;
	v9 =	vadd.s32 v7, v9  }
0x2d0: {  	[tilespmem:s12], [sflag:$0x1] =	stream.indirect_vreg.gather [hbm4b:s31+s3], $0x80, v10, vm2, $0xb8;
	[tilespmem:$0x18480] =	vst v63  }
0x2d1: {  	s13 =	simm.s32 $0x5C80  }
0x2d2: {  	[tilespmem:s13], [sflag:$0x1] =	stream.indirect_vreg.gather [hbm4b:s1+s3], $0x80, v10, vm2, $0xb8;
	[tilespmem:$0x18480] =	vst v63  }
0x2d3: {  	s14 =	simm.s32 $0x6480  }
0x2d4: {  	[tilespmem:s14], [sflag:$0x1] =	stream.indirect_vreg.gather [hbm4b:s2+s3], $0x80, v9, vm2, $0xb8;
	[tilespmem:$0x18480] =	vst v63  }
0x2d5: {  	s15 =	simm.s32 $0x6C80  }
0x2d6: {  	[tilespmem:s15], [sflag:$0x1] =	stream.indirect_vreg.gather [hbm4b:s30+s3], $0x80, v9, vm2, $0xb8;
	[tilespmem:$0x18480] =	vst v63  }
0x2d7: {  	s16 =	simm.s32 $0x7480  }
0x2d8: {  	[tilespmem:s16], [sflag:$0x1] =	stream.indirect_vreg.gather [hbm4b:s31+s3], $0x80, v9, vm2, $0xb8;
	[tilespmem:$0x18480] =	vst v63  }
0x2d9: {  	s11 =	simm.s32 $0x7C80  }
0x2da: {  	[tilespmem:s11], [sflag:$0x1] =	stream.indirect_vreg.gather [hbm4b:s1+s3], $0x80, v9, vm2, $0xb8;
	[tilespmem:$0x18480] =	vst v63  }
0x2db: {  	v9 =	vld [tilespmem:$0x1A0];
	_ =	sdelay $0x4  }
0x2dc: {  	v10 =	vshll.u32 v9, $0x3  }
0x2dd: {  	v9 =	vand.u32 $0x7, v9;
	v10 =	vand.u32 $0xFFFFFFC0, v10  }
0x2de: {  	v9 =	vor.u32 v9, v10  }
0x2df: {  	v10 =	vperm.xlane v9, v6;
	_ =	sdelay $0x1  }
0x2e0: {  	v10 =	vadd.s32 v7, v10;
	_ =	sdelay $0x3  }
0x2e1: {  	s11 =	simm.s32 $0x8480  }
0x2e2: {  	[tilespmem:s11], [sflag:$0x1] =	stream.indirect_vreg.gather [hbm4b:s2+s3], $0x80, v10, vm2, $0xb8;
	[tilespmem:$0x18480] =	vst v63  }
0x2e3: {  	v9 =	vperm.xlane v9, v8;
	s11 =	simm.s32 $0x8C80  }
0x2e4: {  	[tilespmem:s11], [sflag:$0x1] =	stream.indirect_vreg.gather [hbm4b:s30+s3], $0x80, v10, vm2, $0xb8;
	[tilespmem:$0x18480] =	vst v63  }
0x2e5: {  	s17 =	simm.s32 $0x9480;
	v9 =	vadd.s32 v7, v9  }
0x2e6: {  	[tilespmem:s17], [sflag:$0x1] =	stream.indirect_vreg.gather [hbm4b:s31+s3], $0x80, v10, vm2, $0xb8;
	[tilespmem:$0x18480] =	vst v63  }
0x2e7: {  	s18 =	simm.s32 $0x9C80  }
0x2e8: {  	[tilespmem:s18], [sflag:$0x1] =	stream.indirect_vreg.gather [hbm4b:s1+s3], $0x80, v10, vm2, $0xb8;
	[tilespmem:$0x18480] =	vst v63  }
0x2e9: {  	s19 =	simm.s32 $0xA480  }
0x2ea: {  	[tilespmem:s19], [sflag:$0x1] =	stream.indirect_vreg.gather [hbm4b:s2+s3], $0x80, v9, vm2, $0xb8;
	[tilespmem:$0x18480] =	vst v63  }
0x2eb: {  	s20 =	simm.s32 $0xAC80  }
0x2ec: {  	[tilespmem:s20], [sflag:$0x1] =	stream.indirect_vreg.gather [hbm4b:s30+s3], $0x80, v9, vm2, $0xb8;
	[tilespmem:$0x18480] =	vst v63  }
0x2ed: {  	s21 =	simm.s32 $0xB480  }
0x2ee: {  	[tilespmem:s21], [sflag:$0x1] =	stream.indirect_vreg.gather [hbm4b:s31+s3], $0x80, v9, vm2, $0xb8;
	[tilespmem:$0x18480] =	vst v63  }
0x2ef: {  	s11 =	simm.s32 $0xBC80  }
0x2f0: {  	[tilespmem:s11], [sflag:$0x1] =	stream.indirect_vreg.gather [hbm4b:s1+s3], $0x80, v9, vm2, $0xb8;
	[tilespmem:$0x18480] =	vst v63  }
0x2f1: {  	_ =	swait.ge [sflag:s8], $0xC000  }
0x2f2: {  	[sflag:s8] =	ssyncset.done $0x0  }
0x2f3: {  	s4 =	rddreg [dreg:$0xa];
	[sflag:s8] =	ssyncadd.s32 $0xFFFF4000  }
0x2f4: {  	[hbm4b:s4+s3] =	stream.linear.scatter [tilespmem:s23], [sflag:$0x4], $0xC000, $0x38;
	[tilespmem:$0x18480] =	vst v63  }
0x2f5: {  	_ =	swait.ge [sflag:s9], $0xC000  }
0x2f6: {  	[sflag:s9] =	ssyncset.done $0x0  }
0x2f7: {  	[sflag:s9] =	ssyncadd.s32 $0xFFFF4000  }
0x2f8: {  	v9 =	vld [tilespmem:$0x1B0];
	_ =	sdelay $0x4  }
0x2f9: {  	v10 =	vshll.u32 v9, $0x3  }
0x2fa: {  	v9 =	vand.u32 $0x7, v9;
	v10 =	vand.u32 $0xFFFFFFC0, v10  }
0x2fb: {  	v9 =	vor.u32 v9, v10  }
0x2fc: {  	v10 =	vperm.xlane v9, v6;
	_ =	sdelay $0x1  }
0x2fd: {  	v10 =	vadd.s32 v7, v10;
	_ =	sdelay $0x4  }
0x2fe: {  	[tilespmem:s23], [sflag:$0x2] =	stream.indirect_vreg.gather [hbm4b:s2+s3], $0x80, v10, vm2, $0xb8;
	[tilespmem:$0x18480] =	vst v63  }
0x2ff: {  	s11 =	simm.s32 $0xCC80;
	v9 =	vperm.xlane v9, v8  }
0x300: {  	[tilespmem:s11], [sflag:$0x2] =	stream.indirect_vreg.gather [hbm4b:s30+s3], $0x80, v10, vm2, $0xb8;
	[tilespmem:$0x18480] =	vst v63  }
0x301: {  	s25 =	simm.s32 $0xD480;
	v9 =	vadd.s32 v7, v9  }
0x302: {  	[tilespmem:s25], [sflag:$0x2] =	stream.indirect_vreg.gather [hbm4b:s31+s3], $0x80, v10, vm2, $0xb8;
	[tilespmem:$0x18480] =	vst v63  }
0x303: {  	s26 =	simm.s32 $0xDC80  }
0x304: {  	[tilespmem:s26], [sflag:$0x2] =	stream.indirect_vreg.gather [hbm4b:s1+s3], $0x80, v10, vm2, $0xb8;
	[tilespmem:$0x18480] =	vst v63  }
0x305: {  	s0 =	simm.s32 $0xE480  }
0x306: {  	[tilespmem:s0], [sflag:$0x2] =	stream.indirect_vreg.gather [hbm4b:s2+s3], $0x80, v9, vm2, $0xb8;
	[tilespmem:$0x18480] =	vst v63  }
0x307: {  	s11 =	simm.s32 $0xEC80  }
0x308: {  	[tilespmem:s11], [sflag:$0x2] =	stream.indirect_vreg.gather [hbm4b:s30+s3], $0x80, v9, vm2, $0xb8;
	[tilespmem:$0x18480] =	vst v63  }
0x309: {  	s11 =	simm.s32 $0xF480  }
0x30a: {  	[tilespmem:s11], [sflag:$0x2] =	stream.indirect_vreg.gather [hbm4b:s31+s3], $0x80, v9, vm2, $0xb8;
	[tilespmem:$0x18480] =	vst v63  }
0x30b: {  	s11 =	simm.s32 $0xFC80  }
0x30c: {  	[tilespmem:s11], [sflag:$0x2] =	stream.indirect_vreg.gather [hbm4b:s1+s3], $0x80, v9, vm2, $0xb8;
	[tilespmem:$0x18480] =	vst v63  }
0x30d: {  	v9 =	vld [tilespmem:$0x1C0];
	_ =	sdelay $0x4  }
0x30e: {  	v10 =	vshll.u32 v9, $0x3  }
0x30f: {  	v9 =	vand.u32 $0x7, v9;
	v10 =	vand.u32 $0xFFFFFFC0, v10  }
0x310: {  	v9 =	vor.u32 v9, v10  }
0x311: {  	v10 =	vperm.xlane v9, v6;
	_ =	sdelay $0x1  }
0x312: {  	v10 =	vadd.s32 v7, v10;
	_ =	sdelay $0x3  }
0x313: {  	s11 =	simm.s32 $0x10480  }
0x314: {  	[tilespmem:s11], [sflag:$0x2] =	stream.indirect_vreg.gather [hbm4b:s2+s3], $0x80, v10, vm2, $0xb8;
	[tilespmem:$0x18480] =	vst v63  }
0x315: {  	v9 =	vperm.xlane v9, v8;
	s11 =	simm.s32 $0x10C80  }
0x316: {  	[tilespmem:s11], [sflag:$0x2] =	stream.indirect_vreg.gather [hbm4b:s30+s3], $0x80, v10, vm2, $0xb8;
	[tilespmem:$0x18480] =	vst v63  }
0x317: {  	s28 =	simm.s32 $0x11480;
	v9 =	vadd.s32 v7, v9  }
0x318: {  	[tilespmem:s28], [sflag:$0x2] =	stream.indirect_vreg.gather [hbm4b:s31+s3], $0x80, v10, vm2, $0xb8;
	[tilespmem:$0x18480] =	vst v63  }
0x319: {  	s29 =	simm.s32 $0x11C80  }
0x31a: {  	[tilespmem:s29], [sflag:$0x2] =	stream.indirect_vreg.gather [hbm4b:s1+s3], $0x80, v10, vm2, $0xb8;
	[tilespmem:$0x18480] =	vst v63  }
0x31b: {  	s11 =	simm.s32 $0x12480  }
0x31c: {  	[tilespmem:s11], [sflag:$0x2] =	stream.indirect_vreg.gather [hbm4b:s2+s3], $0x80, v9, vm2, $0xb8;
	[tilespmem:$0x18480] =	vst v63  }
0x31d: {  	s11 =	simm.s32 $0x12C80  }
0x31e: {  	[tilespmem:s11], [sflag:$0x2] =	stream.indirect_vreg.gather [hbm4b:s30+s3], $0x80, v9, vm2, $0xb8;
	[tilespmem:$0x18480] =	vst v63  }
0x31f: {  	s11 =	simm.s32 $0x13480  }
0x320: {  	[tilespmem:s11], [sflag:$0x2] =	stream.indirect_vreg.gather [hbm4b:s31+s3], $0x80, v9, vm2, $0xb8;
	[tilespmem:$0x18480] =	vst v63  }
0x321: {  	s11 =	simm.s32 $0x13C80  }
0x322: {  	[tilespmem:s11], [sflag:$0x2] =	stream.indirect_vreg.gather [hbm4b:s1+s3], $0x80, v9, vm2, $0xb8;
	[tilespmem:$0x18480] =	vst v63  }
0x323: {  	v9 =	vld [tilespmem:$0x1D0];
	_ =	sdelay $0x4  }
0x324: {  	v10 =	vshll.u32 v9, $0x3  }
0x325: {  	v9 =	vand.u32 $0x7, v9;
	v10 =	vand.u32 $0xFFFFFFC0, v10  }
0x326: {  	v9 =	vor.u32 v9, v10  }
0x327: {  	v10 =	vperm.xlane v9, v6;
	_ =	sdelay $0x1  }
0x328: {  	v10 =	vadd.s32 v7, v10;
	_ =	sdelay $0x3  }
0x329: {  	s11 =	simm.s32 $0x14480  }
0x32a: {  	[tilespmem:s11], [sflag:$0x2] =	stream.indirect_vreg.gather [hbm4b:s2+s3], $0x80, v10, vm2, $0xb8;
	[tilespmem:$0x18480] =	vst v63  }
0x32b: {  	v9 =	vperm.xlane v9, v8;
	s11 =	simm.s32 $0x14C80  }
0x32c: {  	[tilespmem:s11], [sflag:$0x2] =	stream.indirect_vreg.gather [hbm4b:s30+s3], $0x80, v10, vm2, $0xb8;
	[tilespmem:$0x18480] =	vst v63  }
0x32d: {  	v9 =	vadd.s32 v7, v9;
	s11 =	simm.s32 $0x15480  }
0x32e: {  	[tilespmem:s11], [sflag:$0x2] =	stream.indirect_vreg.gather [hbm4b:s31+s3], $0x80, v10, vm2, $0xb8;
	[tilespmem:$0x18480] =	vst v63  }
0x32f: {  	s11 =	simm.s32 $0x15C80  }
0x330: {  	[tilespmem:s11], [sflag:$0x2] =	stream.indirect_vreg.gather [hbm4b:s1+s3], $0x80, v10, vm2, $0xb8;
	[tilespmem:$0x18480] =	vst v63  }
0x331: {  	s11 =	simm.s32 $0x16480  }
0x332: {  	[tilespmem:s11], [sflag:$0x2] =	stream.indirect_vreg.gather [hbm4b:s2+s3], $0x80, v9, vm2, $0xb8;
	[tilespmem:$0x18480] =	vst v63  }
0x333: {  	s11 =	simm.s32 $0x16C80  }
0x334: {  	[tilespmem:s11], [sflag:$0x2] =	stream.indirect_vreg.gather [hbm4b:s30+s3], $0x80, v9, vm2, $0xb8;
	[tilespmem:$0x18480] =	vst v63  }
0x335: {  	s11 =	simm.s32 $0x17480  }
0x336: {  	[tilespmem:s11], [sflag:$0x2] =	stream.indirect_vreg.gather [hbm4b:s31+s3], $0x80, v9, vm2, $0xb8;
	[tilespmem:$0x18480] =	vst v63  }
0x337: {  	s11 =	simm.s32 $0x17C80  }
0x338: {  	[tilespmem:s11], [sflag:$0x2] =	stream.indirect_vreg.gather [hbm4b:s1+s3], $0x80, v9, vm2, $0xb8;
	[tilespmem:$0x18480] =	vst v63  }
0x339: {  	_ =	swait.ge [sflag:s5], $0xC000  }
0x33a: {  	[sflag:s5] =	ssyncset.done $0x0  }
0x33b: {  	s11 =	rddreg [dreg:$0xb];
	[sflag:s5] =	ssyncadd.s32 $0xFFFF4000  }
0x33c: {  	[hbm4b:s11+s3] =	stream.linear.scatter [tilespmem:s24], [sflag:$0x3], $0xC000, $0x38;
	[tilespmem:$0x18480] =	vst v63  }
0x33d: {  	_ =	swait.ge [sflag:s22], $0xC000  }
0x33e: {  	[sflag:s22] =	ssyncset.done $0x0  }
0x33f: {  	[sflag:s22] =	ssyncadd.s32 $0xFFFF4000  }
0x340: {  	v9 =	vld [tilespmem:$0x1E0];
	_ =	sdelay $0x4  }
0x341: {  	v10 =	vshll.u32 v9, $0x3  }
0x342: {  	v9 =	vand.u32 $0x7, v9;
	v10 =	vand.u32 $0xFFFFFFC0, v10  }
0x343: {  	v9 =	vor.u32 v9, v10  }
0x344: {  	v10 =	vperm.xlane v9, v6;
	_ =	sdelay $0x1  }
0x345: {  	v10 =	vadd.s32 v7, v10;
	_ =	sdelay $0x4  }
0x346: {  	[tilespmem:s24], [sflag:$0x1] =	stream.indirect_vreg.gather [hbm4b:s2+s3], $0x80, v10, vm2, $0xb8;
	[tilespmem:$0x18480] =	vst v63  }
0x347: {  	s11 =	simm.s32 $0xC80;
	v9 =	vperm.xlane v9, v8  }
0x348: {  	[tilespmem:s11], [sflag:$0x1] =	stream.indirect_vreg.gather [hbm4b:s30+s3], $0x80, v10, vm2, $0xb8;
	[tilespmem:$0x18480] =	vst v63  }
0x349: {  	v9 =	vadd.s32 v7, v9;
	s11 =	simm.s32 $0x1480  }
0x34a: {  	[tilespmem:s11], [sflag:$0x1] =	stream.indirect_vreg.gather [hbm4b:s31+s3], $0x80, v10, vm2, $0xb8;
	[tilespmem:$0x18480] =	vst v63  }
0x34b: {  	s11 =	simm.s32 $0x1C80  }
0x34c: {  	[tilespmem:s11], [sflag:$0x1] =	stream.indirect_vreg.gather [hbm4b:s1+s3], $0x80, v10, vm2, $0xb8;
	[tilespmem:$0x18480] =	vst v63  }
0x34d: {  	s6 =	simm.s32 $0x2480  }
0x34e: {  	[tilespmem:s6], [sflag:$0x1] =	stream.indirect_vreg.gather [hbm4b:s2+s3], $0x80, v9, vm2, $0xb8;
	[tilespmem:$0x18480] =	vst v63  }
0x34f: {  	s7 =	simm.s32 $0x2C80  }
0x350: {  	[tilespmem:s7], [sflag:$0x1] =	stream.indirect_vreg.gather [hbm4b:s30+s3], $0x80, v9, vm2, $0xb8;
	[tilespmem:$0x18480] =	vst v63  }
0x351: {  	s10 =	simm.s32 $0x3480  }
0x352: {  	[tilespmem:s10], [sflag:$0x1] =	stream.indirect_vreg.gather [hbm4b:s31+s3], $0x80, v9, vm2, $0xb8;
	[tilespmem:$0x18480] =	vst v63  }
0x353: {  	s11 =	simm.s32 $0x3C80  }
0x354: {  	[tilespmem:s11], [sflag:$0x1] =	stream.indirect_vreg.gather [hbm4b:s1+s3], $0x80, v9, vm2, $0xb8;
	[tilespmem:$0x18480] =	vst v63  }
0x355: {  	v9 =	vld [tilespmem:$0x1F0];
	_ =	sdelay $0x4  }
0x356: {  	v10 =	vshll.u32 v9, $0x3  }
0x357: {  	v9 =	vand.u32 $0x7, v9;
	v10 =	vand.u32 $0xFFFFFFC0, v10  }
0x358: {  	v9 =	vor.u32 v9, v10  }
0x359: {  	v10 =	vperm.xlane v9, v6;
	_ =	sdelay $0x1  }
0x35a: {  	v10 =	vadd.s32 v7, v10;
	_ =	sdelay $0x3  }
0x35b: {  	s11 =	simm.s32 $0x4480  }
0x35c: {  	[tilespmem:s11], [sflag:$0x1] =	stream.indirect_vreg.gather [hbm4b:s2+s3], $0x80, v10, vm2, $0xb8;
	[tilespmem:$0x18480] =	vst v63  }
0x35d: {  	v9 =	vperm.xlane v9, v8;
	s11 =	simm.s32 $0x4C80  }
0x35e: {  	[tilespmem:s11], [sflag:$0x1] =	stream.indirect_vreg.gather [hbm4b:s30+s3], $0x80, v10, vm2, $0xb8;
	[tilespmem:$0x18480] =	vst v63  }
0x35f: {  	s12 =	simm.s32 $0x5480;
	v9 =	vadd.s32 v7, v9  }
0x360: {  	[tilespmem:s12], [sflag:$0x1] =	stream.indirect_vreg.gather [hbm4b:s31+s3], $0x80, v10, vm2, $0xb8;
	[tilespmem:$0x18480] =	vst v63  }
0x361: {  	s13 =	simm.s32 $0x5C80  }
0x362: {  	[tilespmem:s13], [sflag:$0x1] =	stream.indirect_vreg.gather [hbm4b:s1+s3], $0x80, v10, vm2, $0xb8;
	[tilespmem:$0x18480] =	vst v63  }
0x363: {  	s14 =	simm.s32 $0x6480  }
0x364: {  	[tilespmem:s14], [sflag:$0x1] =	stream.indirect_vreg.gather [hbm4b:s2+s3], $0x80, v9, vm2, $0xb8;
	[tilespmem:$0x18480] =	vst v63  }
0x365: {  	s15 =	simm.s32 $0x6C80  }
0x366: {  	[tilespmem:s15], [sflag:$0x1] =	stream.indirect_vreg.gather [hbm4b:s30+s3], $0x80, v9, vm2, $0xb8;
	[tilespmem:$0x18480] =	vst v63  }
0x367: {  	s16 =	simm.s32 $0x7480  }
0x368: {  	[tilespmem:s16], [sflag:$0x1] =	stream.indirect_vreg.gather [hbm4b:s31+s3], $0x80, v9, vm2, $0xb8;
	[tilespmem:$0x18480] =	vst v63  }
0x369: {  	s11 =	simm.s32 $0x7C80  }
0x36a: {  	[tilespmem:s11], [sflag:$0x1] =	stream.indirect_vreg.gather [hbm4b:s1+s3], $0x80, v9, vm2, $0xb8;
	[tilespmem:$0x18480] =	vst v63  }
0x36b: {  	v9 =	vld [tilespmem:$0x200];
	_ =	sdelay $0x4  }
0x36c: {  	v10 =	vshll.u32 v9, $0x3  }
0x36d: {  	v9 =	vand.u32 $0x7, v9;
	v10 =	vand.u32 $0xFFFFFFC0, v10  }
0x36e: {  	v9 =	vor.u32 v9, v10  }
0x36f: {  	v10 =	vperm.xlane v9, v6;
	_ =	sdelay $0x1  }
0x370: {  	v10 =	vadd.s32 v7, v10;
	_ =	sdelay $0x3  }
0x371: {  	s11 =	simm.s32 $0x8480  }
0x372: {  	[tilespmem:s11], [sflag:$0x1] =	stream.indirect_vreg.gather [hbm4b:s2+s3], $0x80, v10, vm2, $0xb8;
	[tilespmem:$0x18480] =	vst v63  }
0x373: {  	v9 =	vperm.xlane v9, v8;
	s11 =	simm.s32 $0x8C80  }
0x374: {  	[tilespmem:s11], [sflag:$0x1] =	stream.indirect_vreg.gather [hbm4b:s30+s3], $0x80, v10, vm2, $0xb8;
	[tilespmem:$0x18480] =	vst v63  }
0x375: {  	s17 =	simm.s32 $0x9480;
	v9 =	vadd.s32 v7, v9  }
0x376: {  	[tilespmem:s17], [sflag:$0x1] =	stream.indirect_vreg.gather [hbm4b:s31+s3], $0x80, v10, vm2, $0xb8;
	[tilespmem:$0x18480] =	vst v63  }
0x377: {  	s18 =	simm.s32 $0x9C80  }
0x378: {  	[tilespmem:s18], [sflag:$0x1] =	stream.indirect_vreg.gather [hbm4b:s1+s3], $0x80, v10, vm2, $0xb8;
	[tilespmem:$0x18480] =	vst v63  }
0x379: {  	s19 =	simm.s32 $0xA480  }
0x37a: {  	[tilespmem:s19], [sflag:$0x1] =	stream.indirect_vreg.gather [hbm4b:s2+s3], $0x80, v9, vm2, $0xb8;
	[tilespmem:$0x18480] =	vst v63  }
0x37b: {  	s20 =	simm.s32 $0xAC80  }
0x37c: {  	[tilespmem:s20], [sflag:$0x1] =	stream.indirect_vreg.gather [hbm4b:s30+s3], $0x80, v9, vm2, $0xb8;
	[tilespmem:$0x18480] =	vst v63  }
0x37d: {  	s21 =	simm.s32 $0xB480  }
0x37e: {  	[tilespmem:s21], [sflag:$0x1] =	stream.indirect_vreg.gather [hbm4b:s31+s3], $0x80, v9, vm2, $0xb8;
	[tilespmem:$0x18480] =	vst v63  }
0x37f: {  	s11 =	simm.s32 $0xBC80  }
0x380: {  	[tilespmem:s11], [sflag:$0x1] =	stream.indirect_vreg.gather [hbm4b:s1+s3], $0x80, v9, vm2, $0xb8;
	[tilespmem:$0x18480] =	vst v63  }
0x381: {  	_ =	swait.ge [sflag:s8], $0xC000  }
0x382: {  	[sflag:s8] =	ssyncset.done $0x0  }
0x383: {  	s6 =	rddreg [dreg:$0xc];
	[sflag:s8] =	ssyncadd.s32 $0xFFFF4000  }
0x384: {  	[hbm4b:s6+s3] =	stream.linear.scatter [tilespmem:s23], [sflag:$0x4], $0xC000, $0x38;
	[tilespmem:$0x18480] =	vst v63  }
0x385: {  	_ =	swait.ge [sflag:s9], $0xC000  }
0x386: {  	[sflag:s9] =	ssyncset.done $0x0  }
0x387: {  	[sflag:s9] =	ssyncadd.s32 $0xFFFF4000  }
0x388: {  	v9 =	vld [tilespmem:$0x210];
	_ =	sdelay $0x4  }
0x389: {  	v10 =	vshll.u32 v9, $0x3  }
0x38a: {  	v9 =	vand.u32 $0x7, v9;
	v10 =	vand.u32 $0xFFFFFFC0, v10  }
0x38b: {  	v9 =	vor.u32 v9, v10  }
0x38c: {  	v10 =	vperm.xlane v9, v6;
	_ =	sdelay $0x1  }
0x38d: {  	v10 =	vadd.s32 v7, v10;
	_ =	sdelay $0x4  }
0x38e: {  	[tilespmem:s23], [sflag:$0x2] =	stream.indirect_vreg.gather [hbm4b:s2+s3], $0x80, v10, vm2, $0xb8;
	[tilespmem:$0x18480] =	vst v63  }
0x38f: {  	s11 =	simm.s32 $0xCC80;
	v9 =	vperm.xlane v9, v8  }
0x390: {  	[tilespmem:s11], [sflag:$0x2] =	stream.indirect_vreg.gather [hbm4b:s30+s3], $0x80, v10, vm2, $0xb8;
	[tilespmem:$0x18480] =	vst v63  }
0x391: {  	s25 =	simm.s32 $0xD480;
	v9 =	vadd.s32 v7, v9  }
0x392: {  	[tilespmem:s25], [sflag:$0x2] =	stream.indirect_vreg.gather [hbm4b:s31+s3], $0x80, v10, vm2, $0xb8;
	[tilespmem:$0x18480] =	vst v63  }
0x393: {  	s26 =	simm.s32 $0xDC80  }
0x394: {  	[tilespmem:s26], [sflag:$0x2] =	stream.indirect_vreg.gather [hbm4b:s1+s3], $0x80, v10, vm2, $0xb8;
	[tilespmem:$0x18480] =	vst v63  }
0x395: {  	s4 =	simm.s32 $0xE480  }
0x396: {  	[tilespmem:s4], [sflag:$0x2] =	stream.indirect_vreg.gather [hbm4b:s2+s3], $0x80, v9, vm2, $0xb8;
	[tilespmem:$0x18480] =	vst v63  }
0x397: {  	s0 =	simm.s32 $0xEC80  }
0x398: {  	[tilespmem:s0], [sflag:$0x2] =	stream.indirect_vreg.gather [hbm4b:s30+s3], $0x80, v9, vm2, $0xb8;
	[tilespmem:$0x18480] =	vst v63  }
0x399: {  	s11 =	simm.s32 $0xF480  }
0x39a: {  	[tilespmem:s11], [sflag:$0x2] =	stream.indirect_vreg.gather [hbm4b:s31+s3], $0x80, v9, vm2, $0xb8;
	[tilespmem:$0x18480] =	vst v63  }
0x39b: {  	s11 =	simm.s32 $0xFC80  }
0x39c: {  	[tilespmem:s11], [sflag:$0x2] =	stream.indirect_vreg.gather [hbm4b:s1+s3], $0x80, v9, vm2, $0xb8;
	[tilespmem:$0x18480] =	vst v63  }
0x39d: {  	v9 =	vld [tilespmem:$0x220];
	_ =	sdelay $0x4  }
0x39e: {  	v10 =	vshll.u32 v9, $0x3  }
0x39f: {  	v9 =	vand.u32 $0x7, v9;
	v10 =	vand.u32 $0xFFFFFFC0, v10  }
0x3a0: {  	v9 =	vor.u32 v9, v10  }
0x3a1: {  	v10 =	vperm.xlane v9, v6;
	_ =	sdelay $0x1  }
0x3a2: {  	v10 =	vadd.s32 v7, v10;
	_ =	sdelay $0x3  }
0x3a3: {  	s11 =	simm.s32 $0x10480  }
0x3a4: {  	[tilespmem:s11], [sflag:$0x2] =	stream.indirect_vreg.gather [hbm4b:s2+s3], $0x80, v10, vm2, $0xb8;
	[tilespmem:$0x18480] =	vst v63  }
0x3a5: {  	v9 =	vperm.xlane v9, v8;
	s11 =	simm.s32 $0x10C80  }
0x3a6: {  	[tilespmem:s11], [sflag:$0x2] =	stream.indirect_vreg.gather [hbm4b:s30+s3], $0x80, v10, vm2, $0xb8;
	[tilespmem:$0x18480] =	vst v63  }
0x3a7: {  	s28 =	simm.s32 $0x11480;
	v9 =	vadd.s32 v7, v9  }
0x3a8: {  	[tilespmem:s28], [sflag:$0x2] =	stream.indirect_vreg.gather [hbm4b:s31+s3], $0x80, v10, vm2, $0xb8;
	[tilespmem:$0x18480] =	vst v63  }
0x3a9: {  	s29 =	simm.s32 $0x11C80  }
0x3aa: {  	[tilespmem:s29], [sflag:$0x2] =	stream.indirect_vreg.gather [hbm4b:s1+s3], $0x80, v10, vm2, $0xb8;
	[tilespmem:$0x18480] =	vst v63  }
0x3ab: {  	s11 =	simm.s32 $0x12480  }
0x3ac: {  	[tilespmem:s11], [sflag:$0x2] =	stream.indirect_vreg.gather [hbm4b:s2+s3], $0x80, v9, vm2, $0xb8;
	[tilespmem:$0x18480] =	vst v63  }
0x3ad: {  	s11 =	simm.s32 $0x12C80  }
0x3ae: {  	[tilespmem:s11], [sflag:$0x2] =	stream.indirect_vreg.gather [hbm4b:s30+s3], $0x80, v9, vm2, $0xb8;
	[tilespmem:$0x18480] =	vst v63  }
0x3af: {  	s11 =	simm.s32 $0x13480  }
0x3b0: {  	[tilespmem:s11], [sflag:$0x2] =	stream.indirect_vreg.gather [hbm4b:s31+s3], $0x80, v9, vm2, $0xb8;
	[tilespmem:$0x18480] =	vst v63  }
0x3b1: {  	s11 =	simm.s32 $0x13C80  }
0x3b2: {  	[tilespmem:s11], [sflag:$0x2] =	stream.indirect_vreg.gather [hbm4b:s1+s3], $0x80, v9, vm2, $0xb8;
	[tilespmem:$0x18480] =	vst v63  }
0x3b3: {  	v9 =	vld [tilespmem:$0x230];
	_ =	sdelay $0x4  }
0x3b4: {  	v10 =	vshll.u32 v9, $0x3  }
0x3b5: {  	v9 =	vand.u32 $0x7, v9;
	v10 =	vand.u32 $0xFFFFFFC0, v10  }
0x3b6: {  	v9 =	vor.u32 v9, v10  }
0x3b7: {  	v10 =	vperm.xlane v9, v6;
	_ =	sdelay $0x1  }
0x3b8: {  	v10 =	vadd.s32 v7, v10;
	_ =	sdelay $0x3  }
0x3b9: {  	s11 =	simm.s32 $0x14480  }
0x3ba: {  	[tilespmem:s11], [sflag:$0x2] =	stream.indirect_vreg.gather [hbm4b:s2+s3], $0x80, v10, vm2, $0xb8;
	[tilespmem:$0x18480] =	vst v63  }
0x3bb: {  	v9 =	vperm.xlane v9, v8;
	s11 =	simm.s32 $0x14C80  }
0x3bc: {  	[tilespmem:s11], [sflag:$0x2] =	stream.indirect_vreg.gather [hbm4b:s30+s3], $0x80, v10, vm2, $0xb8;
	[tilespmem:$0x18480] =	vst v63  }
0x3bd: {  	v9 =	vadd.s32 v7, v9;
	s11 =	simm.s32 $0x15480  }
0x3be: {  	[tilespmem:s11], [sflag:$0x2] =	stream.indirect_vreg.gather [hbm4b:s31+s3], $0x80, v10, vm2, $0xb8;
	[tilespmem:$0x18480] =	vst v63  }
0x3bf: {  	s11 =	simm.s32 $0x15C80  }
0x3c0: {  	[tilespmem:s11], [sflag:$0x2] =	stream.indirect_vreg.gather [hbm4b:s1+s3], $0x80, v10, vm2, $0xb8;
	[tilespmem:$0x18480] =	vst v63  }
0x3c1: {  	s11 =	simm.s32 $0x16480  }
0x3c2: {  	[tilespmem:s11], [sflag:$0x2] =	stream.indirect_vreg.gather [hbm4b:s2+s3], $0x80, v9, vm2, $0xb8;
	[tilespmem:$0x18480] =	vst v63  }
0x3c3: {  	s11 =	simm.s32 $0x16C80  }
0x3c4: {  	[tilespmem:s11], [sflag:$0x2] =	stream.indirect_vreg.gather [hbm4b:s30+s3], $0x80, v9, vm2, $0xb8;
	[tilespmem:$0x18480] =	vst v63  }
0x3c5: {  	s11 =	simm.s32 $0x17480  }
0x3c6: {  	[tilespmem:s11], [sflag:$0x2] =	stream.indirect_vreg.gather [hbm4b:s31+s3], $0x80, v9, vm2, $0xb8;
	[tilespmem:$0x18480] =	vst v63  }
0x3c7: {  	s11 =	simm.s32 $0x17C80  }
0x3c8: {  	[tilespmem:s11], [sflag:$0x2] =	stream.indirect_vreg.gather [hbm4b:s1+s3], $0x80, v9, vm2, $0xb8;
	[tilespmem:$0x18480] =	vst v63  }
0x3c9: {  	_ =	swait.ge [sflag:s5], $0xC000  }
0x3ca: {  	[sflag:s5] =	ssyncset.done $0x0  }
0x3cb: {  	s11 =	rddreg [dreg:$0xd];
	[sflag:s5] =	ssyncadd.s32 $0xFFFF4000  }
0x3cc: {  	[hbm4b:s11+s3] =	stream.linear.scatter [tilespmem:s24], [sflag:$0x3], $0xC000, $0x38;
	[tilespmem:$0x18480] =	vst v63  }
0x3cd: {  	_ =	swait.ge [sflag:s22], $0xC000  }
0x3ce: {  	[sflag:s22] =	ssyncset.done $0x0  }
0x3cf: {  	[sflag:s22] =	ssyncadd.s32 $0xFFFF4000  }
0x3d0: {  	v9 =	vld [tilespmem:$0x240];
	_ =	sdelay $0x4  }
0x3d1: {  	v10 =	vshll.u32 v9, $0x3  }
0x3d2: {  	v9 =	vand.u32 $0x7, v9;
	v10 =	vand.u32 $0xFFFFFFC0, v10  }
0x3d3: {  	v9 =	vor.u32 v9, v10  }
0x3d4: {  	v10 =	vperm.xlane v9, v6;
	_ =	sdelay $0x1  }
0x3d5: {  	v10 =	vadd.s32 v7, v10;
	_ =	sdelay $0x4  }
0x3d6: {  	[tilespmem:s24], [sflag:$0x1] =	stream.indirect_vreg.gather [hbm4b:s2+s3], $0x80, v10, vm2, $0xb8;
	[tilespmem:$0x18480] =	vst v63  }
0x3d7: {  	s11 =	simm.s32 $0xC80;
	v9 =	vperm.xlane v9, v8  }
0x3d8: {  	[tilespmem:s11], [sflag:$0x1] =	stream.indirect_vreg.gather [hbm4b:s30+s3], $0x80, v10, vm2, $0xb8;
	[tilespmem:$0x18480] =	vst v63  }
0x3d9: {  	v9 =	vadd.s32 v7, v9;
	s11 =	simm.s32 $0x1480  }
0x3da: {  	[tilespmem:s11], [sflag:$0x1] =	stream.indirect_vreg.gather [hbm4b:s31+s3], $0x80, v10, vm2, $0xb8;
	[tilespmem:$0x18480] =	vst v63  }
0x3db: {  	s11 =	simm.s32 $0x1C80  }
0x3dc: {  	[tilespmem:s11], [sflag:$0x1] =	stream.indirect_vreg.gather [hbm4b:s1+s3], $0x80, v10, vm2, $0xb8;
	[tilespmem:$0x18480] =	vst v63  }
0x3dd: {  	s11 =	simm.s32 $0x2480  }
0x3de: {  	[tilespmem:s11], [sflag:$0x1] =	stream.indirect_vreg.gather [hbm4b:s2+s3], $0x80, v9, vm2, $0xb8;
	[tilespmem:$0x18480] =	vst v63  }
0x3df: {  	s7 =	simm.s32 $0x2C80  }
0x3e0: {  	[tilespmem:s7], [sflag:$0x1] =	stream.indirect_vreg.gather [hbm4b:s30+s3], $0x80, v9, vm2, $0xb8;
	[tilespmem:$0x18480] =	vst v63  }
0x3e1: {  	s10 =	simm.s32 $0x3480  }
0x3e2: {  	[tilespmem:s10], [sflag:$0x1] =	stream.indirect_vreg.gather [hbm4b:s31+s3], $0x80, v9, vm2, $0xb8;
	[tilespmem:$0x18480] =	vst v63  }
0x3e3: {  	s11 =	simm.s32 $0x3C80  }
0x3e4: {  	[tilespmem:s11], [sflag:$0x1] =	stream.indirect_vreg.gather [hbm4b:s1+s3], $0x80, v9, vm2, $0xb8;
	[tilespmem:$0x18480] =	vst v63  }
0x3e5: {  	v9 =	vld [tilespmem:$0x250];
	_ =	sdelay $0x4  }
0x3e6: {  	v10 =	vshll.u32 v9, $0x3  }
0x3e7: {  	v9 =	vand.u32 $0x7, v9;
	v10 =	vand.u32 $0xFFFFFFC0, v10  }
0x3e8: {  	v9 =	vor.u32 v9, v10  }
0x3e9: {  	v10 =	vperm.xlane v9, v6;
	_ =	sdelay $0x1  }
0x3ea: {  	v10 =	vadd.s32 v7, v10;
	_ =	sdelay $0x3  }
0x3eb: {  	s11 =	simm.s32 $0x4480  }
0x3ec: {  	[tilespmem:s11], [sflag:$0x1] =	stream.indirect_vreg.gather [hbm4b:s2+s3], $0x80, v10, vm2, $0xb8;
	[tilespmem:$0x18480] =	vst v63  }
0x3ed: {  	v9 =	vperm.xlane v9, v8;
	s11 =	simm.s32 $0x4C80  }
0x3ee: {  	[tilespmem:s11], [sflag:$0x1] =	stream.indirect_vreg.gather [hbm4b:s30+s3], $0x80, v10, vm2, $0xb8;
	[tilespmem:$0x18480] =	vst v63  }
0x3ef: {  	s12 =	simm.s32 $0x5480;
	v9 =	vadd.s32 v7, v9  }
0x3f0: {  	[tilespmem:s12], [sflag:$0x1] =	stream.indirect_vreg.gather [hbm4b:s31+s3], $0x80, v10, vm2, $0xb8;
	[tilespmem:$0x18480] =	vst v63  }
0x3f1: {  	s13 =	simm.s32 $0x5C80  }
0x3f2: {  	[tilespmem:s13], [sflag:$0x1] =	stream.indirect_vreg.gather [hbm4b:s1+s3], $0x80, v10, vm2, $0xb8;
	[tilespmem:$0x18480] =	vst v63  }
0x3f3: {  	s14 =	simm.s32 $0x6480  }
0x3f4: {  	[tilespmem:s14], [sflag:$0x1] =	stream.indirect_vreg.gather [hbm4b:s2+s3], $0x80, v9, vm2, $0xb8;
	[tilespmem:$0x18480] =	vst v63  }
0x3f5: {  	s15 =	simm.s32 $0x6C80  }
0x3f6: {  	[tilespmem:s15], [sflag:$0x1] =	stream.indirect_vreg.gather [hbm4b:s30+s3], $0x80, v9, vm2, $0xb8;
	[tilespmem:$0x18480] =	vst v63  }
0x3f7: {  	s16 =	simm.s32 $0x7480  }
0x3f8: {  	[tilespmem:s16], [sflag:$0x1] =	stream.indirect_vreg.gather [hbm4b:s31+s3], $0x80, v9, vm2, $0xb8;
	[tilespmem:$0x18480] =	vst v63  }
0x3f9: {  	s11 =	simm.s32 $0x7C80  }
0x3fa: {  	[tilespmem:s11], [sflag:$0x1] =	stream.indirect_vreg.gather [hbm4b:s1+s3], $0x80, v9, vm2, $0xb8;
	[tilespmem:$0x18480] =	vst v63  }
0x3fb: {  	v9 =	vld [tilespmem:$0x260];
	_ =	sdelay $0x4  }
0x3fc: {  	v10 =	vshll.u32 v9, $0x3  }
0x3fd: {  	v9 =	vand.u32 $0x7, v9;
	v10 =	vand.u32 $0xFFFFFFC0, v10  }
0x3fe: {  	v9 =	vor.u32 v9, v10  }
0x3ff: {  	v10 =	vperm.xlane v9, v6;
	_ =	sdelay $0x1  }
0x400: {  	v10 =	vadd.s32 v7, v10;
	_ =	sdelay $0x3  }
0x401: {  	s11 =	simm.s32 $0x8480  }
0x402: {  	[tilespmem:s11], [sflag:$0x1] =	stream.indirect_vreg.gather [hbm4b:s2+s3], $0x80, v10, vm2, $0xb8;
	[tilespmem:$0x18480] =	vst v63  }
0x403: {  	v9 =	vperm.xlane v9, v8;
	s11 =	simm.s32 $0x8C80  }
0x404: {  	[tilespmem:s11], [sflag:$0x1] =	stream.indirect_vreg.gather [hbm4b:s30+s3], $0x80, v10, vm2, $0xb8;
	[tilespmem:$0x18480] =	vst v63  }
0x405: {  	s17 =	simm.s32 $0x9480;
	v9 =	vadd.s32 v7, v9  }
0x406: {  	[tilespmem:s17], [sflag:$0x1] =	stream.indirect_vreg.gather [hbm4b:s31+s3], $0x80, v10, vm2, $0xb8;
	[tilespmem:$0x18480] =	vst v63  }
0x407: {  	s18 =	simm.s32 $0x9C80  }
0x408: {  	[tilespmem:s18], [sflag:$0x1] =	stream.indirect_vreg.gather [hbm4b:s1+s3], $0x80, v10, vm2, $0xb8;
	[tilespmem:$0x18480] =	vst v63  }
0x409: {  	s19 =	simm.s32 $0xA480  }
0x40a: {  	[tilespmem:s19], [sflag:$0x1] =	stream.indirect_vreg.gather [hbm4b:s2+s3], $0x80, v9, vm2, $0xb8;
	[tilespmem:$0x18480] =	vst v63  }
0x40b: {  	s20 =	simm.s32 $0xAC80  }
0x40c: {  	[tilespmem:s20], [sflag:$0x1] =	stream.indirect_vreg.gather [hbm4b:s30+s3], $0x80, v9, vm2, $0xb8;
	[tilespmem:$0x18480] =	vst v63  }
0x40d: {  	s21 =	simm.s32 $0xB480  }
0x40e: {  	[tilespmem:s21], [sflag:$0x1] =	stream.indirect_vreg.gather [hbm4b:s31+s3], $0x80, v9, vm2, $0xb8;
	[tilespmem:$0x18480] =	vst v63  }
0x40f: {  	s11 =	simm.s32 $0xBC80  }
0x410: {  	[tilespmem:s11], [sflag:$0x1] =	stream.indirect_vreg.gather [hbm4b:s1+s3], $0x80, v9, vm2, $0xb8;
	[tilespmem:$0x18480] =	vst v63  }
0x411: {  	_ =	swait.ge [sflag:s8], $0xC000  }
0x412: {  	[sflag:s8] =	ssyncset.done $0x0  }
0x413: {  	s7 =	rddreg [dreg:$0xe];
	[sflag:s8] =	ssyncadd.s32 $0xFFFF4000  }
0x414: {  	[hbm4b:s7+s3] =	stream.linear.scatter [tilespmem:s23], [sflag:$0x4], $0xC000, $0x38;
	[tilespmem:$0x18480] =	vst v63  }
0x415: {  	_ =	swait.ge [sflag:s9], $0xC000  }
0x416: {  	[sflag:s9] =	ssyncset.done $0x0  }
0x417: {  	[sflag:s9] =	ssyncadd.s32 $0xFFFF4000  }
0x418: {  	v9 =	vld [tilespmem:$0x270];
	_ =	sdelay $0x4  }
0x419: {  	v10 =	vshll.u32 v9, $0x3  }
0x41a: {  	v9 =	vand.u32 $0x7, v9;
	v10 =	vand.u32 $0xFFFFFFC0, v10  }
0x41b: {  	v9 =	vor.u32 v9, v10  }
0x41c: {  	v10 =	vperm.xlane v9, v6;
	_ =	sdelay $0x1  }
0x41d: {  	v10 =	vadd.s32 v7, v10;
	_ =	sdelay $0x4  }
0x41e: {  	[tilespmem:s23], [sflag:$0x2] =	stream.indirect_vreg.gather [hbm4b:s2+s3], $0x80, v10, vm2, $0xb8;
	[tilespmem:$0x18480] =	vst v63  }
0x41f: {  	s11 =	simm.s32 $0xCC80;
	v9 =	vperm.xlane v9, v8  }
0x420: {  	[tilespmem:s11], [sflag:$0x2] =	stream.indirect_vreg.gather [hbm4b:s30+s3], $0x80, v10, vm2, $0xb8;
	[tilespmem:$0x18480] =	vst v63  }
0x421: {  	s25 =	simm.s32 $0xD480;
	v9 =	vadd.s32 v7, v9  }
0x422: {  	[tilespmem:s25], [sflag:$0x2] =	stream.indirect_vreg.gather [hbm4b:s31+s3], $0x80, v10, vm2, $0xb8;
	[tilespmem:$0x18480] =	vst v63  }
0x423: {  	s26 =	simm.s32 $0xDC80  }
0x424: {  	[tilespmem:s26], [sflag:$0x2] =	stream.indirect_vreg.gather [hbm4b:s1+s3], $0x80, v10, vm2, $0xb8;
	[tilespmem:$0x18480] =	vst v63  }
0x425: {  	s6 =	simm.s32 $0xE480  }
0x426: {  	[tilespmem:s6], [sflag:$0x2] =	stream.indirect_vreg.gather [hbm4b:s2+s3], $0x80, v9, vm2, $0xb8;
	[tilespmem:$0x18480] =	vst v63  }
0x427: {  	s0 =	simm.s32 $0xEC80  }
0x428: {  	[tilespmem:s0], [sflag:$0x2] =	stream.indirect_vreg.gather [hbm4b:s30+s3], $0x80, v9, vm2, $0xb8;
	[tilespmem:$0x18480] =	vst v63  }
0x429: {  	s4 =	simm.s32 $0xF480  }
0x42a: {  	[tilespmem:s4], [sflag:$0x2] =	stream.indirect_vreg.gather [hbm4b:s31+s3], $0x80, v9, vm2, $0xb8;
	[tilespmem:$0x18480] =	vst v63  }
0x42b: {  	s11 =	simm.s32 $0xFC80  }
0x42c: {  	[tilespmem:s11], [sflag:$0x2] =	stream.indirect_vreg.gather [hbm4b:s1+s3], $0x80, v9, vm2, $0xb8;
	[tilespmem:$0x18480] =	vst v63  }
0x42d: {  	v9 =	vld [tilespmem:$0x280];
	_ =	sdelay $0x4  }
0x42e: {  	v10 =	vshll.u32 v9, $0x3  }
0x42f: {  	v9 =	vand.u32 $0x7, v9;
	v10 =	vand.u32 $0xFFFFFFC0, v10  }
0x430: {  	v9 =	vor.u32 v9, v10  }
0x431: {  	v10 =	vperm.xlane v9, v6;
	_ =	sdelay $0x1  }
0x432: {  	v10 =	vadd.s32 v7, v10;
	_ =	sdelay $0x3  }
0x433: {  	s11 =	simm.s32 $0x10480  }
0x434: {  	[tilespmem:s11], [sflag:$0x2] =	stream.indirect_vreg.gather [hbm4b:s2+s3], $0x80, v10, vm2, $0xb8;
	[tilespmem:$0x18480] =	vst v63  }
0x435: {  	v9 =	vperm.xlane v9, v8;
	s11 =	simm.s32 $0x10C80  }
0x436: {  	[tilespmem:s11], [sflag:$0x2] =	stream.indirect_vreg.gather [hbm4b:s30+s3], $0x80, v10, vm2, $0xb8;
	[tilespmem:$0x18480] =	vst v63  }
0x437: {  	s28 =	simm.s32 $0x11480;
	v9 =	vadd.s32 v7, v9  }
0x438: {  	[tilespmem:s28], [sflag:$0x2] =	stream.indirect_vreg.gather [hbm4b:s31+s3], $0x80, v10, vm2, $0xb8;
	[tilespmem:$0x18480] =	vst v63  }
0x439: {  	s29 =	simm.s32 $0x11C80  }
0x43a: {  	[tilespmem:s29], [sflag:$0x2] =	stream.indirect_vreg.gather [hbm4b:s1+s3], $0x80, v10, vm2, $0xb8;
	[tilespmem:$0x18480] =	vst v63  }
0x43b: {  	s29 =	simm.s32 $0x12480  }
0x43c: {  	[tilespmem:s29], [sflag:$0x2] =	stream.indirect_vreg.gather [hbm4b:s2+s3], $0x80, v9, vm2, $0xb8;
	[tilespmem:$0x18480] =	vst v63  }
0x43d: {  	s11 =	simm.s32 $0x12C80  }
0x43e: {  	[tilespmem:s11], [sflag:$0x2] =	stream.indirect_vreg.gather [hbm4b:s30+s3], $0x80, v9, vm2, $0xb8;
	[tilespmem:$0x18480] =	vst v63  }
0x43f: {  	s11 =	simm.s32 $0x13480  }
0x440: {  	[tilespmem:s11], [sflag:$0x2] =	stream.indirect_vreg.gather [hbm4b:s31+s3], $0x80, v9, vm2, $0xb8;
	[tilespmem:$0x18480] =	vst v63  }
0x441: {  	s11 =	simm.s32 $0x13C80  }
0x442: {  	[tilespmem:s11], [sflag:$0x2] =	stream.indirect_vreg.gather [hbm4b:s1+s3], $0x80, v9, vm2, $0xb8;
	[tilespmem:$0x18480] =	vst v63  }
0x443: {  	v9 =	vld [tilespmem:$0x290];
	_ =	sdelay $0x4  }
0x444: {  	v10 =	vshll.u32 v9, $0x3  }
0x445: {  	v9 =	vand.u32 $0x7, v9;
	v10 =	vand.u32 $0xFFFFFFC0, v10  }
0x446: {  	v9 =	vor.u32 v9, v10  }
0x447: {  	v10 =	vperm.xlane v9, v6;
	_ =	sdelay $0x1  }
0x448: {  	v10 =	vadd.s32 v7, v10;
	_ =	sdelay $0x3  }
0x449: {  	s11 =	simm.s32 $0x14480  }
0x44a: {  	[tilespmem:s11], [sflag:$0x2] =	stream.indirect_vreg.gather [hbm4b:s2+s3], $0x80, v10, vm2, $0xb8;
	[tilespmem:$0x18480] =	vst v63  }
0x44b: {  	v9 =	vperm.xlane v9, v8;
	s11 =	simm.s32 $0x14C80  }
0x44c: {  	[tilespmem:s11], [sflag:$0x2] =	stream.indirect_vreg.gather [hbm4b:s30+s3], $0x80, v10, vm2, $0xb8;
	[tilespmem:$0x18480] =	vst v63  }
0x44d: {  	v9 =	vadd.s32 v7, v9;
	s11 =	simm.s32 $0x15480  }
0x44e: {  	[tilespmem:s11], [sflag:$0x2] =	stream.indirect_vreg.gather [hbm4b:s31+s3], $0x80, v10, vm2, $0xb8;
	[tilespmem:$0x18480] =	vst v63  }
0x44f: {  	s11 =	simm.s32 $0x15C80  }
0x450: {  	[tilespmem:s11], [sflag:$0x2] =	stream.indirect_vreg.gather [hbm4b:s1+s3], $0x80, v10, vm2, $0xb8;
	[tilespmem:$0x18480] =	vst v63  }
0x451: {  	s11 =	simm.s32 $0x16480  }
0x452: {  	[tilespmem:s11], [sflag:$0x2] =	stream.indirect_vreg.gather [hbm4b:s2+s3], $0x80, v9, vm2, $0xb8;
	[tilespmem:$0x18480] =	vst v63  }
0x453: {  	s11 =	simm.s32 $0x16C80  }
0x454: {  	[tilespmem:s11], [sflag:$0x2] =	stream.indirect_vreg.gather [hbm4b:s30+s3], $0x80, v9, vm2, $0xb8;
	[tilespmem:$0x18480] =	vst v63  }
0x455: {  	s11 =	simm.s32 $0x17480  }
0x456: {  	[tilespmem:s11], [sflag:$0x2] =	stream.indirect_vreg.gather [hbm4b:s31+s3], $0x80, v9, vm2, $0xb8;
	[tilespmem:$0x18480] =	vst v63  }
0x457: {  	s11 =	simm.s32 $0x17C80  }
0x458: {  	[tilespmem:s11], [sflag:$0x2] =	stream.indirect_vreg.gather [hbm4b:s1+s3], $0x80, v9, vm2, $0xb8;
	[tilespmem:$0x18480] =	vst v63  }
0x459: {  	_ =	swait.ge [sflag:s5], $0xC000  }
0x45a: {  	[sflag:s5] =	ssyncset.done $0x0  }
0x45b: {  	s11 =	rddreg [dreg:$0xf];
	[sflag:s5] =	ssyncadd.s32 $0xFFFF4000  }
0x45c: {  	[hbm4b:s11+s3] =	stream.linear.scatter [tilespmem:s24], [sflag:$0x3], $0xC000, $0x38;
	[tilespmem:$0x18480] =	vst v63  }
0x45d: {  	_ =	swait.ge [sflag:s22], $0xC000  }
0x45e: {  	[sflag:s22] =	ssyncset.done $0x0  }
0x45f: {  	[sflag:s22] =	ssyncadd.s32 $0xFFFF4000  }
0x460: {  	v9 =	vld [tilespmem:$0x2A0];
	_ =	sdelay $0x4  }
0x461: {  	v10 =	vshll.u32 v9, $0x3  }
0x462: {  	v9 =	vand.u32 $0x7, v9;
	v10 =	vand.u32 $0xFFFFFFC0, v10  }
0x463: {  	v9 =	vor.u32 v9, v10  }
0x464: {  	v10 =	vperm.xlane v9, v6;
	_ =	sdelay $0x1  }
0x465: {  	v10 =	vadd.s32 v7, v10;
	_ =	sdelay $0x4  }
0x466: {  	[tilespmem:s24], [sflag:$0x1] =	stream.indirect_vreg.gather [hbm4b:s2+s3], $0x80, v10, vm2, $0xb8;
	[tilespmem:$0x18480] =	vst v63  }
0x467: {  	s11 =	simm.s32 $0xC80;
	v9 =	vperm.xlane v9, v8  }
0x468: {  	[tilespmem:s11], [sflag:$0x1] =	stream.indirect_vreg.gather [hbm4b:s30+s3], $0x80, v10, vm2, $0xb8;
	[tilespmem:$0x18480] =	vst v63  }
0x469: {  	v9 =	vadd.s32 v7, v9;
	s11 =	simm.s32 $0x1480  }
0x46a: {  	[tilespmem:s11], [sflag:$0x1] =	stream.indirect_vreg.gather [hbm4b:s31+s3], $0x80, v10, vm2, $0xb8;
	[tilespmem:$0x18480] =	vst v63  }
0x46b: {  	s11 =	simm.s32 $0x1C80  }
0x46c: {  	[tilespmem:s11], [sflag:$0x1] =	stream.indirect_vreg.gather [hbm4b:s1+s3], $0x80, v10, vm2, $0xb8;
	[tilespmem:$0x18480] =	vst v63  }
0x46d: {  	s11 =	simm.s32 $0x2480  }
0x46e: {  	[tilespmem:s11], [sflag:$0x1] =	stream.indirect_vreg.gather [hbm4b:s2+s3], $0x80, v9, vm2, $0xb8;
	[tilespmem:$0x18480] =	vst v63  }
0x46f: {  	s11 =	simm.s32 $0x2C80  }
0x470: {  	[tilespmem:s11], [sflag:$0x1] =	stream.indirect_vreg.gather [hbm4b:s30+s3], $0x80, v9, vm2, $0xb8;
	[tilespmem:$0x18480] =	vst v63  }
0x471: {  	s10 =	simm.s32 $0x3480  }
0x472: {  	[tilespmem:s10], [sflag:$0x1] =	stream.indirect_vreg.gather [hbm4b:s31+s3], $0x80, v9, vm2, $0xb8;
	[tilespmem:$0x18480] =	vst v63  }
0x473: {  	s11 =	simm.s32 $0x3C80  }
0x474: {  	[tilespmem:s11], [sflag:$0x1] =	stream.indirect_vreg.gather [hbm4b:s1+s3], $0x80, v9, vm2, $0xb8;
	[tilespmem:$0x18480] =	vst v63  }
0x475: {  	v9 =	vld [tilespmem:$0x2B0];
	_ =	sdelay $0x4  }
0x476: {  	v10 =	vshll.u32 v9, $0x3  }
0x477: {  	v9 =	vand.u32 $0x7, v9;
	v10 =	vand.u32 $0xFFFFFFC0, v10  }
0x478: {  	v9 =	vor.u32 v9, v10  }
0x479: {  	v10 =	vperm.xlane v9, v6;
	_ =	sdelay $0x1  }
0x47a: {  	v10 =	vadd.s32 v7, v10;
	_ =	sdelay $0x3  }
0x47b: {  	s11 =	simm.s32 $0x4480  }
0x47c: {  	[tilespmem:s11], [sflag:$0x1] =	stream.indirect_vreg.gather [hbm4b:s2+s3], $0x80, v10, vm2, $0xb8;
	[tilespmem:$0x18480] =	vst v63  }
0x47d: {  	v9 =	vperm.xlane v9, v8;
	s11 =	simm.s32 $0x4C80  }
0x47e: {  	[tilespmem:s11], [sflag:$0x1] =	stream.indirect_vreg.gather [hbm4b:s30+s3], $0x80, v10, vm2, $0xb8;
	[tilespmem:$0x18480] =	vst v63  }
0x47f: {  	s12 =	simm.s32 $0x5480;
	v9 =	vadd.s32 v7, v9  }
0x480: {  	[tilespmem:s12], [sflag:$0x1] =	stream.indirect_vreg.gather [hbm4b:s31+s3], $0x80, v10, vm2, $0xb8;
	[tilespmem:$0x18480] =	vst v63  }
0x481: {  	s13 =	simm.s32 $0x5C80  }
0x482: {  	[tilespmem:s13], [sflag:$0x1] =	stream.indirect_vreg.gather [hbm4b:s1+s3], $0x80, v10, vm2, $0xb8;
	[tilespmem:$0x18480] =	vst v63  }
0x483: {  	s14 =	simm.s32 $0x6480  }
0x484: {  	[tilespmem:s14], [sflag:$0x1] =	stream.indirect_vreg.gather [hbm4b:s2+s3], $0x80, v9, vm2, $0xb8;
	[tilespmem:$0x18480] =	vst v63  }
0x485: {  	s15 =	simm.s32 $0x6C80  }
0x486: {  	[tilespmem:s15], [sflag:$0x1] =	stream.indirect_vreg.gather [hbm4b:s30+s3], $0x80, v9, vm2, $0xb8;
	[tilespmem:$0x18480] =	vst v63  }
0x487: {  	s16 =	simm.s32 $0x7480  }
0x488: {  	[tilespmem:s16], [sflag:$0x1] =	stream.indirect_vreg.gather [hbm4b:s31+s3], $0x80, v9, vm2, $0xb8;
	[tilespmem:$0x18480] =	vst v63  }
0x489: {  	s11 =	simm.s32 $0x7C80  }
0x48a: {  	[tilespmem:s11], [sflag:$0x1] =	stream.indirect_vreg.gather [hbm4b:s1+s3], $0x80, v9, vm2, $0xb8;
	[tilespmem:$0x18480] =	vst v63  }
0x48b: {  	v9 =	vld [tilespmem:$0x2C0];
	_ =	sdelay $0x4  }
0x48c: {  	v10 =	vshll.u32 v9, $0x3  }
0x48d: {  	v9 =	vand.u32 $0x7, v9;
	v10 =	vand.u32 $0xFFFFFFC0, v10  }
0x48e: {  	v9 =	vor.u32 v9, v10  }
0x48f: {  	v10 =	vperm.xlane v9, v6;
	_ =	sdelay $0x1  }
0x490: {  	v10 =	vadd.s32 v7, v10;
	_ =	sdelay $0x3  }
0x491: {  	s11 =	simm.s32 $0x8480  }
0x492: {  	[tilespmem:s11], [sflag:$0x1] =	stream.indirect_vreg.gather [hbm4b:s2+s3], $0x80, v10, vm2, $0xb8;
	[tilespmem:$0x18480] =	vst v63  }
0x493: {  	v9 =	vperm.xlane v9, v8;
	s11 =	simm.s32 $0x8C80  }
0x494: {  	[tilespmem:s11], [sflag:$0x1] =	stream.indirect_vreg.gather [hbm4b:s30+s3], $0x80, v10, vm2, $0xb8;
	[tilespmem:$0x18480] =	vst v63  }
0x495: {  	s17 =	simm.s32 $0x9480;
	v9 =	vadd.s32 v7, v9  }
0x496: {  	[tilespmem:s17], [sflag:$0x1] =	stream.indirect_vreg.gather [hbm4b:s31+s3], $0x80, v10, vm2, $0xb8;
	[tilespmem:$0x18480] =	vst v63  }
0x497: {  	s18 =	simm.s32 $0x9C80  }
0x498: {  	[tilespmem:s18], [sflag:$0x1] =	stream.indirect_vreg.gather [hbm4b:s1+s3], $0x80, v10, vm2, $0xb8;
	[tilespmem:$0x18480] =	vst v63  }
0x499: {  	s19 =	simm.s32 $0xA480  }
0x49a: {  	[tilespmem:s19], [sflag:$0x1] =	stream.indirect_vreg.gather [hbm4b:s2+s3], $0x80, v9, vm2, $0xb8;
	[tilespmem:$0x18480] =	vst v63  }
0x49b: {  	s20 =	simm.s32 $0xAC80  }
0x49c: {  	[tilespmem:s20], [sflag:$0x1] =	stream.indirect_vreg.gather [hbm4b:s30+s3], $0x80, v9, vm2, $0xb8;
	[tilespmem:$0x18480] =	vst v63  }
0x49d: {  	s21 =	simm.s32 $0xB480  }
0x49e: {  	[tilespmem:s21], [sflag:$0x1] =	stream.indirect_vreg.gather [hbm4b:s31+s3], $0x80, v9, vm2, $0xb8;
	[tilespmem:$0x18480] =	vst v63  }
0x49f: {  	s11 =	simm.s32 $0xBC80  }
0x4a0: {  	[tilespmem:s11], [sflag:$0x1] =	stream.indirect_vreg.gather [hbm4b:s1+s3], $0x80, v9, vm2, $0xb8;
	[tilespmem:$0x18480] =	vst v63  }
0x4a1: {  	_ =	swait.ge [sflag:s8], $0xC000  }
0x4a2: {  	[sflag:s8] =	ssyncset.done $0x0  }
0x4a3: {  	s10 =	rddreg [dreg:$0x10];
	[sflag:s8] =	ssyncadd.s32 $0xFFFF4000  }
0x4a4: {  	[hbm4b:s10+s3] =	stream.linear.scatter [tilespmem:s23], [sflag:$0x4], $0xC000, $0x38;
	[tilespmem:$0x18480] =	vst v63  }
0x4a5: {  	_ =	swait.ge [sflag:s9], $0xC000  }
0x4a6: {  	[sflag:s9] =	ssyncset.done $0x0  }
0x4a7: {  	[sflag:s9] =	ssyncadd.s32 $0xFFFF4000  }
0x4a8: {  	v9 =	vld [tilespmem:$0x2D0];
	_ =	sdelay $0x4  }
0x4a9: {  	v10 =	vshll.u32 v9, $0x3  }
0x4aa: {  	v9 =	vand.u32 $0x7, v9;
	v10 =	vand.u32 $0xFFFFFFC0, v10  }
0x4ab: {  	v9 =	vor.u32 v9, v10  }
0x4ac: {  	v10 =	vperm.xlane v9, v6;
	_ =	sdelay $0x1  }
0x4ad: {  	v10 =	vadd.s32 v7, v10;
	_ =	sdelay $0x4  }
0x4ae: {  	[tilespmem:s23], [sflag:$0x2] =	stream.indirect_vreg.gather [hbm4b:s2+s3], $0x80, v10, vm2, $0xb8;
	[tilespmem:$0x18480] =	vst v63  }
0x4af: {  	s11 =	simm.s32 $0xCC80;
	v9 =	vperm.xlane v9, v8  }
0x4b0: {  	[tilespmem:s11], [sflag:$0x2] =	stream.indirect_vreg.gather [hbm4b:s30+s3], $0x80, v10, vm2, $0xb8;
	[tilespmem:$0x18480] =	vst v63  }
0x4b1: {  	s25 =	simm.s32 $0xD480;
	v9 =	vadd.s32 v7, v9  }
0x4b2: {  	[tilespmem:s25], [sflag:$0x2] =	stream.indirect_vreg.gather [hbm4b:s31+s3], $0x80, v10, vm2, $0xb8;
	[tilespmem:$0x18480] =	vst v63  }
0x4b3: {  	s26 =	simm.s32 $0xDC80  }
0x4b4: {  	[tilespmem:s26], [sflag:$0x2] =	stream.indirect_vreg.gather [hbm4b:s1+s3], $0x80, v10, vm2, $0xb8;
	[tilespmem:$0x18480] =	vst v63  }
0x4b5: {  	s7 =	simm.s32 $0xE480  }
0x4b6: {  	[tilespmem:s7], [sflag:$0x2] =	stream.indirect_vreg.gather [hbm4b:s2+s3], $0x80, v9, vm2, $0xb8;
	[tilespmem:$0x18480] =	vst v63  }
0x4b7: {  	s0 =	simm.s32 $0xEC80  }
0x4b8: {  	[tilespmem:s0], [sflag:$0x2] =	stream.indirect_vreg.gather [hbm4b:s30+s3], $0x80, v9, vm2, $0xb8;
	[tilespmem:$0x18480] =	vst v63  }
0x4b9: {  	s4 =	simm.s32 $0xF480  }
0x4ba: {  	[tilespmem:s4], [sflag:$0x2] =	stream.indirect_vreg.gather [hbm4b:s31+s3], $0x80, v9, vm2, $0xb8;
	[tilespmem:$0x18480] =	vst v63  }
0x4bb: {  	s11 =	simm.s32 $0xFC80  }
0x4bc: {  	[tilespmem:s11], [sflag:$0x2] =	stream.indirect_vreg.gather [hbm4b:s1+s3], $0x80, v9, vm2, $0xb8;
	[tilespmem:$0x18480] =	vst v63  }
0x4bd: {  	v9 =	vld [tilespmem:$0x2E0];
	_ =	sdelay $0x4  }
0x4be: {  	v10 =	vshll.u32 v9, $0x3  }
0x4bf: {  	v9 =	vand.u32 $0x7, v9;
	v10 =	vand.u32 $0xFFFFFFC0, v10  }
0x4c0: {  	v9 =	vor.u32 v9, v10  }
0x4c1: {  	v10 =	vperm.xlane v9, v6;
	_ =	sdelay $0x1  }
0x4c2: {  	v10 =	vadd.s32 v7, v10;
	_ =	sdelay $0x3  }
0x4c3: {  	s11 =	simm.s32 $0x10480  }
0x4c4: {  	[tilespmem:s11], [sflag:$0x2] =	stream.indirect_vreg.gather [hbm4b:s2+s3], $0x80, v10, vm2, $0xb8;
	[tilespmem:$0x18480] =	vst v63  }
0x4c5: {  	v9 =	vperm.xlane v9, v8;
	s11 =	simm.s32 $0x10C80  }
0x4c6: {  	[tilespmem:s11], [sflag:$0x2] =	stream.indirect_vreg.gather [hbm4b:s30+s3], $0x80, v10, vm2, $0xb8;
	[tilespmem:$0x18480] =	vst v63  }
0x4c7: {  	s6 =	simm.s32 $0x11480;
	v9 =	vadd.s32 v7, v9  }
0x4c8: {  	[tilespmem:s6], [sflag:$0x2] =	stream.indirect_vreg.gather [hbm4b:s31+s3], $0x80, v10, vm2, $0xb8;
	[tilespmem:$0x18480] =	vst v63  }
0x4c9: {  	s28 =	simm.s32 $0x11C80  }
0x4ca: {  	[tilespmem:s28], [sflag:$0x2] =	stream.indirect_vreg.gather [hbm4b:s1+s3], $0x80, v10, vm2, $0xb8;
	[tilespmem:$0x18480] =	vst v63  }
0x4cb: {  	s29 =	simm.s32 $0x12480  }
0x4cc: {  	[tilespmem:s29], [sflag:$0x2] =	stream.indirect_vreg.gather [hbm4b:s2+s3], $0x80, v9, vm2, $0xb8;
	[tilespmem:$0x18480] =	vst v63  }
0x4cd: {  	s29 =	simm.s32 $0x12C80  }
0x4ce: {  	[tilespmem:s29], [sflag:$0x2] =	stream.indirect_vreg.gather [hbm4b:s30+s3], $0x80, v9, vm2, $0xb8;
	[tilespmem:$0x18480] =	vst v63  }
0x4cf: {  	s11 =	simm.s32 $0x13480  }
0x4d0: {  	[tilespmem:s11], [sflag:$0x2] =	stream.indirect_vreg.gather [hbm4b:s31+s3], $0x80, v9, vm2, $0xb8;
	[tilespmem:$0x18480] =	vst v63  }
0x4d1: {  	s11 =	simm.s32 $0x13C80  }
0x4d2: {  	[tilespmem:s11], [sflag:$0x2] =	stream.indirect_vreg.gather [hbm4b:s1+s3], $0x80, v9, vm2, $0xb8;
	[tilespmem:$0x18480] =	vst v63  }
0x4d3: {  	v9 =	vld [tilespmem:$0x2F0];
	_ =	sdelay $0x4  }
0x4d4: {  	v10 =	vshll.u32 v9, $0x3  }
0x4d5: {  	v9 =	vand.u32 $0x7, v9;
	v10 =	vand.u32 $0xFFFFFFC0, v10  }
0x4d6: {  	v9 =	vor.u32 v9, v10  }
0x4d7: {  	v10 =	vperm.xlane v9, v6;
	_ =	sdelay $0x1  }
0x4d8: {  	v10 =	vadd.s32 v7, v10;
	_ =	sdelay $0x3  }
0x4d9: {  	s11 =	simm.s32 $0x14480  }
0x4da: {  	[tilespmem:s11], [sflag:$0x2] =	stream.indirect_vreg.gather [hbm4b:s2+s3], $0x80, v10, vm2, $0xb8;
	[tilespmem:$0x18480] =	vst v63  }
0x4db: {  	v9 =	vperm.xlane v9, v8;
	s11 =	simm.s32 $0x14C80  }
0x4dc: {  	[tilespmem:s11], [sflag:$0x2] =	stream.indirect_vreg.gather [hbm4b:s30+s3], $0x80, v10, vm2, $0xb8;
	[tilespmem:$0x18480] =	vst v63  }
0x4dd: {  	v9 =	vadd.s32 v7, v9;
	s11 =	simm.s32 $0x15480  }
0x4de: {  	[tilespmem:s11], [sflag:$0x2] =	stream.indirect_vreg.gather [hbm4b:s31+s3], $0x80, v10, vm2, $0xb8;
	[tilespmem:$0x18480] =	vst v63  }
0x4df: {  	s11 =	simm.s32 $0x15C80  }
0x4e0: {  	[tilespmem:s11], [sflag:$0x2] =	stream.indirect_vreg.gather [hbm4b:s1+s3], $0x80, v10, vm2, $0xb8;
	[tilespmem:$0x18480] =	vst v63  }
0x4e1: {  	s11 =	simm.s32 $0x16480  }
0x4e2: {  	[tilespmem:s11], [sflag:$0x2] =	stream.indirect_vreg.gather [hbm4b:s2+s3], $0x80, v9, vm2, $0xb8;
	[tilespmem:$0x18480] =	vst v63  }
0x4e3: {  	s11 =	simm.s32 $0x16C80  }
0x4e4: {  	[tilespmem:s11], [sflag:$0x2] =	stream.indirect_vreg.gather [hbm4b:s30+s3], $0x80, v9, vm2, $0xb8;
	[tilespmem:$0x18480] =	vst v63  }
0x4e5: {  	s11 =	simm.s32 $0x17480  }
0x4e6: {  	[tilespmem:s11], [sflag:$0x2] =	stream.indirect_vreg.gather [hbm4b:s31+s3], $0x80, v9, vm2, $0xb8;
	[tilespmem:$0x18480] =	vst v63  }
0x4e7: {  	s11 =	simm.s32 $0x17C80  }
0x4e8: {  	[tilespmem:s11], [sflag:$0x2] =	stream.indirect_vreg.gather [hbm4b:s1+s3], $0x80, v9, vm2, $0xb8;
	[tilespmem:$0x18480] =	vst v63  }
0x4e9: {  	_ =	swait.ge [sflag:s5], $0xC000  }
0x4ea: {  	[sflag:s5] =	ssyncset.done $0x0  }
0x4eb: {  	s11 =	rddreg [dreg:$0x11];
	[sflag:s5] =	ssyncadd.s32 $0xFFFF4000  }
0x4ec: {  	[hbm4b:s11+s3] =	stream.linear.scatter [tilespmem:s24], [sflag:$0x3], $0xC000, $0x38;
	[tilespmem:$0x18480] =	vst v63  }
0x4ed: {  	_ =	swait.ge [sflag:s22], $0xC000  }
0x4ee: {  	[sflag:s22] =	ssyncset.done $0x0  }
0x4ef: {  	[sflag:s22] =	ssyncadd.s32 $0xFFFF4000  }
0x4f0: {  	v9 =	vld [tilespmem:$0x300];
	_ =	sdelay $0x4  }
0x4f1: {  	v10 =	vshll.u32 v9, $0x3  }
0x4f2: {  	v9 =	vand.u32 $0x7, v9;
	v10 =	vand.u32 $0xFFFFFFC0, v10  }
0x4f3: {  	v9 =	vor.u32 v9, v10  }
0x4f4: {  	v10 =	vperm.xlane v9, v6;
	_ =	sdelay $0x1  }
0x4f5: {  	v10 =	vadd.s32 v7, v10;
	_ =	sdelay $0x4  }
0x4f6: {  	[tilespmem:s24], [sflag:$0x1] =	stream.indirect_vreg.gather [hbm4b:s2+s3], $0x80, v10, vm2, $0xb8;
	[tilespmem:$0x18480] =	vst v63  }
0x4f7: {  	s11 =	simm.s32 $0xC80;
	v9 =	vperm.xlane v9, v8  }
0x4f8: {  	[tilespmem:s11], [sflag:$0x1] =	stream.indirect_vreg.gather [hbm4b:s30+s3], $0x80, v10, vm2, $0xb8;
	[tilespmem:$0x18480] =	vst v63  }
0x4f9: {  	v9 =	vadd.s32 v7, v9;
	s11 =	simm.s32 $0x1480  }
0x4fa: {  	[tilespmem:s11], [sflag:$0x1] =	stream.indirect_vreg.gather [hbm4b:s31+s3], $0x80, v10, vm2, $0xb8;
	[tilespmem:$0x18480] =	vst v63  }
0x4fb: {  	s11 =	simm.s32 $0x1C80  }
0x4fc: {  	[tilespmem:s11], [sflag:$0x1] =	stream.indirect_vreg.gather [hbm4b:s1+s3], $0x80, v10, vm2, $0xb8;
	[tilespmem:$0x18480] =	vst v63  }
0x4fd: {  	s11 =	simm.s32 $0x2480  }
0x4fe: {  	[tilespmem:s11], [sflag:$0x1] =	stream.indirect_vreg.gather [hbm4b:s2+s3], $0x80, v9, vm2, $0xb8;
	[tilespmem:$0x18480] =	vst v63  }
0x4ff: {  	s11 =	simm.s32 $0x2C80  }
0x500: {  	[tilespmem:s11], [sflag:$0x1] =	stream.indirect_vreg.gather [hbm4b:s30+s3], $0x80, v9, vm2, $0xb8;
	[tilespmem:$0x18480] =	vst v63  }
0x501: {  	s11 =	simm.s32 $0x3480  }
0x502: {  	[tilespmem:s11], [sflag:$0x1] =	stream.indirect_vreg.gather [hbm4b:s31+s3], $0x80, v9, vm2, $0xb8;
	[tilespmem:$0x18480] =	vst v63  }
0x503: {  	s11 =	simm.s32 $0x3C80  }
0x504: {  	[tilespmem:s11], [sflag:$0x1] =	stream.indirect_vreg.gather [hbm4b:s1+s3], $0x80, v9, vm2, $0xb8;
	[tilespmem:$0x18480] =	vst v63  }
0x505: {  	v9 =	vld [tilespmem:$0x310];
	_ =	sdelay $0x4  }
0x506: {  	v10 =	vshll.u32 v9, $0x3  }
0x507: {  	v9 =	vand.u32 $0x7, v9;
	v10 =	vand.u32 $0xFFFFFFC0, v10  }
0x508: {  	v9 =	vor.u32 v9, v10  }
0x509: {  	v10 =	vperm.xlane v9, v6;
	_ =	sdelay $0x1  }
0x50a: {  	v10 =	vadd.s32 v7, v10;
	_ =	sdelay $0x3  }
0x50b: {  	s11 =	simm.s32 $0x4480  }
0x50c: {  	[tilespmem:s11], [sflag:$0x1] =	stream.indirect_vreg.gather [hbm4b:s2+s3], $0x80, v10, vm2, $0xb8;
	[tilespmem:$0x18480] =	vst v63  }
0x50d: {  	v9 =	vperm.xlane v9, v8;
	s11 =	simm.s32 $0x4C80  }
0x50e: {  	[tilespmem:s11], [sflag:$0x1] =	stream.indirect_vreg.gather [hbm4b:s30+s3], $0x80, v10, vm2, $0xb8;
	[tilespmem:$0x18480] =	vst v63  }
0x50f: {  	s12 =	simm.s32 $0x5480;
	v9 =	vadd.s32 v7, v9  }
0x510: {  	[tilespmem:s12], [sflag:$0x1] =	stream.indirect_vreg.gather [hbm4b:s31+s3], $0x80, v10, vm2, $0xb8;
	[tilespmem:$0x18480] =	vst v63  }
0x511: {  	s13 =	simm.s32 $0x5C80  }
0x512: {  	[tilespmem:s13], [sflag:$0x1] =	stream.indirect_vreg.gather [hbm4b:s1+s3], $0x80, v10, vm2, $0xb8;
	[tilespmem:$0x18480] =	vst v63  }
0x513: {  	s14 =	simm.s32 $0x6480  }
0x514: {  	[tilespmem:s14], [sflag:$0x1] =	stream.indirect_vreg.gather [hbm4b:s2+s3], $0x80, v9, vm2, $0xb8;
	[tilespmem:$0x18480] =	vst v63  }
0x515: {  	s15 =	simm.s32 $0x6C80  }
0x516: {  	[tilespmem:s15], [sflag:$0x1] =	stream.indirect_vreg.gather [hbm4b:s30+s3], $0x80, v9, vm2, $0xb8;
	[tilespmem:$0x18480] =	vst v63  }
0x517: {  	s16 =	simm.s32 $0x7480  }
0x518: {  	[tilespmem:s16], [sflag:$0x1] =	stream.indirect_vreg.gather [hbm4b:s31+s3], $0x80, v9, vm2, $0xb8;
	[tilespmem:$0x18480] =	vst v63  }
0x519: {  	s12 =	simm.s32 $0x7C80  }
0x51a: {  	[tilespmem:s12], [sflag:$0x1] =	stream.indirect_vreg.gather [hbm4b:s1+s3], $0x80, v9, vm2, $0xb8;
	[tilespmem:$0x18480] =	vst v63  }
0x51b: {  	v9 =	vld [tilespmem:$0x320];
	_ =	sdelay $0x4  }
0x51c: {  	v10 =	vshll.u32 v9, $0x3  }
0x51d: {  	v9 =	vand.u32 $0x7, v9;
	v10 =	vand.u32 $0xFFFFFFC0, v10  }
0x51e: {  	v9 =	vor.u32 v9, v10  }
0x51f: {  	v10 =	vperm.xlane v9, v6;
	_ =	sdelay $0x1  }
0x520: {  	v10 =	vadd.s32 v7, v10;
	_ =	sdelay $0x3  }
0x521: {  	s12 =	simm.s32 $0x8480  }
0x522: {  	[tilespmem:s12], [sflag:$0x1] =	stream.indirect_vreg.gather [hbm4b:s2+s3], $0x80, v10, vm2, $0xb8;
	[tilespmem:$0x18480] =	vst v63  }
0x523: {  	v9 =	vperm.xlane v9, v8;
	s12 =	simm.s32 $0x8C80  }
0x524: {  	[tilespmem:s12], [sflag:$0x1] =	stream.indirect_vreg.gather [hbm4b:s30+s3], $0x80, v10, vm2, $0xb8;
	[tilespmem:$0x18480] =	vst v63  }
0x525: {  	s17 =	simm.s32 $0x9480;
	v9 =	vadd.s32 v7, v9  }
0x526: {  	[tilespmem:s17], [sflag:$0x1] =	stream.indirect_vreg.gather [hbm4b:s31+s3], $0x80, v10, vm2, $0xb8;
	[tilespmem:$0x18480] =	vst v63  }
0x527: {  	s18 =	simm.s32 $0x9C80  }
0x528: {  	[tilespmem:s18], [sflag:$0x1] =	stream.indirect_vreg.gather [hbm4b:s1+s3], $0x80, v10, vm2, $0xb8;
	[tilespmem:$0x18480] =	vst v63  }
0x529: {  	s19 =	simm.s32 $0xA480  }
0x52a: {  	[tilespmem:s19], [sflag:$0x1] =	stream.indirect_vreg.gather [hbm4b:s2+s3], $0x80, v9, vm2, $0xb8;
	[tilespmem:$0x18480] =	vst v63  }
0x52b: {  	s20 =	simm.s32 $0xAC80  }
0x52c: {  	[tilespmem:s20], [sflag:$0x1] =	stream.indirect_vreg.gather [hbm4b:s30+s3], $0x80, v9, vm2, $0xb8;
	[tilespmem:$0x18480] =	vst v63  }
0x52d: {  	s21 =	simm.s32 $0xB480  }
0x52e: {  	[tilespmem:s21], [sflag:$0x1] =	stream.indirect_vreg.gather [hbm4b:s31+s3], $0x80, v9, vm2, $0xb8;
	[tilespmem:$0x18480] =	vst v63  }
0x52f: {  	s12 =	simm.s32 $0xBC80  }
0x530: {  	[tilespmem:s12], [sflag:$0x1] =	stream.indirect_vreg.gather [hbm4b:s1+s3], $0x80, v9, vm2, $0xb8;
	[tilespmem:$0x18480] =	vst v63  }
0x531: {  	_ =	swait.ge [sflag:s8], $0xC000  }
0x532: {  	[sflag:s8] =	ssyncset.done $0x0  }
0x533: {  	s12 =	rddreg [dreg:$0x12];
	[sflag:s8] =	ssyncadd.s32 $0xFFFF4000  }
0x534: {  	[hbm4b:s12+s3] =	stream.linear.scatter [tilespmem:s23], [sflag:$0x4], $0xC000, $0x38;
	[tilespmem:$0x18480] =	vst v63  }
0x535: {  	_ =	swait.ge [sflag:s9], $0xC000  }
0x536: {  	[sflag:s9] =	ssyncset.done $0x0  }
0x537: {  	[sflag:s9] =	ssyncadd.s32 $0xFFFF4000  }
0x538: {  	v9 =	vld [tilespmem:$0x330];
	_ =	sdelay $0x4  }
0x539: {  	v10 =	vshll.u32 v9, $0x3  }
0x53a: {  	v9 =	vand.u32 $0x7, v9;
	v10 =	vand.u32 $0xFFFFFFC0, v10  }
0x53b: {  	v9 =	vor.u32 v9, v10  }
0x53c: {  	v10 =	vperm.xlane v9, v6;
	_ =	sdelay $0x1  }
0x53d: {  	v10 =	vadd.s32 v7, v10;
	_ =	sdelay $0x4  }
0x53e: {  	[tilespmem:s23], [sflag:$0x2] =	stream.indirect_vreg.gather [hbm4b:s2+s3], $0x80, v10, vm2, $0xb8;
	[tilespmem:$0x18480] =	vst v63  }
0x53f: {  	s12 =	simm.s32 $0xCC80;
	v9 =	vperm.xlane v9, v8  }
0x540: {  	[tilespmem:s12], [sflag:$0x2] =	stream.indirect_vreg.gather [hbm4b:s30+s3], $0x80, v10, vm2, $0xb8;
	[tilespmem:$0x18480] =	vst v63  }
0x541: {  	s25 =	simm.s32 $0xD480;
	v9 =	vadd.s32 v7, v9  }
0x542: {  	[tilespmem:s25], [sflag:$0x2] =	stream.indirect_vreg.gather [hbm4b:s31+s3], $0x80, v10, vm2, $0xb8;
	[tilespmem:$0x18480] =	vst v63  }
0x543: {  	s26 =	simm.s32 $0xDC80  }
0x544: {  	[tilespmem:s26], [sflag:$0x2] =	stream.indirect_vreg.gather [hbm4b:s1+s3], $0x80, v10, vm2, $0xb8;
	[tilespmem:$0x18480] =	vst v63  }
0x545: {  	s10 =	simm.s32 $0xE480  }
0x546: {  	[tilespmem:s10], [sflag:$0x2] =	stream.indirect_vreg.gather [hbm4b:s2+s3], $0x80, v9, vm2, $0xb8;
	[tilespmem:$0x18480] =	vst v63  }
0x547: {  	s0 =	simm.s32 $0xEC80  }
0x548: {  	[tilespmem:s0], [sflag:$0x2] =	stream.indirect_vreg.gather [hbm4b:s30+s3], $0x80, v9, vm2, $0xb8;
	[tilespmem:$0x18480] =	vst v63  }
0x549: {  	s4 =	simm.s32 $0xF480  }
0x54a: {  	[tilespmem:s4], [sflag:$0x2] =	stream.indirect_vreg.gather [hbm4b:s31+s3], $0x80, v9, vm2, $0xb8;
	[tilespmem:$0x18480] =	vst v63  }
0x54b: {  	s11 =	simm.s32 $0xFC80  }
0x54c: {  	[tilespmem:s11], [sflag:$0x2] =	stream.indirect_vreg.gather [hbm4b:s1+s3], $0x80, v9, vm2, $0xb8;
	[tilespmem:$0x18480] =	vst v63  }
0x54d: {  	v9 =	vld [tilespmem:$0x340];
	_ =	sdelay $0x4  }
0x54e: {  	v10 =	vshll.u32 v9, $0x3  }
0x54f: {  	v9 =	vand.u32 $0x7, v9;
	v10 =	vand.u32 $0xFFFFFFC0, v10  }
0x550: {  	v9 =	vor.u32 v9, v10  }
0x551: {  	v10 =	vperm.xlane v9, v6;
	_ =	sdelay $0x1  }
0x552: {  	v10 =	vadd.s32 v7, v10;
	_ =	sdelay $0x3  }
0x553: {  	s11 =	simm.s32 $0x10480  }
0x554: {  	[tilespmem:s11], [sflag:$0x2] =	stream.indirect_vreg.gather [hbm4b:s2+s3], $0x80, v10, vm2, $0xb8;
	[tilespmem:$0x18480] =	vst v63  }
0x555: {  	v9 =	vperm.xlane v9, v8;
	s11 =	simm.s32 $0x10C80  }
0x556: {  	[tilespmem:s11], [sflag:$0x2] =	stream.indirect_vreg.gather [hbm4b:s30+s3], $0x80, v10, vm2, $0xb8;
	[tilespmem:$0x18480] =	vst v63  }
0x557: {  	s6 =	simm.s32 $0x11480;
	v9 =	vadd.s32 v7, v9  }
0x558: {  	[tilespmem:s6], [sflag:$0x2] =	stream.indirect_vreg.gather [hbm4b:s31+s3], $0x80, v10, vm2, $0xb8;
	[tilespmem:$0x18480] =	vst v63  }
0x559: {  	s7 =	simm.s32 $0x11C80  }
0x55a: {  	[tilespmem:s7], [sflag:$0x2] =	stream.indirect_vreg.gather [hbm4b:s1+s3], $0x80, v10, vm2, $0xb8;
	[tilespmem:$0x18480] =	vst v63  }
0x55b: {  	s28 =	simm.s32 $0x12480  }
0x55c: {  	[tilespmem:s28], [sflag:$0x2] =	stream.indirect_vreg.gather [hbm4b:s2+s3], $0x80, v9, vm2, $0xb8;
	[tilespmem:$0x18480] =	vst v63  }
0x55d: {  	s29 =	simm.s32 $0x12C80  }
0x55e: {  	[tilespmem:s29], [sflag:$0x2] =	stream.indirect_vreg.gather [hbm4b:s30+s3], $0x80, v9, vm2, $0xb8;
	[tilespmem:$0x18480] =	vst v63  }
0x55f: {  	s29 =	simm.s32 $0x13480  }
0x560: {  	[tilespmem:s29], [sflag:$0x2] =	stream.indirect_vreg.gather [hbm4b:s31+s3], $0x80, v9, vm2, $0xb8;
	[tilespmem:$0x18480] =	vst v63  }
0x561: {  	s11 =	simm.s32 $0x13C80  }
0x562: {  	[tilespmem:s11], [sflag:$0x2] =	stream.indirect_vreg.gather [hbm4b:s1+s3], $0x80, v9, vm2, $0xb8;
	[tilespmem:$0x18480] =	vst v63  }
0x563: {  	v9 =	vld [tilespmem:$0x350];
	_ =	sdelay $0x4  }
0x564: {  	v10 =	vshll.u32 v9, $0x3  }
0x565: {  	v9 =	vand.u32 $0x7, v9;
	v10 =	vand.u32 $0xFFFFFFC0, v10  }
0x566: {  	v9 =	vor.u32 v9, v10  }
0x567: {  	v10 =	vperm.xlane v9, v6;
	_ =	sdelay $0x1  }
0x568: {  	v10 =	vadd.s32 v7, v10;
	_ =	sdelay $0x3  }
0x569: {  	s11 =	simm.s32 $0x14480  }
0x56a: {  	[tilespmem:s11], [sflag:$0x2] =	stream.indirect_vreg.gather [hbm4b:s2+s3], $0x80, v10, vm2, $0xb8;
	[tilespmem:$0x18480] =	vst v63  }
0x56b: {  	v9 =	vperm.xlane v9, v8;
	s11 =	simm.s32 $0x14C80  }
0x56c: {  	[tilespmem:s11], [sflag:$0x2] =	stream.indirect_vreg.gather [hbm4b:s30+s3], $0x80, v10, vm2, $0xb8;
	[tilespmem:$0x18480] =	vst v63  }
0x56d: {  	v9 =	vadd.s32 v7, v9;
	s11 =	simm.s32 $0x15480  }
0x56e: {  	[tilespmem:s11], [sflag:$0x2] =	stream.indirect_vreg.gather [hbm4b:s31+s3], $0x80, v10, vm2, $0xb8;
	[tilespmem:$0x18480] =	vst v63  }
0x56f: {  	s11 =	simm.s32 $0x15C80  }
0x570: {  	[tilespmem:s11], [sflag:$0x2] =	stream.indirect_vreg.gather [hbm4b:s1+s3], $0x80, v10, vm2, $0xb8;
	[tilespmem:$0x18480] =	vst v63  }
0x571: {  	s11 =	simm.s32 $0x16480  }
0x572: {  	[tilespmem:s11], [sflag:$0x2] =	stream.indirect_vreg.gather [hbm4b:s2+s3], $0x80, v9, vm2, $0xb8;
	[tilespmem:$0x18480] =	vst v63  }
0x573: {  	s11 =	simm.s32 $0x16C80  }
0x574: {  	[tilespmem:s11], [sflag:$0x2] =	stream.indirect_vreg.gather [hbm4b:s30+s3], $0x80, v9, vm2, $0xb8;
	[tilespmem:$0x18480] =	vst v63  }
0x575: {  	s11 =	simm.s32 $0x17480  }
0x576: {  	[tilespmem:s11], [sflag:$0x2] =	stream.indirect_vreg.gather [hbm4b:s31+s3], $0x80, v9, vm2, $0xb8;
	[tilespmem:$0x18480] =	vst v63  }
0x577: {  	s11 =	simm.s32 $0x17C80  }
0x578: {  	[tilespmem:s11], [sflag:$0x2] =	stream.indirect_vreg.gather [hbm4b:s1+s3], $0x80, v9, vm2, $0xb8;
	[tilespmem:$0x18480] =	vst v63  }
0x579: {  	_ =	swait.ge [sflag:s5], $0xC000  }
0x57a: {  	[sflag:s5] =	ssyncset.done $0x0  }
0x57b: {  	s11 =	rddreg [dreg:$0x13];
	[sflag:s5] =	ssyncadd.s32 $0xFFFF4000  }
0x57c: {  	[hbm4b:s11+s3] =	stream.linear.scatter [tilespmem:s24], [sflag:$0x3], $0xC000, $0x38;
	[tilespmem:$0x18480] =	vst v63  }
0x57d: {  	_ =	swait.ge [sflag:s22], $0xC000  }
0x57e: {  	[sflag:s22] =	ssyncset.done $0x0  }
0x57f: {  	[sflag:s22] =	ssyncadd.s32 $0xFFFF4000  }
0x580: {  	v9 =	vld [tilespmem:$0x360];
	_ =	sdelay $0x4  }
0x581: {  	v10 =	vshll.u32 v9, $0x3  }
0x582: {  	v9 =	vand.u32 $0x7, v9;
	v10 =	vand.u32 $0xFFFFFFC0, v10  }
0x583: {  	v9 =	vor.u32 v9, v10  }
0x584: {  	v10 =	vperm.xlane v9, v6;
	_ =	sdelay $0x1  }
0x585: {  	v10 =	vadd.s32 v7, v10;
	_ =	sdelay $0x4  }
0x586: {  	[tilespmem:s24], [sflag:$0x1] =	stream.indirect_vreg.gather [hbm4b:s2+s3], $0x80, v10, vm2, $0xb8;
	[tilespmem:$0x18480] =	vst v63  }
0x587: {  	s11 =	simm.s32 $0xC80;
	v9 =	vperm.xlane v9, v8  }
0x588: {  	[tilespmem:s11], [sflag:$0x1] =	stream.indirect_vreg.gather [hbm4b:s30+s3], $0x80, v10, vm2, $0xb8;
	[tilespmem:$0x18480] =	vst v63  }
0x589: {  	v9 =	vadd.s32 v7, v9;
	s11 =	simm.s32 $0x1480  }
0x58a: {  	[tilespmem:s11], [sflag:$0x1] =	stream.indirect_vreg.gather [hbm4b:s31+s3], $0x80, v10, vm2, $0xb8;
	[tilespmem:$0x18480] =	vst v63  }
0x58b: {  	s11 =	simm.s32 $0x1C80  }
0x58c: {  	[tilespmem:s11], [sflag:$0x1] =	stream.indirect_vreg.gather [hbm4b:s1+s3], $0x80, v10, vm2, $0xb8;
	[tilespmem:$0x18480] =	vst v63  }
0x58d: {  	s11 =	simm.s32 $0x2480  }
0x58e: {  	[tilespmem:s11], [sflag:$0x1] =	stream.indirect_vreg.gather [hbm4b:s2+s3], $0x80, v9, vm2, $0xb8;
	[tilespmem:$0x18480] =	vst v63  }
0x58f: {  	s11 =	simm.s32 $0x2C80  }
0x590: {  	[tilespmem:s11], [sflag:$0x1] =	stream.indirect_vreg.gather [hbm4b:s30+s3], $0x80, v9, vm2, $0xb8;
	[tilespmem:$0x18480] =	vst v63  }
0x591: {  	s11 =	simm.s32 $0x3480  }
0x592: {  	[tilespmem:s11], [sflag:$0x1] =	stream.indirect_vreg.gather [hbm4b:s31+s3], $0x80, v9, vm2, $0xb8;
	[tilespmem:$0x18480] =	vst v63  }
0x593: {  	s11 =	simm.s32 $0x3C80  }
0x594: {  	[tilespmem:s11], [sflag:$0x1] =	stream.indirect_vreg.gather [hbm4b:s1+s3], $0x80, v9, vm2, $0xb8;
	[tilespmem:$0x18480] =	vst v63  }
0x595: {  	v9 =	vld [tilespmem:$0x370];
	_ =	sdelay $0x4  }
0x596: {  	v10 =	vshll.u32 v9, $0x3  }
0x597: {  	v9 =	vand.u32 $0x7, v9;
	v10 =	vand.u32 $0xFFFFFFC0, v10  }
0x598: {  	v9 =	vor.u32 v9, v10  }
0x599: {  	v10 =	vperm.xlane v9, v6;
	_ =	sdelay $0x1  }
0x59a: {  	v10 =	vadd.s32 v7, v10;
	_ =	sdelay $0x3  }
0x59b: {  	s11 =	simm.s32 $0x4480  }
0x59c: {  	[tilespmem:s11], [sflag:$0x1] =	stream.indirect_vreg.gather [hbm4b:s2+s3], $0x80, v10, vm2, $0xb8;
	[tilespmem:$0x18480] =	vst v63  }
0x59d: {  	v9 =	vperm.xlane v9, v8;
	s11 =	simm.s32 $0x4C80  }
0x59e: {  	[tilespmem:s11], [sflag:$0x1] =	stream.indirect_vreg.gather [hbm4b:s30+s3], $0x80, v10, vm2, $0xb8;
	[tilespmem:$0x18480] =	vst v63  }
0x59f: {  	v9 =	vadd.s32 v7, v9;
	s11 =	simm.s32 $0x5480  }
0x5a0: {  	[tilespmem:s11], [sflag:$0x1] =	stream.indirect_vreg.gather [hbm4b:s31+s3], $0x80, v10, vm2, $0xb8;
	[tilespmem:$0x18480] =	vst v63  }
0x5a1: {  	s13 =	simm.s32 $0x5C80  }
0x5a2: {  	[tilespmem:s13], [sflag:$0x1] =	stream.indirect_vreg.gather [hbm4b:s1+s3], $0x80, v10, vm2, $0xb8;
	[tilespmem:$0x18480] =	vst v63  }
0x5a3: {  	s14 =	simm.s32 $0x6480  }
0x5a4: {  	[tilespmem:s14], [sflag:$0x1] =	stream.indirect_vreg.gather [hbm4b:s2+s3], $0x80, v9, vm2, $0xb8;
	[tilespmem:$0x18480] =	vst v63  }
0x5a5: {  	s15 =	simm.s32 $0x6C80  }
0x5a6: {  	[tilespmem:s15], [sflag:$0x1] =	stream.indirect_vreg.gather [hbm4b:s30+s3], $0x80, v9, vm2, $0xb8;
	[tilespmem:$0x18480] =	vst v63  }
0x5a7: {  	s16 =	simm.s32 $0x7480  }
0x5a8: {  	[tilespmem:s16], [sflag:$0x1] =	stream.indirect_vreg.gather [hbm4b:s31+s3], $0x80, v9, vm2, $0xb8;
	[tilespmem:$0x18480] =	vst v63  }
0x5a9: {  	s14 =	simm.s32 $0x7C80  }
0x5aa: {  	[tilespmem:s14], [sflag:$0x1] =	stream.indirect_vreg.gather [hbm4b:s1+s3], $0x80, v9, vm2, $0xb8;
	[tilespmem:$0x18480] =	vst v63  }
0x5ab: {  	v9 =	vld [tilespmem:$0x380];
	_ =	sdelay $0x4  }
0x5ac: {  	v10 =	vshll.u32 v9, $0x3  }
0x5ad: {  	v9 =	vand.u32 $0x7, v9;
	v10 =	vand.u32 $0xFFFFFFC0, v10  }
0x5ae: {  	v9 =	vor.u32 v9, v10  }
0x5af: {  	v10 =	vperm.xlane v9, v6;
	_ =	sdelay $0x1  }
0x5b0: {  	v10 =	vadd.s32 v7, v10;
	_ =	sdelay $0x3  }
0x5b1: {  	s15 =	simm.s32 $0x8480  }
0x5b2: {  	[tilespmem:s15], [sflag:$0x1] =	stream.indirect_vreg.gather [hbm4b:s2+s3], $0x80, v10, vm2, $0xb8;
	[tilespmem:$0x18480] =	vst v63  }
0x5b3: {  	s16 =	simm.s32 $0x8C80;
	v9 =	vperm.xlane v9, v8  }
0x5b4: {  	[tilespmem:s16], [sflag:$0x1] =	stream.indirect_vreg.gather [hbm4b:s30+s3], $0x80, v10, vm2, $0xb8;
	[tilespmem:$0x18480] =	vst v63  }
0x5b5: {  	s17 =	simm.s32 $0x9480;
	v9 =	vadd.s32 v7, v9  }
0x5b6: {  	[tilespmem:s17], [sflag:$0x1] =	stream.indirect_vreg.gather [hbm4b:s31+s3], $0x80, v10, vm2, $0xb8;
	[tilespmem:$0x18480] =	vst v63  }
0x5b7: {  	s18 =	simm.s32 $0x9C80  }
0x5b8: {  	[tilespmem:s18], [sflag:$0x1] =	stream.indirect_vreg.gather [hbm4b:s1+s3], $0x80, v10, vm2, $0xb8;
	[tilespmem:$0x18480] =	vst v63  }
0x5b9: {  	s19 =	simm.s32 $0xA480  }
0x5ba: {  	[tilespmem:s19], [sflag:$0x1] =	stream.indirect_vreg.gather [hbm4b:s2+s3], $0x80, v9, vm2, $0xb8;
	[tilespmem:$0x18480] =	vst v63  }
0x5bb: {  	s20 =	simm.s32 $0xAC80  }
0x5bc: {  	[tilespmem:s20], [sflag:$0x1] =	stream.indirect_vreg.gather [hbm4b:s30+s3], $0x80, v9, vm2, $0xb8;
	[tilespmem:$0x18480] =	vst v63  }
0x5bd: {  	s21 =	simm.s32 $0xB480  }
0x5be: {  	[tilespmem:s21], [sflag:$0x1] =	stream.indirect_vreg.gather [hbm4b:s31+s3], $0x80, v9, vm2, $0xb8;
	[tilespmem:$0x18480] =	vst v63  }
0x5bf: {  	s20 =	simm.s32 $0xBC80  }
0x5c0: {  	[tilespmem:s20], [sflag:$0x1] =	stream.indirect_vreg.gather [hbm4b:s1+s3], $0x80, v9, vm2, $0xb8;
	[tilespmem:$0x18480] =	vst v63  }
0x5c1: {  	_ =	swait.ge [sflag:s8], $0xC000  }
0x5c2: {  	[sflag:s8] =	ssyncset.done $0x0  }
0x5c3: {  	s21 =	rddreg [dreg:$0x14];
	[sflag:s8] =	ssyncadd.s32 $0xFFFF4000  }
0x5c4: {  	[hbm4b:s21+s3] =	stream.linear.scatter [tilespmem:s23], [sflag:$0x4], $0xC000, $0x38;
	[tilespmem:$0x18480] =	vst v63  }
0x5c5: {  	_ =	swait.ge [sflag:s9], $0xC000  }
0x5c6: {  	[sflag:s9] =	ssyncset.done $0x0  }
0x5c7: {  	[sflag:s9] =	ssyncadd.s32 $0xFFFF4000  }
0x5c8: {  	v9 =	vld [tilespmem:$0x390];
	_ =	sdelay $0x4  }
0x5c9: {  	v10 =	vshll.u32 v9, $0x3  }
0x5ca: {  	v9 =	vand.u32 $0x7, v9;
	v10 =	vand.u32 $0xFFFFFFC0, v10  }
0x5cb: {  	v9 =	vor.u32 v9, v10  }
0x5cc: {  	v10 =	vperm.xlane v9, v6;
	_ =	sdelay $0x1  }
0x5cd: {  	v10 =	vadd.s32 v7, v10;
	_ =	sdelay $0x4  }
0x5ce: {  	[tilespmem:s23], [sflag:$0x2] =	stream.indirect_vreg.gather [hbm4b:s2+s3], $0x80, v10, vm2, $0xb8;
	[tilespmem:$0x18480] =	vst v63  }
0x5cf: {  	s13 =	simm.s32 $0xCC80;
	v9 =	vperm.xlane v9, v8  }
0x5d0: {  	[tilespmem:s13], [sflag:$0x2] =	stream.indirect_vreg.gather [hbm4b:s30+s3], $0x80, v10, vm2, $0xb8;
	[tilespmem:$0x18480] =	vst v63  }
0x5d1: {  	s25 =	simm.s32 $0xD480;
	v9 =	vadd.s32 v7, v9  }
0x5d2: {  	[tilespmem:s25], [sflag:$0x2] =	stream.indirect_vreg.gather [hbm4b:s31+s3], $0x80, v10, vm2, $0xb8;
	[tilespmem:$0x18480] =	vst v63  }
0x5d3: {  	s26 =	simm.s32 $0xDC80  }
0x5d4: {  	[tilespmem:s26], [sflag:$0x2] =	stream.indirect_vreg.gather [hbm4b:s1+s3], $0x80, v10, vm2, $0xb8;
	[tilespmem:$0x18480] =	vst v63  }
0x5d5: {  	s12 =	simm.s32 $0xE480  }
0x5d6: {  	[tilespmem:s12], [sflag:$0x2] =	stream.indirect_vreg.gather [hbm4b:s2+s3], $0x80, v9, vm2, $0xb8;
	[tilespmem:$0x18480] =	vst v63  }
0x5d7: {  	s0 =	simm.s32 $0xEC80  }
0x5d8: {  	[tilespmem:s0], [sflag:$0x2] =	stream.indirect_vreg.gather [hbm4b:s30+s3], $0x80, v9, vm2, $0xb8;
	[tilespmem:$0x18480] =	vst v63  }
0x5d9: {  	s4 =	simm.s32 $0xF480  }
0x5da: {  	[tilespmem:s4], [sflag:$0x2] =	stream.indirect_vreg.gather [hbm4b:s31+s3], $0x80, v9, vm2, $0xb8;
	[tilespmem:$0x18480] =	vst v63  }
0x5db: {  	s14 =	simm.s32 $0xFC80  }
0x5dc: {  	[tilespmem:s14], [sflag:$0x2] =	stream.indirect_vreg.gather [hbm4b:s1+s3], $0x80, v9, vm2, $0xb8;
	[tilespmem:$0x18480] =	vst v63  }
0x5dd: {  	v9 =	vld [tilespmem:$0x3A0];
	_ =	sdelay $0x4  }
0x5de: {  	v10 =	vshll.u32 v9, $0x3  }
0x5df: {  	v9 =	vand.u32 $0x7, v9;
	v10 =	vand.u32 $0xFFFFFFC0, v10  }
0x5e0: {  	v9 =	vor.u32 v9, v10  }
0x5e1: {  	v10 =	vperm.xlane v9, v6;
	_ =	sdelay $0x1  }
0x5e2: {  	v10 =	vadd.s32 v7, v10;
	_ =	sdelay $0x3  }
0x5e3: {  	s15 =	simm.s32 $0x10480  }
0x5e4: {  	[tilespmem:s15], [sflag:$0x2] =	stream.indirect_vreg.gather [hbm4b:s2+s3], $0x80, v10, vm2, $0xb8;
	[tilespmem:$0x18480] =	vst v63  }
0x5e5: {  	s16 =	simm.s32 $0x10C80;
	v9 =	vperm.xlane v9, v8  }
0x5e6: {  	[tilespmem:s16], [sflag:$0x2] =	stream.indirect_vreg.gather [hbm4b:s30+s3], $0x80, v10, vm2, $0xb8;
	[tilespmem:$0x18480] =	vst v63  }
0x5e7: {  	s6 =	simm.s32 $0x11480;
	v9 =	vadd.s32 v7, v9  }
0x5e8: {  	[tilespmem:s6], [sflag:$0x2] =	stream.indirect_vreg.gather [hbm4b:s31+s3], $0x80, v10, vm2, $0xb8;
	[tilespmem:$0x18480] =	vst v63  }
0x5e9: {  	s7 =	simm.s32 $0x11C80  }
0x5ea: {  	[tilespmem:s7], [sflag:$0x2] =	stream.indirect_vreg.gather [hbm4b:s1+s3], $0x80, v10, vm2, $0xb8;
	[tilespmem:$0x18480] =	vst v63  }
0x5eb: {  	s10 =	simm.s32 $0x12480  }
0x5ec: {  	[tilespmem:s10], [sflag:$0x2] =	stream.indirect_vreg.gather [hbm4b:s2+s3], $0x80, v9, vm2, $0xb8;
	[tilespmem:$0x18480] =	vst v63  }
0x5ed: {  	s28 =	simm.s32 $0x12C80  }
0x5ee: {  	[tilespmem:s28], [sflag:$0x2] =	stream.indirect_vreg.gather [hbm4b:s30+s3], $0x80, v9, vm2, $0xb8;
	[tilespmem:$0x18480] =	vst v63  }
0x5ef: {  	s29 =	simm.s32 $0x13480  }
0x5f0: {  	[tilespmem:s29], [sflag:$0x2] =	stream.indirect_vreg.gather [hbm4b:s31+s3], $0x80, v9, vm2, $0xb8;
	[tilespmem:$0x18480] =	vst v63  }
0x5f1: {  	s17 =	simm.s32 $0x13C80  }
0x5f2: {  	[tilespmem:s17], [sflag:$0x2] =	stream.indirect_vreg.gather [hbm4b:s1+s3], $0x80, v9, vm2, $0xb8;
	[tilespmem:$0x18480] =	vst v63  }
0x5f3: {  	v9 =	vld [tilespmem:$0x3B0];
	_ =	sdelay $0x4  }
0x5f4: {  	v10 =	vshll.u32 v9, $0x3  }
0x5f5: {  	v9 =	vand.u32 $0x7, v9;
	v10 =	vand.u32 $0xFFFFFFC0, v10  }
0x5f6: {  	v9 =	vor.u32 v9, v10  }
0x5f7: {  	v10 =	vperm.xlane v9, v6;
	_ =	sdelay $0x1  }
0x5f8: {  	v10 =	vadd.s32 v7, v10;
	_ =	sdelay $0x3  }
0x5f9: {  	s18 =	simm.s32 $0x14480  }
0x5fa: {  	[tilespmem:s18], [sflag:$0x2] =	stream.indirect_vreg.gather [hbm4b:s2+s3], $0x80, v10, vm2, $0xb8;
	[tilespmem:$0x18480] =	vst v63  }
0x5fb: {  	s19 =	simm.s32 $0x14C80;
	v9 =	vperm.xlane v9, v8  }
0x5fc: {  	[tilespmem:s19], [sflag:$0x2] =	stream.indirect_vreg.gather [hbm4b:s30+s3], $0x80, v10, vm2, $0xb8;
	[tilespmem:$0x18480] =	vst v63  }
0x5fd: {  	s20 =	simm.s32 $0x15480;
	v9 =	vadd.s32 v7, v9  }
0x5fe: {  	[tilespmem:s20], [sflag:$0x2] =	stream.indirect_vreg.gather [hbm4b:s31+s3], $0x80, v10, vm2, $0xb8;
	[tilespmem:$0x18480] =	vst v63  }
0x5ff: {  	s21 =	simm.s32 $0x15C80  }
0x600: {  	[tilespmem:s21], [sflag:$0x2] =	stream.indirect_vreg.gather [hbm4b:s1+s3], $0x80, v10, vm2, $0xb8;
	[tilespmem:$0x18480] =	vst v63  }
0x601: {  	s25 =	simm.s32 $0x16480  }
0x602: {  	[tilespmem:s25], [sflag:$0x2] =	stream.indirect_vreg.gather [hbm4b:s2+s3], $0x80, v9, vm2, $0xb8;
	[tilespmem:$0x18480] =	vst v63  }
0x603: {  	s26 =	simm.s32 $0x16C80  }
0x604: {  	[tilespmem:s26], [sflag:$0x2] =	stream.indirect_vreg.gather [hbm4b:s30+s3], $0x80, v9, vm2, $0xb8;
	[tilespmem:$0x18480] =	vst v63  }
0x605: {  	s28 =	simm.s32 $0x17480  }
0x606: {  	[tilespmem:s28], [sflag:$0x2] =	stream.indirect_vreg.gather [hbm4b:s31+s3], $0x80, v9, vm2, $0xb8;
	[tilespmem:$0x18480] =	vst v63  }
0x607: {  	s29 =	simm.s32 $0x17C80  }
0x608: {  	[tilespmem:s29], [sflag:$0x2] =	stream.indirect_vreg.gather [hbm4b:s1+s3], $0x80, v9, vm2, $0xb8;
	[tilespmem:$0x18480] =	vst v63  }
0x609: {  	_ =	swait.ge [sflag:s5], $0xC000  }
0x60a: {  	[sflag:s5] =	ssyncset.done $0x0  }
0x60b: {  	s4 =	rddreg [dreg:$0x15];
	[sflag:s5] =	ssyncadd.s32 $0xFFFF4000  }
0x60c: {  	[hbm4b:s4+s3] =	stream.linear.scatter [tilespmem:s24], [sflag:$0x3], $0xC000, $0x38;
	[tilespmem:$0x18480] =	vst v63  }
0x60d: {  	_ =	swait.ge [sflag:s22], $0xC000  }
0x60e: {  	[sflag:s22] =	ssyncset.done $0x0  }
0x60f: {  	[sflag:s22] =	ssyncadd.s32 $0xFFFF4000  }
0x610: {  	v9 =	vld [tilespmem:$0x3C0];
	_ =	sdelay $0x4  }
0x611: {  	v10 =	vshll.u32 v9, $0x3  }
0x612: {  	v9 =	vand.u32 $0x7, v9;
	v10 =	vand.u32 $0xFFFFFFC0, v10  }
0x613: {  	v9 =	vor.u32 v9, v10  }
0x614: {  	v10 =	vperm.xlane v9, v6;
	_ =	sdelay $0x1  }
0x615: {  	v10 =	vadd.s32 v7, v10;
	_ =	sdelay $0x4  }
0x616: {  	[tilespmem:s24], [sflag:$0x1] =	stream.indirect_vreg.gather [hbm4b:s2+s3], $0x80, v10, vm2, $0xb8;
	[tilespmem:$0x18480] =	vst v63  }
0x617: {  	s6 =	simm.s32 $0xC80;
	v9 =	vperm.xlane v9, v8  }
0x618: {  	[tilespmem:s6], [sflag:$0x1] =	stream.indirect_vreg.gather [hbm4b:s30+s3], $0x80, v10, vm2, $0xb8;
	[tilespmem:$0x18480] =	vst v63  }
0x619: {  	s7 =	simm.s32 $0x1480;
	v9 =	vadd.s32 v7, v9  }
0x61a: {  	[tilespmem:s7], [sflag:$0x1] =	stream.indirect_vreg.gather [hbm4b:s31+s3], $0x80, v10, vm2, $0xb8;
	[tilespmem:$0x18480] =	vst v63  }
0x61b: {  	s10 =	simm.s32 $0x1C80  }
0x61c: {  	[tilespmem:s10], [sflag:$0x1] =	stream.indirect_vreg.gather [hbm4b:s1+s3], $0x80, v10, vm2, $0xb8;
	[tilespmem:$0x18480] =	vst v63  }
0x61d: {  	s11 =	simm.s32 $0x2480  }
0x61e: {  	[tilespmem:s11], [sflag:$0x1] =	stream.indirect_vreg.gather [hbm4b:s2+s3], $0x80, v9, vm2, $0xb8;
	[tilespmem:$0x18480] =	vst v63  }
0x61f: {  	s12 =	simm.s32 $0x2C80  }
0x620: {  	[tilespmem:s12], [sflag:$0x1] =	stream.indirect_vreg.gather [hbm4b:s30+s3], $0x80, v9, vm2, $0xb8;
	[tilespmem:$0x18480] =	vst v63  }
0x621: {  	s14 =	simm.s32 $0x3480  }
0x622: {  	[tilespmem:s14], [sflag:$0x1] =	stream.indirect_vreg.gather [hbm4b:s31+s3], $0x80, v9, vm2, $0xb8;
	[tilespmem:$0x18480] =	vst v63  }
0x623: {  	s15 =	simm.s32 $0x3C80  }
0x624: {  	[tilespmem:s15], [sflag:$0x1] =	stream.indirect_vreg.gather [hbm4b:s1+s3], $0x80, v9, vm2, $0xb8;
	[tilespmem:$0x18480] =	vst v63  }
0x625: {  	v9 =	vld [tilespmem:$0x3D0];
	_ =	sdelay $0x4  }
0x626: {  	v10 =	vshll.u32 v9, $0x3  }
0x627: {  	v9 =	vand.u32 $0x7, v9;
	v10 =	vand.u32 $0xFFFFFFC0, v10  }
0x628: {  	v9 =	vor.u32 v9, v10  }
0x629: {  	v10 =	vperm.xlane v9, v6;
	_ =	sdelay $0x1  }
0x62a: {  	v10 =	vadd.s32 v7, v10;
	_ =	sdelay $0x3  }
0x62b: {  	s16 =	simm.s32 $0x4480  }
0x62c: {  	[tilespmem:s16], [sflag:$0x1] =	stream.indirect_vreg.gather [hbm4b:s2+s3], $0x80, v10, vm2, $0xb8;
	[tilespmem:$0x18480] =	vst v63  }
0x62d: {  	s17 =	simm.s32 $0x4C80;
	v9 =	vperm.xlane v9, v8  }
0x62e: {  	[tilespmem:s17], [sflag:$0x1] =	stream.indirect_vreg.gather [hbm4b:s30+s3], $0x80, v10, vm2, $0xb8;
	[tilespmem:$0x18480] =	vst v63  }
0x62f: {  	s18 =	simm.s32 $0x5480;
	v9 =	vadd.s32 v7, v9  }
0x630: {  	[tilespmem:s18], [sflag:$0x1] =	stream.indirect_vreg.gather [hbm4b:s31+s3], $0x80, v10, vm2, $0xb8;
	[tilespmem:$0x18480] =	vst v63  }
0x631: {  	s19 =	simm.s32 $0x5C80  }
0x632: {  	[tilespmem:s19], [sflag:$0x1] =	stream.indirect_vreg.gather [hbm4b:s1+s3], $0x80, v10, vm2, $0xb8;
	[tilespmem:$0x18480] =	vst v63  }
0x633: {  	s20 =	simm.s32 $0x6480  }
0x634: {  	[tilespmem:s20], [sflag:$0x1] =	stream.indirect_vreg.gather [hbm4b:s2+s3], $0x80, v9, vm2, $0xb8;
	[tilespmem:$0x18480] =	vst v63  }
0x635: {  	s21 =	simm.s32 $0x6C80  }
0x636: {  	[tilespmem:s21], [sflag:$0x1] =	stream.indirect_vreg.gather [hbm4b:s30+s3], $0x80, v9, vm2, $0xb8;
	[tilespmem:$0x18480] =	vst v63  }
0x637: {  	s25 =	simm.s32 $0x7480  }
0x638: {  	[tilespmem:s25], [sflag:$0x1] =	stream.indirect_vreg.gather [hbm4b:s31+s3], $0x80, v9, vm2, $0xb8;
	[tilespmem:$0x18480] =	vst v63  }
0x639: {  	s26 =	simm.s32 $0x7C80  }
0x63a: {  	[tilespmem:s26], [sflag:$0x1] =	stream.indirect_vreg.gather [hbm4b:s1+s3], $0x80, v9, vm2, $0xb8;
	[tilespmem:$0x18480] =	vst v63  }
0x63b: {  	v9 =	vld [tilespmem:$0x3E0];
	_ =	sdelay $0x4  }
0x63c: {  	v10 =	vshll.u32 v9, $0x3  }
0x63d: {  	v9 =	vand.u32 $0x7, v9;
	v10 =	vand.u32 $0xFFFFFFC0, v10  }
0x63e: {  	v9 =	vor.u32 v9, v10  }
0x63f: {  	v10 =	vperm.xlane v9, v6;
	_ =	sdelay $0x1  }
0x640: {  	v10 =	vadd.s32 v7, v10;
	_ =	sdelay $0x3  }
0x641: {  	s28 =	simm.s32 $0x8480  }
0x642: {  	[tilespmem:s28], [sflag:$0x1] =	stream.indirect_vreg.gather [hbm4b:s2+s3], $0x80, v10, vm2, $0xb8;
	[tilespmem:$0x18480] =	vst v63  }
0x643: {  	s29 =	simm.s32 $0x8C80;
	v9 =	vperm.xlane v9, v8  }
0x644: {  	[tilespmem:s29], [sflag:$0x1] =	stream.indirect_vreg.gather [hbm4b:s30+s3], $0x80, v10, vm2, $0xb8;
	[tilespmem:$0x18480] =	vst v63  }
0x645: {  	s18 =	simm.s32 $0x9480;
	v9 =	vadd.s32 v7, v9  }
0x646: {  	[tilespmem:s18], [sflag:$0x1] =	stream.indirect_vreg.gather [hbm4b:s31+s3], $0x80, v10, vm2, $0xb8;
	[tilespmem:$0x18480] =	vst v63  }
0x647: {  	s19 =	simm.s32 $0x9C80  }
0x648: {  	[tilespmem:s19], [sflag:$0x1] =	stream.indirect_vreg.gather [hbm4b:s1+s3], $0x80, v10, vm2, $0xb8;
	[tilespmem:$0x18480] =	vst v63  }
0x649: {  	s20 =	simm.s32 $0xA480  }
0x64a: {  	[tilespmem:s20], [sflag:$0x1] =	stream.indirect_vreg.gather [hbm4b:s2+s3], $0x80, v9, vm2, $0xb8;
	[tilespmem:$0x18480] =	vst v63  }
0x64b: {  	s21 =	simm.s32 $0xAC80  }
0x64c: {  	[tilespmem:s21], [sflag:$0x1] =	stream.indirect_vreg.gather [hbm4b:s30+s3], $0x80, v9, vm2, $0xb8;
	[tilespmem:$0x18480] =	vst v63  }
0x64d: {  	s25 =	simm.s32 $0xB480  }
0x64e: {  	[tilespmem:s25], [sflag:$0x1] =	stream.indirect_vreg.gather [hbm4b:s31+s3], $0x80, v9, vm2, $0xb8;
	[tilespmem:$0x18480] =	vst v63  }
0x64f: {  	s26 =	simm.s32 $0xBC80  }
0x650: {  	[tilespmem:s26], [sflag:$0x1] =	stream.indirect_vreg.gather [hbm4b:s1+s3], $0x80, v9, vm2, $0xb8;
	[tilespmem:$0x18480] =	vst v63  }
0x651: {  	_ =	swait.ge [sflag:s8], $0xC000  }
0x652: {  	[sflag:s8] =	ssyncset.done $0x0  }
0x653: {  	s28 =	rddreg [dreg:$0x17];
	[sflag:s8] =	ssyncadd.s32 $0xFFFF4000  }
0x654: {  	[hbm4b:s28+s3] =	stream.linear.scatter [tilespmem:s23], [sflag:$0x4], $0xC000, $0x38;
	[tilespmem:$0x18480] =	vst v63  }
0x655: {  	_ =	swait.ge [sflag:s9], $0xC000  }
0x656: {  	[sflag:s9] =	ssyncset.done $0x0  }
0x657: {  	[sflag:s9] =	ssyncadd.s32 $0xFFFF4000  }
0x658: {  	v9 =	vld [tilespmem:$0x3F0];
	_ =	sdelay $0x4  }
0x659: {  	v10 =	vshll.u32 v9, $0x3  }
0x65a: {  	v9 =	vand.u32 $0x7, v9;
	v10 =	vand.u32 $0xFFFFFFC0, v10  }
0x65b: {  	v9 =	vor.u32 v9, v10  }
0x65c: {  	v10 =	vperm.xlane v9, v6;
	_ =	sdelay $0x1  }
0x65d: {  	v10 =	vadd.s32 v7, v10;
	_ =	sdelay $0x4  }
0x65e: {  	[tilespmem:s23], [sflag:$0x2] =	stream.indirect_vreg.gather [hbm4b:s2+s3], $0x80, v10, vm2, $0xb8;
	[tilespmem:$0x18480] =	vst v63  }
0x65f: {  	s29 =	simm.s32 $0xCC80;
	v9 =	vperm.xlane v9, v8  }
0x660: {  	[tilespmem:s29], [sflag:$0x2] =	stream.indirect_vreg.gather [hbm4b:s30+s3], $0x80, v10, vm2, $0xb8;
	[tilespmem:$0x18480] =	vst v63  }
0x661: {  	s26 =	simm.s32 $0xD480;
	v9 =	vadd.s32 v7, v9  }
0x662: {  	[tilespmem:s26], [sflag:$0x2] =	stream.indirect_vreg.gather [hbm4b:s31+s3], $0x80, v10, vm2, $0xb8;
	[tilespmem:$0x18480] =	vst v63  }
0x663: {  	s28 =	simm.s32 $0xDC80  }
0x664: {  	[tilespmem:s28], [sflag:$0x2] =	stream.indirect_vreg.gather [hbm4b:s1+s3], $0x80, v10, vm2, $0xb8;
	[tilespmem:$0x18480] =	vst v63  }
0x665: {  	s13 =	simm.s32 $0xE480  }
0x666: {  	[tilespmem:s13], [sflag:$0x2] =	stream.indirect_vreg.gather [hbm4b:s2+s3], $0x80, v9, vm2, $0xb8;
	[tilespmem:$0x18480] =	vst v63  }
0x667: {  	s29 =	simm.s32 $0xEC80  }
0x668: {  	[tilespmem:s29], [sflag:$0x2] =	stream.indirect_vreg.gather [hbm4b:s30+s3], $0x80, v9, vm2, $0xb8;
	[tilespmem:$0x18480] =	vst v63  }
0x669: {  	s11 =	simm.s32 $0xF480  }
0x66a: {  	[tilespmem:s11], [sflag:$0x2] =	stream.indirect_vreg.gather [hbm4b:s31+s3], $0x80, v9, vm2, $0xb8;
	[tilespmem:$0x18480] =	vst v63  }
0x66b: {  	s11 =	simm.s32 $0xFC80  }
0x66c: {  	[tilespmem:s11], [sflag:$0x2] =	stream.indirect_vreg.gather [hbm4b:s1+s3], $0x80, v9, vm2, $0xb8;
	[tilespmem:$0x18480] =	vst v63  }
0x66d: {  	v9 =	vld [tilespmem:$0x400];
	_ =	sdelay $0x4  }
0x66e: {  	v10 =	vshll.u32 v9, $0x3  }
0x66f: {  	v9 =	vand.u32 $0x7, v9;
	v10 =	vand.u32 $0xFFFFFFC0, v10  }
0x670: {  	v9 =	vor.u32 v9, v10  }
0x671: {  	v10 =	vperm.xlane v9, v6;
	_ =	sdelay $0x1  }
0x672: {  	v10 =	vadd.s32 v7, v10;
	_ =	sdelay $0x3  }
0x673: {  	s11 =	simm.s32 $0x10480  }
0x674: {  	[tilespmem:s11], [sflag:$0x2] =	stream.indirect_vreg.gather [hbm4b:s2+s3], $0x80, v10, vm2, $0xb8;
	[tilespmem:$0x18480] =	vst v63  }
0x675: {  	v9 =	vperm.xlane v9, v8;
	s11 =	simm.s32 $0x10C80  }
0x676: {  	[tilespmem:s11], [sflag:$0x2] =	stream.indirect_vreg.gather [hbm4b:s30+s3], $0x80, v10, vm2, $0xb8;
	[tilespmem:$0x18480] =	vst v63  }
0x677: {  	v9 =	vadd.s32 v7, v9;
	s11 =	simm.s32 $0x11480  }
0x678: {  	[tilespmem:s11], [sflag:$0x2] =	stream.indirect_vreg.gather [hbm4b:s31+s3], $0x80, v10, vm2, $0xb8;
	[tilespmem:$0x18480] =	vst v63  }
0x679: {  	s11 =	simm.s32 $0x11C80  }
0x67a: {  	[tilespmem:s11], [sflag:$0x2] =	stream.indirect_vreg.gather [hbm4b:s1+s3], $0x80, v10, vm2, $0xb8;
	[tilespmem:$0x18480] =	vst v63  }
0x67b: {  	s11 =	simm.s32 $0x12480  }
0x67c: {  	[tilespmem:s11], [sflag:$0x2] =	stream.indirect_vreg.gather [hbm4b:s2+s3], $0x80, v9, vm2, $0xb8;
	[tilespmem:$0x18480] =	vst v63  }
0x67d: {  	s11 =	simm.s32 $0x12C80  }
0x67e: {  	[tilespmem:s11], [sflag:$0x2] =	stream.indirect_vreg.gather [hbm4b:s30+s3], $0x80, v9, vm2, $0xb8;
	[tilespmem:$0x18480] =	vst v63  }
0x67f: {  	s11 =	simm.s32 $0x13480  }
0x680: {  	[tilespmem:s11], [sflag:$0x2] =	stream.indirect_vreg.gather [hbm4b:s31+s3], $0x80, v9, vm2, $0xb8;
	[tilespmem:$0x18480] =	vst v63  }
0x681: {  	s11 =	simm.s32 $0x13C80  }
0x682: {  	[tilespmem:s11], [sflag:$0x2] =	stream.indirect_vreg.gather [hbm4b:s1+s3], $0x80, v9, vm2, $0xb8;
	[tilespmem:$0x18480] =	vst v63  }
0x683: {  	v9 =	vld [tilespmem:$0x410];
	_ =	sdelay $0x4  }
0x684: {  	v10 =	vshll.u32 v9, $0x3  }
0x685: {  	v9 =	vand.u32 $0x7, v9;
	v10 =	vand.u32 $0xFFFFFFC0, v10  }
0x686: {  	v9 =	vor.u32 v9, v10  }
0x687: {  	v10 =	vperm.xlane v9, v6;
	_ =	sdelay $0x1  }
0x688: {  	v10 =	vadd.s32 v7, v10;
	_ =	sdelay $0x3  }
0x689: {  	s11 =	simm.s32 $0x14480  }
0x68a: {  	[tilespmem:s11], [sflag:$0x2] =	stream.indirect_vreg.gather [hbm4b:s2+s3], $0x80, v10, vm2, $0xb8;
	[tilespmem:$0x18480] =	vst v63  }
0x68b: {  	v9 =	vperm.xlane v9, v8;
	s11 =	simm.s32 $0x14C80  }
0x68c: {  	[tilespmem:s11], [sflag:$0x2] =	stream.indirect_vreg.gather [hbm4b:s30+s3], $0x80, v10, vm2, $0xb8;
	[tilespmem:$0x18480] =	vst v63  }
0x68d: {  	v9 =	vadd.s32 v7, v9;
	s11 =	simm.s32 $0x15480  }
0x68e: {  	[tilespmem:s11], [sflag:$0x2] =	stream.indirect_vreg.gather [hbm4b:s31+s3], $0x80, v10, vm2, $0xb8;
	[tilespmem:$0x18480] =	vst v63  }
0x68f: {  	s11 =	simm.s32 $0x15C80  }
0x690: {  	[tilespmem:s11], [sflag:$0x2] =	stream.indirect_vreg.gather [hbm4b:s1+s3], $0x80, v10, vm2, $0xb8;
	[tilespmem:$0x18480] =	vst v63  }
0x691: {  	s11 =	simm.s32 $0x16480  }
0x692: {  	[tilespmem:s11], [sflag:$0x2] =	stream.indirect_vreg.gather [hbm4b:s2+s3], $0x80, v9, vm2, $0xb8;
	[tilespmem:$0x18480] =	vst v63  }
0x693: {  	s11 =	simm.s32 $0x16C80  }
0x694: {  	[tilespmem:s11], [sflag:$0x2] =	stream.indirect_vreg.gather [hbm4b:s30+s3], $0x80, v9, vm2, $0xb8;
	[tilespmem:$0x18480] =	vst v63  }
0x695: {  	s11 =	simm.s32 $0x17480  }
0x696: {  	[tilespmem:s11], [sflag:$0x2] =	stream.indirect_vreg.gather [hbm4b:s31+s3], $0x80, v9, vm2, $0xb8;
	[tilespmem:$0x18480] =	vst v63  }
0x697: {  	s11 =	simm.s32 $0x17C80  }
0x698: {  	[tilespmem:s11], [sflag:$0x2] =	stream.indirect_vreg.gather [hbm4b:s1+s3], $0x80, v9, vm2, $0xb8;
	[tilespmem:$0x18480] =	vst v63  }
0x699: {  	_ =	swait.ge [sflag:s5], $0xC000  }
0x69a: {  	[sflag:s5] =	ssyncset.done $0x0  }
0x69b: {  	s11 =	rddreg [dreg:$0x18];
	[sflag:s5] =	ssyncadd.s32 $0xFFFF4000  }
0x69c: {  	[hbm4b:s11+s3] =	stream.linear.scatter [tilespmem:s24], [sflag:$0x3], $0xC000, $0x38;
	[tilespmem:$0x18480] =	vst v63  }
0x69d: {  	_ =	swait.ge [sflag:s22], $0xC000  }
0x69e: {  	[sflag:s22] =	ssyncset.done $0x0  }
0x69f: {  	[sflag:s22] =	ssyncadd.s32 $0xFFFF4000  }
0x6a0: {  	v9 =	vld [tilespmem:$0x420];
	_ =	sdelay $0x4  }
0x6a1: {  	v10 =	vshll.u32 v9, $0x3  }
0x6a2: {  	v9 =	vand.u32 $0x7, v9;
	v10 =	vand.u32 $0xFFFFFFC0, v10  }
0x6a3: {  	v9 =	vor.u32 v9, v10  }
0x6a4: {  	v10 =	vperm.xlane v9, v6;
	_ =	sdelay $0x1  }
0x6a5: {  	v10 =	vadd.s32 v7, v10;
	_ =	sdelay $0x4  }
0x6a6: {  	[tilespmem:s24], [sflag:$0x1] =	stream.indirect_vreg.gather [hbm4b:s2+s3], $0x80, v10, vm2, $0xb8;
	[tilespmem:$0x18480] =	vst v63  }
0x6a7: {  	s11 =	simm.s32 $0xC80;
	v9 =	vperm.xlane v9, v8  }
0x6a8: {  	[tilespmem:s11], [sflag:$0x1] =	stream.indirect_vreg.gather [hbm4b:s30+s3], $0x80, v10, vm2, $0xb8;
	[tilespmem:$0x18480] =	vst v63  }
0x6a9: {  	s0 =	simm.s32 $0x1480;
	v9 =	vadd.s32 v7, v9  }
0x6aa: {  	[tilespmem:s0], [sflag:$0x1] =	stream.indirect_vreg.gather [hbm4b:s31+s3], $0x80, v10, vm2, $0xb8;
	[tilespmem:$0x18480] =	vst v63  }
0x6ab: {  	s4 =	simm.s32 $0x1C80  }
0x6ac: {  	[tilespmem:s4], [sflag:$0x1] =	stream.indirect_vreg.gather [hbm4b:s1+s3], $0x80, v10, vm2, $0xb8;
	[tilespmem:$0x18480] =	vst v63  }
0x6ad: {  	s6 =	simm.s32 $0x2480  }
0x6ae: {  	[tilespmem:s6], [sflag:$0x1] =	stream.indirect_vreg.gather [hbm4b:s2+s3], $0x80, v9, vm2, $0xb8;
	[tilespmem:$0x18480] =	vst v63  }
0x6af: {  	s7 =	simm.s32 $0x2C80  }
0x6b0: {  	[tilespmem:s7], [sflag:$0x1] =	stream.indirect_vreg.gather [hbm4b:s30+s3], $0x80, v9, vm2, $0xb8;
	[tilespmem:$0x18480] =	vst v63  }
0x6b1: {  	s10 =	simm.s32 $0x3480  }
0x6b2: {  	[tilespmem:s10], [sflag:$0x1] =	stream.indirect_vreg.gather [hbm4b:s31+s3], $0x80, v9, vm2, $0xb8;
	[tilespmem:$0x18480] =	vst v63  }
0x6b3: {  	s7 =	simm.s32 $0x3C80  }
0x6b4: {  	[tilespmem:s7], [sflag:$0x1] =	stream.indirect_vreg.gather [hbm4b:s1+s3], $0x80, v9, vm2, $0xb8;
	[tilespmem:$0x18480] =	vst v63  }
0x6b5: {  	v9 =	vld [tilespmem:$0x430];
	_ =	sdelay $0x4  }
0x6b6: {  	v10 =	vshll.u32 v9, $0x3  }
0x6b7: {  	v9 =	vand.u32 $0x7, v9;
	v10 =	vand.u32 $0xFFFFFFC0, v10  }
0x6b8: {  	v9 =	vor.u32 v9, v10  }
0x6b9: {  	v10 =	vperm.xlane v9, v6;
	_ =	sdelay $0x1  }
0x6ba: {  	v10 =	vadd.s32 v7, v10;
	_ =	sdelay $0x3  }
0x6bb: {  	s10 =	simm.s32 $0x4480  }
0x6bc: {  	[tilespmem:s10], [sflag:$0x1] =	stream.indirect_vreg.gather [hbm4b:s2+s3], $0x80, v10, vm2, $0xb8;
	[tilespmem:$0x18480] =	vst v63  }
0x6bd: {  	s11 =	simm.s32 $0x4C80;
	v9 =	vperm.xlane v9, v8  }
0x6be: {  	[tilespmem:s11], [sflag:$0x1] =	stream.indirect_vreg.gather [hbm4b:s30+s3], $0x80, v10, vm2, $0xb8;
	[tilespmem:$0x18480] =	vst v63  }
0x6bf: {  	s12 =	simm.s32 $0x5480;
	v9 =	vadd.s32 v7, v9  }
0x6c0: {  	[tilespmem:s12], [sflag:$0x1] =	stream.indirect_vreg.gather [hbm4b:s31+s3], $0x80, v10, vm2, $0xb8;
	[tilespmem:$0x18480] =	vst v63  }
0x6c1: {  	s14 =	simm.s32 $0x5C80  }
0x6c2: {  	[tilespmem:s14], [sflag:$0x1] =	stream.indirect_vreg.gather [hbm4b:s1+s3], $0x80, v10, vm2, $0xb8;
	[tilespmem:$0x18480] =	vst v63  }
0x6c3: {  	s15 =	simm.s32 $0x6480  }
0x6c4: {  	[tilespmem:s15], [sflag:$0x1] =	stream.indirect_vreg.gather [hbm4b:s2+s3], $0x80, v9, vm2, $0xb8;
	[tilespmem:$0x18480] =	vst v63  }
0x6c5: {  	s16 =	simm.s32 $0x6C80  }
0x6c6: {  	[tilespmem:s16], [sflag:$0x1] =	stream.indirect_vreg.gather [hbm4b:s30+s3], $0x80, v9, vm2, $0xb8;
	[tilespmem:$0x18480] =	vst v63  }
0x6c7: {  	s17 =	simm.s32 $0x7480  }
0x6c8: {  	[tilespmem:s17], [sflag:$0x1] =	stream.indirect_vreg.gather [hbm4b:s31+s3], $0x80, v9, vm2, $0xb8;
	[tilespmem:$0x18480] =	vst v63  }
0x6c9: {  	s15 =	simm.s32 $0x7C80  }
0x6ca: {  	[tilespmem:s15], [sflag:$0x1] =	stream.indirect_vreg.gather [hbm4b:s1+s3], $0x80, v9, vm2, $0xb8;
	[tilespmem:$0x18480] =	vst v63  }
0x6cb: {  	v9 =	vld [tilespmem:$0x440];
	_ =	sdelay $0x4  }
0x6cc: {  	v10 =	vshll.u32 v9, $0x3  }
0x6cd: {  	v9 =	vand.u32 $0x7, v9;
	v10 =	vand.u32 $0xFFFFFFC0, v10  }
0x6ce: {  	v9 =	vor.u32 v9, v10  }
0x6cf: {  	v10 =	vperm.xlane v9, v6;
	_ =	sdelay $0x1  }
0x6d0: {  	v10 =	vadd.s32 v7, v10;
	_ =	sdelay $0x3  }
0x6d1: {  	s16 =	simm.s32 $0x8480  }
0x6d2: {  	[tilespmem:s16], [sflag:$0x1] =	stream.indirect_vreg.gather [hbm4b:s2+s3], $0x80, v10, vm2, $0xb8;
	[tilespmem:$0x18480] =	vst v63  }
0x6d3: {  	s17 =	simm.s32 $0x8C80;
	v9 =	vperm.xlane v9, v8  }
0x6d4: {  	[tilespmem:s17], [sflag:$0x1] =	stream.indirect_vreg.gather [hbm4b:s30+s3], $0x80, v10, vm2, $0xb8;
	[tilespmem:$0x18480] =	vst v63  }
0x6d5: {  	s18 =	simm.s32 $0x9480;
	v9 =	vadd.s32 v7, v9  }
0x6d6: {  	[tilespmem:s18], [sflag:$0x1] =	stream.indirect_vreg.gather [hbm4b:s31+s3], $0x80, v10, vm2, $0xb8;
	[tilespmem:$0x18480] =	vst v63  }
0x6d7: {  	s19 =	simm.s32 $0x9C80  }
0x6d8: {  	[tilespmem:s19], [sflag:$0x1] =	stream.indirect_vreg.gather [hbm4b:s1+s3], $0x80, v10, vm2, $0xb8;
	[tilespmem:$0x18480] =	vst v63  }
0x6d9: {  	s20 =	simm.s32 $0xA480  }
0x6da: {  	[tilespmem:s20], [sflag:$0x1] =	stream.indirect_vreg.gather [hbm4b:s2+s3], $0x80, v9, vm2, $0xb8;
	[tilespmem:$0x18480] =	vst v63  }
0x6db: {  	s21 =	simm.s32 $0xAC80  }
0x6dc: {  	[tilespmem:s21], [sflag:$0x1] =	stream.indirect_vreg.gather [hbm4b:s30+s3], $0x80, v9, vm2, $0xb8;
	[tilespmem:$0x18480] =	vst v63  }
0x6dd: {  	s25 =	simm.s32 $0xB480  }
0x6de: {  	[tilespmem:s25], [sflag:$0x1] =	stream.indirect_vreg.gather [hbm4b:s31+s3], $0x80, v9, vm2, $0xb8;
	[tilespmem:$0x18480] =	vst v63  }
0x6df: {  	s20 =	simm.s32 $0xBC80  }
0x6e0: {  	[tilespmem:s20], [sflag:$0x1] =	stream.indirect_vreg.gather [hbm4b:s1+s3], $0x80, v9, vm2, $0xb8;
	[tilespmem:$0x18480] =	vst v63  }
0x6e1: {  	_ =	swait.ge [sflag:s8], $0xC000  }
0x6e2: {  	[sflag:s8] =	ssyncset.done $0x0  }
0x6e3: {  	s21 =	rddreg [dreg:$0x19];
	[sflag:s8] =	ssyncadd.s32 $0xFFFF4000  }
0x6e4: {  	[hbm4b:s21+s3] =	stream.linear.scatter [tilespmem:s23], [sflag:$0x4], $0xC000, $0x38;
	[tilespmem:$0x18480] =	vst v63  }
0x6e5: {  	_ =	swait.ge [sflag:s9], $0xC000  }
0x6e6: {  	[sflag:s9] =	ssyncset.done $0x0  }
0x6e7: {  	[sflag:s9] =	ssyncadd.s32 $0xFFFF4000  }
0x6e8: {  	v9 =	vld [tilespmem:$0x450];
	_ =	sdelay $0x4  }
0x6e9: {  	v10 =	vshll.u32 v9, $0x3  }
0x6ea: {  	v9 =	vand.u32 $0x7, v9;
	v10 =	vand.u32 $0xFFFFFFC0, v10  }
0x6eb: {  	v9 =	vor.u32 v9, v10  }
0x6ec: {  	v10 =	vperm.xlane v9, v6;
	_ =	sdelay $0x1  }
0x6ed: {  	v10 =	vadd.s32 v7, v10;
	_ =	sdelay $0x4  }
0x6ee: {  	[tilespmem:s23], [sflag:$0x2] =	stream.indirect_vreg.gather [hbm4b:s2+s3], $0x80, v10, vm2, $0xb8;
	[tilespmem:$0x18480] =	vst v63  }
0x6ef: {  	s25 =	simm.s32 $0xCC80;
	v9 =	vperm.xlane v9, v8  }
0x6f0: {  	[tilespmem:s25], [sflag:$0x2] =	stream.indirect_vreg.gather [hbm4b:s30+s3], $0x80, v10, vm2, $0xb8;
	[tilespmem:$0x18480] =	vst v63  }
0x6f1: {  	s26 =	simm.s32 $0xD480;
	v9 =	vadd.s32 v7, v9  }
0x6f2: {  	[tilespmem:s26], [sflag:$0x2] =	stream.indirect_vreg.gather [hbm4b:s31+s3], $0x80, v10, vm2, $0xb8;
	[tilespmem:$0x18480] =	vst v63  }
0x6f3: {  	s28 =	simm.s32 $0xDC80  }
0x6f4: {  	[tilespmem:s28], [sflag:$0x2] =	stream.indirect_vreg.gather [hbm4b:s1+s3], $0x80, v10, vm2, $0xb8;
	[tilespmem:$0x18480] =	vst v63  }
0x6f5: {  	s13 =	simm.s32 $0xE480  }
0x6f6: {  	[tilespmem:s13], [sflag:$0x2] =	stream.indirect_vreg.gather [hbm4b:s2+s3], $0x80, v9, vm2, $0xb8;
	[tilespmem:$0x18480] =	vst v63  }
0x6f7: {  	s29 =	simm.s32 $0xEC80  }
0x6f8: {  	[tilespmem:s29], [sflag:$0x2] =	stream.indirect_vreg.gather [hbm4b:s30+s3], $0x80, v9, vm2, $0xb8;
	[tilespmem:$0x18480] =	vst v63  }
0x6f9: {  	s26 =	simm.s32 $0xF480  }
0x6fa: {  	[tilespmem:s26], [sflag:$0x2] =	stream.indirect_vreg.gather [hbm4b:s31+s3], $0x80, v9, vm2, $0xb8;
	[tilespmem:$0x18480] =	vst v63  }
0x6fb: {  	s28 =	simm.s32 $0xFC80  }
0x6fc: {  	[tilespmem:s28], [sflag:$0x2] =	stream.indirect_vreg.gather [hbm4b:s1+s3], $0x80, v9, vm2, $0xb8;
	[tilespmem:$0x18480] =	vst v63  }
0x6fd: {  	v9 =	vld [tilespmem:$0x460];
	_ =	sdelay $0x4  }
0x6fe: {  	v10 =	vshll.u32 v9, $0x3  }
0x6ff: {  	v9 =	vand.u32 $0x7, v9;
	v10 =	vand.u32 $0xFFFFFFC0, v10  }
0x700: {  	v9 =	vor.u32 v9, v10  }
0x701: {  	v10 =	vperm.xlane v9, v6;
	_ =	sdelay $0x1  }
0x702: {  	v10 =	vadd.s32 v7, v10;
	_ =	sdelay $0x3  }
0x703: {  	s29 =	simm.s32 $0x10480  }
0x704: {  	[tilespmem:s29], [sflag:$0x2] =	stream.indirect_vreg.gather [hbm4b:s2+s3], $0x80, v10, vm2, $0xb8;
	[tilespmem:$0x18480] =	vst v63  }
0x705: {  	s4 =	simm.s32 $0x10C80;
	v9 =	vperm.xlane v9, v8  }
0x706: {  	[tilespmem:s4], [sflag:$0x2] =	stream.indirect_vreg.gather [hbm4b:s30+s3], $0x80, v10, vm2, $0xb8;
	[tilespmem:$0x18480] =	vst v63  }
0x707: {  	s6 =	simm.s32 $0x11480;
	v9 =	vadd.s32 v7, v9  }
0x708: {  	[tilespmem:s6], [sflag:$0x2] =	stream.indirect_vreg.gather [hbm4b:s31+s3], $0x80, v10, vm2, $0xb8;
	[tilespmem:$0x18480] =	vst v63  }
0x709: {  	s7 =	simm.s32 $0x11C80  }
0x70a: {  	[tilespmem:s7], [sflag:$0x2] =	stream.indirect_vreg.gather [hbm4b:s1+s3], $0x80, v10, vm2, $0xb8;
	[tilespmem:$0x18480] =	vst v63  }
0x70b: {  	s10 =	simm.s32 $0x12480  }
0x70c: {  	[tilespmem:s10], [sflag:$0x2] =	stream.indirect_vreg.gather [hbm4b:s2+s3], $0x80, v9, vm2, $0xb8;
	[tilespmem:$0x18480] =	vst v63  }
0x70d: {  	s11 =	simm.s32 $0x12C80  }
0x70e: {  	[tilespmem:s11], [sflag:$0x2] =	stream.indirect_vreg.gather [hbm4b:s30+s3], $0x80, v9, vm2, $0xb8;
	[tilespmem:$0x18480] =	vst v63  }
0x70f: {  	s12 =	simm.s32 $0x13480  }
0x710: {  	[tilespmem:s12], [sflag:$0x2] =	stream.indirect_vreg.gather [hbm4b:s31+s3], $0x80, v9, vm2, $0xb8;
	[tilespmem:$0x18480] =	vst v63  }
0x711: {  	s13 =	simm.s32 $0x13C80  }
0x712: {  	[tilespmem:s13], [sflag:$0x2] =	stream.indirect_vreg.gather [hbm4b:s1+s3], $0x80, v9, vm2, $0xb8;
	[tilespmem:$0x18480] =	vst v63  }
0x713: {  	v9 =	vld [tilespmem:$0x470];
	_ =	sdelay $0x4  }
0x714: {  	v10 =	vshll.u32 v9, $0x3  }
0x715: {  	v9 =	vand.u32 $0x7, v9;
	v10 =	vand.u32 $0xFFFFFFC0, v10  }
0x716: {  	v9 =	vor.u32 v9, v10  }
0x717: {  	v10 =	vperm.xlane v9, v6;
	_ =	sdelay $0x1  }
0x718: {  	v10 =	vadd.s32 v7, v10;
	_ =	sdelay $0x3  }
0x719: {  	s14 =	simm.s32 $0x14480  }
0x71a: {  	[tilespmem:s14], [sflag:$0x2] =	stream.indirect_vreg.gather [hbm4b:s2+s3], $0x80, v10, vm2, $0xb8;
	[tilespmem:$0x18480] =	vst v63  }
0x71b: {  	s15 =	simm.s32 $0x14C80;
	v9 =	vperm.xlane v9, v8  }
0x71c: {  	[tilespmem:s15], [sflag:$0x2] =	stream.indirect_vreg.gather [hbm4b:s30+s3], $0x80, v10, vm2, $0xb8;
	[tilespmem:$0x18480] =	vst v63  }
0x71d: {  	s16 =	simm.s32 $0x15480;
	v9 =	vadd.s32 v7, v9  }
0x71e: {  	[tilespmem:s16], [sflag:$0x2] =	stream.indirect_vreg.gather [hbm4b:s31+s3], $0x80, v10, vm2, $0xb8;
	[tilespmem:$0x18480] =	vst v63  }
0x71f: {  	s17 =	simm.s32 $0x15C80  }
0x720: {  	[tilespmem:s17], [sflag:$0x2] =	stream.indirect_vreg.gather [hbm4b:s1+s3], $0x80, v10, vm2, $0xb8;
	[tilespmem:$0x18480] =	vst v63  }
0x721: {  	s18 =	simm.s32 $0x16480  }
0x722: {  	[tilespmem:s18], [sflag:$0x2] =	stream.indirect_vreg.gather [hbm4b:s2+s3], $0x80, v9, vm2, $0xb8;
	[tilespmem:$0x18480] =	vst v63  }
0x723: {  	s19 =	simm.s32 $0x16C80  }
0x724: {  	[tilespmem:s19], [sflag:$0x2] =	stream.indirect_vreg.gather [hbm4b:s30+s3], $0x80, v9, vm2, $0xb8;
	[tilespmem:$0x18480] =	vst v63  }
0x725: {  	s20 =	simm.s32 $0x17480  }
0x726: {  	[tilespmem:s20], [sflag:$0x2] =	stream.indirect_vreg.gather [hbm4b:s31+s3], $0x80, v9, vm2, $0xb8;
	[tilespmem:$0x18480] =	vst v63  }
0x727: {  	s21 =	simm.s32 $0x17C80  }
0x728: {  	[tilespmem:s21], [sflag:$0x2] =	stream.indirect_vreg.gather [hbm4b:s1+s3], $0x80, v9, vm2, $0xb8;
	[tilespmem:$0x18480] =	vst v63  }
0x729: {  	_ =	swait.ge [sflag:s5], $0xC000  }
0x72a: {  	[sflag:s5] =	ssyncset.done $0x0  }
0x72b: {  	s25 =	rddreg [dreg:$0x1a];
	[sflag:s5] =	ssyncadd.s32 $0xFFFF4000  }
0x72c: {  	[hbm4b:s25+s3] =	stream.linear.scatter [tilespmem:s24], [sflag:$0x3], $0xC000, $0x38;
	[tilespmem:$0x18480] =	vst v63  }
0x72d: {  	_ =	swait.ge [sflag:s8], $0xC000  }
0x72e: {  	[sflag:s8] =	ssyncset.done $0x0  }
0x72f: {  	s26 =	rddreg [dreg:$0x1b];
	[sflag:s8] =	ssyncadd.s32 $0xFFFF4000  }
0x730: {  	[hbm4b:s26+s3] =	stream.linear.scatter [tilespmem:s23], [sflag:$0x4], $0xC000, $0x38;
	[tilespmem:$0x18480] =	vst v63  }
0x731: {  	_ =	swait.ge [sflag:s22], $0xC000  }
0x732: {  	[sflag:s22] =	ssyncset.done $0x0  }
0x733: {  	[sflag:s22] =	ssyncadd.s32 $0xFFFF4000  }
0x734: {  	_ =	swait.ge [sflag:s9], $0xC000  }
0x735: {  	s28 =	rddreg [dreg:$0x1f]  }
0x736: {  	s29 =	rddreg [dreg:$0x1c];
	s0 =	sadd.s32 $0x1, s28  }
0x737: {  	p0 =	sne.s32 s0, s29  }
.Ltmp1:
0x738: {  	_ = 	snop;
	(pc) =	sbr.rel @p0 .LBB2_1-.Ltmp1, $3  }
0x739: {  	_ =	sdelay $0x1  }
0x73a: {  	[sflag:s9] =	ssyncset.done $0x0  }
0x73b: {  	[sflag:s9] =	ssyncadd.s32 $0xFFFF4000  }
0x73c: {  	_ =	sfence.sel $0x180000  }
0x73d: {  	[bflag:$0x0] =	sbarrier.arrive $0xFFFF  }
0x73e: {  	_ =	strace $0x90000047  }
0x73f: {  	s0 =	stileid.u32;
	[bflag:$0x2] =	sbarrier.arrive $0xFFFF  }
0x740: {  	p0 =	sne.s32 s0, $0x0;
	s0 =	rddreg [dreg:$0x3]  }
0x741: {  	s0 =	sadd.s32 @!p0 $0x100000, s0  }
0x742: {  	[sflag:s0] =	ssyncadd.tile.s32 @!p0 $0x1;
	_ =	shalt  }
.Lfunc_end2:
_tile_overlayer_lowered:
.L_overlay_start_2:
0x743: {  	(tag) =	ssettag $0x2  }
0x744: {  	s0 =	rddreg [dreg:$0x0];
	s2 =	stileid.u32  }
0x745: {  	s1 =	rddreg [dreg:$0x1];
	p0 =	sne.s32 s2, $0x0  }
0x746: {  	s3 =	rddreg [dreg:$0x2];
	[bflag:$0x3] =	sbarrier.arrive $0xFFFF;
	s2 =	simm.s32 @!p0 $0x1C05  }
0x747: {  	[timem:s3], [sflag:s2] =	dma.local @!p0 [hbm:s0], s1  }
0x748: {  	s0 =	simm.s32 @!p0 $0x5  }
0x749: {  	_ =	swait.ge @!p0 [sflag:s0], s1  }
0x74a: {  	s1 =	ssub.s32 @!p0 $0x0, s1;
	[sflag:s0] =	ssyncset.done @!p0 $0x0  }
0x74b: {  	[sflag:s0] =	ssyncadd.s32 @!p0 s1  }
0x74c: {  	[bflag:$0x3] =	sbarrier.arrive $0xFFFF  }
0x74d: {  	_ =	shalt  }

</sc_bundles>
